<compile_context>
chip_gen: v7x
topology: tpu7x:2x2x1
jax: 0.10.2.dev20260603
libtpu: 0.0.44.dev20260713+nightly
codegen_flags: <defaults>
</compile_context>

<pallas_src>
import dataclasses

import jax
import jax.numpy as jnp
from jax import lax
from jax.experimental import pallas as pl
from jax.experimental.pallas import tpu as pltpu
from jax.experimental.pallas import tpu_sc as plsc

N = 10000
E = 320000
D_IN = 128
D_H = 128
D_OUT = 64
K = 10
ALPHA = 0.1

HALF = D_OUT // 2
NSUB = 16
NP = 10240
SROWS = NP // NSUB
CHUNK = 128
NRC = SROWS // CHUNK
EPS = E // NSUB
NCH = 158
EPAD = NCH * CHUNK - EPS
DUMP0 = 10200


def _mlp_body(feats_ref, w1_ref, b1_ref, w2_ref, b2_ref, h1_ref, h0s_ref):
    x = feats_ref[...]
    h = jnp.dot(x, w1_ref[...], preferred_element_type=jnp.float32) + b1_ref[...]
    h1_ref[...] = h
    h2 = (jnp.dot(jnp.maximum(h, 0.0), w2_ref[...],
                  preferred_element_type=jnp.float32) + b2_ref[...])
    h0s_ref[0, :, :] = h2[:, :HALF]
    h0s_ref[1, :, :] = h2[:, HALF:]


def _mlp(feats, w1, b1, w2, b2):
    blk = 1000
    grid = (N // blk,)
    return pl.pallas_call(
        _mlp_body,
        grid=grid,
        in_specs=[
            pl.BlockSpec((blk, D_IN), lambda i: (i, 0)),
            pl.BlockSpec((D_IN, D_H), lambda i: (0, 0)),
            pl.BlockSpec((1, D_H), lambda i: (0, 0)),
            pl.BlockSpec((D_H, D_OUT), lambda i: (0, 0)),
            pl.BlockSpec((1, D_OUT), lambda i: (0, 0)),
        ],
        out_specs=[
            pl.BlockSpec((blk, D_H), lambda i: (i, 0)),
            pl.BlockSpec((2, blk, HALF), lambda i: (0, i, 0)),
        ],
        out_shape=[
            jax.ShapeDtypeStruct((N, D_H), jnp.float32),
            jax.ShapeDtypeStruct((2, NP, HALF), jnp.float32),
        ],
    )(feats, w1, b1.reshape(1, D_H), w2, b2.reshape(1, D_OUT))


def _rsqrt16(dc):
    i = plsc.bitcast(dc, jnp.int32)
    i = jnp.int32(0x5F3759DF) - (i >> 1)
    y = plsc.bitcast(i, jnp.float32)
    for _ in range(3):
        y = y * (1.5 - 0.5 * dc * y * y)
    return y


def _appnp_body(src_hbm, dst_hbm, f0s_hbm, out_hbm,
                p_sp, acc_sp,
                srcx, dstx, gbuf, gbuf2, zbuf, abuf, pbuf, dbuf, cvec,
                sg0, sg1, ss0, ss1, sz, sp0, sp1):
    c = lax.axis_index("c")
    s = lax.axis_index("s")
    nb = s * SROWS
    zero16 = jnp.zeros((16,), jnp.float32)
    one16 = jnp.full((16,), 1.0, jnp.float32)

    def zero_acc(r0):
        pltpu.sync_copy(zbuf, acc_sp.at[pl.ds(r0, 64)])
        pltpu.sync_copy(zbuf, acc_sp.at[pl.ds(r0 + 64, 64)])

    def zero_acc_async(r0):
        pltpu.async_copy(zbuf, acc_sp.at[pl.ds(r0, 64)], sz)
        pltpu.async_copy(zbuf, acc_sp.at[pl.ds(r0 + 64, 64)], sz)

    def drain_zeros():
        @pl.loop(0, 2 * NRC)
        def _(_i):
            pltpu.make_async_copy(zbuf, acc_sp.at[pl.ds(nb, 64)], sz).wait()

    def wait_gather(buf, sem):
        pltpu.make_async_copy(p_sp.at[srcx.at[0]], buf, sem).wait()

    def wait_scatter(buf, sem):
        pltpu.make_async_copy(buf, acc_sp.at[dstx.at[0]], sem).wait()

    pltpu.sync_copy(src_hbm.at[s], srcx)
    pltpu.sync_copy(dst_hbm.at[s], dstx)

    @pl.loop(0, 64)
    def _(i):
        zbuf[i, pl.ds(0, 16)] = zero16
        zbuf[i, pl.ds(16, 16)] = zero16

    @pl.loop(0, CHUNK)
    def _(i):
        pbuf[i, pl.ds(0, 16)] = one16
        pbuf[i, pl.ds(16, 16)] = one16

    @pl.loop(0, NRC)
    def _(k):
        zero_acc(nb + k * CHUNK)

    plsc.subcore_barrier()

    @pl.loop(0, NCH)
    def _(j):
        pltpu.async_copy(pbuf, acc_sp.at[dstx.at[j]], ss0, add=True)

    @pl.loop(0, NCH)
    def _(j):
        wait_scatter(pbuf, ss0)

    plsc.subcore_barrier()

    @pl.loop(0, NRC)
    def _(k):
        r0 = nb + k * CHUNK
        v0 = k * CHUNK
        pltpu.sync_copy(acc_sp.at[pl.ds(r0, CHUNK)], abuf)
        zero_acc(r0)
        pltpu.sync_copy(f0s_hbm.at[c, pl.ds(r0, CHUNK)], gbuf)

        @pl.loop(0, CHUNK)
        def _(i):
            dc = jnp.maximum(abuf[i, pl.ds(0, 16)], 1.0)
            dbuf[v0 + i, :] = dc
            y = _rsqrt16(dc)
            pa = y * gbuf[i, pl.ds(0, 16)]
            pb = y * gbuf[i, pl.ds(16, 16)]
            pbuf[i, pl.ds(0, 16)] = pa
            pbuf[i, pl.ds(16, 16)] = pb
            cvec[v0 + i, pl.ds(0, 16)] = ALPHA * pa
            cvec[v0 + i, pl.ds(16, 16)] = ALPHA * pb

        pltpu.sync_copy(pbuf, p_sp.at[pl.ds(r0, CHUNK)])

    plsc.subcore_barrier()

    @pl.loop(0, K)
    def _(t):
        pltpu.async_copy(p_sp.at[srcx.at[0]], gbuf, sg0)

        @pl.loop(0, NCH, step=2)
        def _(j):
            wait_gather(gbuf, sg0)
            pltpu.async_copy(gbuf, acc_sp.at[dstx.at[j]], ss0, add=True)

            @pl.when(j > 0)
            def _():
                wait_scatter(gbuf2, ss1)

            pltpu.async_copy(p_sp.at[srcx.at[j + 1]], gbuf2, sg1)
            wait_gather(gbuf2, sg1)
            pltpu.async_copy(gbuf2, acc_sp.at[dstx.at[j + 1]], ss1, add=True)
            wait_scatter(gbuf, ss0)

            @pl.when(j + 2 < NCH)
            def _():
                pltpu.async_copy(p_sp.at[srcx.at[j + 2]], gbuf, sg0)

        wait_scatter(gbuf2, ss1)
        plsc.subcore_barrier()

        for k in range(NRC):
            r0 = nb + k * CHUNK
            v0 = k * CHUNK
            ob, spk = (pbuf, sp0) if k % 2 == 0 else (gbuf, sp1)
            pltpu.sync_copy(acc_sp.at[pl.ds(r0, CHUNK)], abuf)
            zero_acc_async(r0)
            if k >= 2:
                pltpu.make_async_copy(ob, p_sp.at[pl.ds(nb, CHUNK)],
                                      spk).wait()

            @pl.when(t < K - 1)
            def _(ob=ob, spk=spk, r0=r0, v0=v0):
                @pl.loop(0, CHUNK)
                def _(i):
                    a = (1.0 - ALPHA) / dbuf[v0 + i, :]
                    ob[i, pl.ds(0, 16)] = (a * abuf[i, pl.ds(0, 16)]
                                           + cvec[v0 + i, pl.ds(0, 16)])
                    ob[i, pl.ds(16, 16)] = (a * abuf[i, pl.ds(16, 16)]
                                            + cvec[v0 + i, pl.ds(16, 16)])

                pltpu.async_copy(ob, p_sp.at[pl.ds(r0, CHUNK)], spk)

            @pl.when(t == K - 1)
            def _(ob=ob, spk=spk, r0=r0, v0=v0):
                @pl.loop(0, CHUNK)
                def _(i):
                    dc = dbuf[v0 + i, :]
                    y = _rsqrt16(dc)
                    sq = dc * y
                    ay = (1.0 - ALPHA) * y
                    ob[i, pl.ds(0, 16)] = (
                        ay * abuf[i, pl.ds(0, 16)]
                        + cvec[v0 + i, pl.ds(0, 16)] * sq)
                    ob[i, pl.ds(16, 16)] = (
                        ay * abuf[i, pl.ds(16, 16)]
                        + cvec[v0 + i, pl.ds(16, 16)] * sq)

                pltpu.async_copy(ob, out_hbm.at[c, pl.ds(r0, CHUNK)], spk)

        pltpu.make_async_copy(gbuf, p_sp.at[pl.ds(nb, CHUNK)], sp1).wait()
        pltpu.make_async_copy(pbuf, p_sp.at[pl.ds(nb, CHUNK)], sp0).wait()
        drain_zeros()
        plsc.subcore_barrier()


_sc_params = pltpu.CompilerParams()
if "needs_layout_passes" in pltpu.CompilerParams.__dataclass_fields__:
    _sc_params = dataclasses.replace(_sc_params, needs_layout_passes=False)
if "use_tc_tiling_on_sc" in pltpu.CompilerParams.__dataclass_fields__:
    _sc_params = dataclasses.replace(_sc_params, use_tc_tiling_on_sc=False)

_appnp = pl.kernel(
    _appnp_body,
    out_type=jax.ShapeDtypeStruct((2, NP, HALF), jnp.float32),
    mesh=plsc.VectorSubcoreMesh(core_axis_name="c", subcore_axis_name="s"),
    compiler_params=_sc_params,
    scratch_types=[
        pltpu.VMEM_SHARED((NP, HALF), jnp.float32),
        pltpu.VMEM_SHARED((NP, HALF), jnp.float32),
        pltpu.VMEM((NCH, CHUNK), jnp.int32),
        pltpu.VMEM((NCH, CHUNK), jnp.int32),
        pltpu.VMEM((CHUNK, HALF), jnp.float32),
        pltpu.VMEM((CHUNK, HALF), jnp.float32),
        pltpu.VMEM((64, HALF), jnp.float32),
        pltpu.VMEM((CHUNK, HALF), jnp.float32),
        pltpu.VMEM((CHUNK, HALF), jnp.float32),
        pltpu.VMEM((SROWS, 16), jnp.float32),
        pltpu.VMEM((SROWS, HALF), jnp.float32),
        pltpu.SemaphoreType.DMA,
        pltpu.SemaphoreType.DMA,
        pltpu.SemaphoreType.DMA,
        pltpu.SemaphoreType.DMA,
        pltpu.SemaphoreType.DMA,
        pltpu.SemaphoreType.DMA,
        pltpu.SemaphoreType.DMA,
    ],
)


def kernel(feats, edge_index, W1, b1, W2, b2):
    src = edge_index[0].reshape(NSUB, EPS)
    dst = edge_index[1].reshape(NSUB, EPS)
    pad_src = jnp.zeros((NSUB, EPAD), jnp.int32)
    pad_dst = jnp.broadcast_to(
        DUMP0 + jnp.arange(NSUB, dtype=jnp.int32)[:, None], (NSUB, EPAD))
    src = jnp.concatenate([src, pad_src], axis=1).reshape(NSUB, NCH, CHUNK)
    dst = jnp.concatenate([dst, pad_dst], axis=1).reshape(NSUB, NCH, CHUNK)

    h1, h0s = _mlp(feats, W1, b1, W2, b2)
    out = _appnp(src, dst, h0s)
    feat = jnp.concatenate([out[0, :N], out[1, :N]], axis=1)
    return (h1, feat)

# --- scband reference (transcript-rebuilt; emitter-appended) ---
"""Pipeline reference for scband-appnp-56556129354474 (READ-ONLY COPY).

The authoritative reference and input builder live on the scoring server;
editing this copy changes nothing except your own understanding.
"""

import jax, jax.numpy as jnp
import numpy as np

N = 10000
E = 320000
D_IN = 128
D_H = 128
D_OUT = 64
K = 10
ALPHA = 0.1


def setup_inputs(seed: int = 0) -> dict:
    key = jax.random.key(seed)
    k1, k2, k3, k4 = jax.random.split(key, 4)
    feats = jax.random.normal(k1, (N, D_IN), dtype=jnp.float32)
    edge_index = jax.random.randint(k2, (2, E), 0, N, dtype=jnp.int32)
    # Linear layer params (Kaiming-uniform-ish init like nn.Linear.reset_parameters)
    bound1 = 1.0 / np.sqrt(D_IN)
    W1 = jax.random.uniform(k3, (D_IN, D_H), minval=-bound1, maxval=bound1, dtype=jnp.float32)
    b1 = jnp.zeros((D_H,), dtype=jnp.float32)
    bound2 = 1.0 / np.sqrt(D_H)
    W2 = jax.random.uniform(k4, (D_H, D_OUT), minval=-bound2, maxval=bound2, dtype=jnp.float32)
    b2 = jnp.zeros((D_OUT,), dtype=jnp.float32)
    return {"feats": feats, "edge_index": edge_index, "W1": W1, "b1": b1, "W2": W2, "b2": b2}


def reference(feats, edge_index, W1, b1, W2, b2):
    # MLP part (eval mode: dropout = identity, norm_type='none')
    h = feats @ W1 + b1
    h1 = h  # h_list entry (pre-activation hidden, appended before norm/act)
    h = jax.nn.relu(h)
    h = h @ W2 + b2
    # APPNPConv propagation (DGL semantics): symmetric norm from in-degrees,
    # edge_drop is inactive in eval mode (edge weights = 1).
    src = edge_index[0]
    dst = edge_index[1]
    deg_in = jax.ops.segment_sum(jnp.ones((E,), dtype=jnp.float32), dst, num_segments=N)
    norm = jnp.power(jnp.clip(deg_in, 1.0, None), -0.5)[:, None]
    feat_0 = h
    feat = h
    for _ in range(K):
        feat = feat * norm
        msgs = jnp.take(feat, src, axis=0)
        feat = jax.ops.segment_sum(msgs, dst, num_segments=N)
        feat = feat * norm
        feat = (1.0 - ALPHA) * feat + ALPHA * feat_0
    return (h1, feat)

if __name__ == "__main__":
    import jax
    _d = setup_inputs()
    print(jax.jit(kernel)(*tuple(_d.values())))

</pallas_src>

<mosaic_0001>
#map = affine_map<(d0, d1) -> (0, 0, 0)>
module attributes {stable_mosaic.version = 14 : i64} {
  func.func @_appnp_body(%arg0: i32, %arg1: i32, %arg2: memref<16x158x128xi32, #tpu.memory_space<hbm>>, %arg3: memref<16x158x128xi32, #tpu.memory_space<hbm>>, %arg4: memref<2x10240x32xf32, #tpu.memory_space<hbm>>, %arg5: memref<2x10240x32xf32, #tpu.memory_space<hbm>>, %arg6: memref<10240x32xf32, #tpu.memory_space<vmem_shared>>, %arg7: memref<10240x32xf32, #tpu.memory_space<vmem_shared>>, %arg8: memref<158x128xi32, #tpu.memory_space<vmem>>, %arg9: memref<158x128xi32, #tpu.memory_space<vmem>>, %arg10: memref<128x32xf32, #tpu.memory_space<vmem>>, %arg11: memref<128x32xf32, #tpu.memory_space<vmem>>, %arg12: memref<64x32xf32, #tpu.memory_space<vmem>>, %arg13: memref<128x32xf32, #tpu.memory_space<vmem>>, %arg14: memref<128x32xf32, #tpu.memory_space<vmem>>, %arg15: memref<640x16xf32, #tpu.memory_space<vmem>>, %arg16: memref<640x32xf32, #tpu.memory_space<vmem>>, %arg17: memref<!tpu.dma_semaphore, #tpu.memory_space<semaphore_mem>>, %arg18: memref<!tpu.dma_semaphore, #tpu.memory_space<semaphore_mem>>, %arg19: memref<!tpu.dma_semaphore, #tpu.memory_space<semaphore_mem>>, %arg20: memref<!tpu.dma_semaphore, #tpu.memory_space<semaphore_mem>>, %arg21: memref<!tpu.dma_semaphore, #tpu.memory_space<semaphore_mem>>, %arg22: memref<!tpu.dma_semaphore, #tpu.memory_space<semaphore_mem>>, %arg23: memref<!tpu.dma_semaphore, #tpu.memory_space<semaphore_mem>>) attributes {dimension_semantics = [#tpu.dimension_semantics<core_parallel>, #tpu.dimension_semantics<subcore_parallel>], iteration_bounds = array<i64: 2, 16>, scalar_prefetch = 0 : i64, scratch_operands = 18 : i64, tpu.core_type = #tpu.core_type<sc_vector_subcore>, window_params = [{transform_indices = #map}, {transform_indices = #map}, {transform_indices = #map}, {transform_indices = #map}]} {
    %mul3A = arith.constant 640 : i32
    %mul3A_0 = arith.muli %arg1, %mul3A : i32
    %broadcast_in_dim3A = arith.constant 0.000000e+00 : f32
    %broadcast_in_dim3A_1 = vector.broadcast %broadcast_in_dim3A : f32 to vector<16xf32>
    %broadcast_in_dim3A_2 = arith.constant 1.000000e+00 : f32
    %broadcast_in_dim3A_3 = vector.broadcast %broadcast_in_dim3A_2 : f32 to vector<16xf32>
    "tpu.region"() ({
      %run_scoped3A = tpu.sem_alloc : memref<!tpu.dma_semaphore, #tpu.memory_space<semaphore_mem>>
      %dma_start3A = arith.constant 0 : i32
      %dma_start3A_40 = arith.constant 0 : i32
      %dma_start3A_41 = tpu.memref_slice %arg2[%arg1, %dma_start3A, %dma_start3A_40] : memref<16x158x128xi32, #tpu.memory_space<hbm>> -> memref<1x158x128xi32, #tpu.memory_space<hbm>>
      %dma_start3A_42 = tpu.memref_squeeze %dma_start3A_41 : memref<1x158x128xi32, #tpu.memory_space<hbm>> -> memref<158x128xi32, #tpu.memory_space<hbm>>
      %dma_start3A_43 = arith.constant 0 : i32
      %dma_start3A_44 = arith.constant 0 : i32
      %dma_start3A_45 = tpu.memref_slice %arg2[%arg1, %dma_start3A_43, %dma_start3A_44] : memref<16x158x128xi32, #tpu.memory_space<hbm>> -> memref<1x158x128xi32, #tpu.memory_space<hbm>>
      %dma_start3A_46 = tpu.memref_squeeze %dma_start3A_45 : memref<1x158x128xi32, #tpu.memory_space<hbm>> -> memref<158x128xi32, #tpu.memory_space<hbm>>
      tpu.enqueue_dma source(%dma_start3A_46 : memref<158x128xi32, #tpu.memory_space<hbm>>) target(%arg8 : memref<158x128xi32, #tpu.memory_space<vmem>>) target_semaphore(%run_scoped3A : memref<!tpu.dma_semaphore, #tpu.memory_space<semaphore_mem>>)
      %dma_wait3A = arith.constant 0 : i32
      %dma_wait3A_47 = arith.constant 0 : i32
      %dma_wait3A_48 = tpu.memref_slice %arg2[%arg1, %dma_wait3A, %dma_wait3A_47] : memref<16x158x128xi32, #tpu.memory_space<hbm>> -> memref<1x158x128xi32, #tpu.memory_space<hbm>>
      %dma_wait3A_49 = tpu.memref_squeeze %dma_wait3A_48 : memref<1x158x128xi32, #tpu.memory_space<hbm>> -> memref<158x128xi32, #tpu.memory_space<hbm>>
      %dma_wait3A_50 = arith.constant 0 : i32
      %dma_wait3A_51 = arith.constant 0 : i32
      %dma_wait3A_52 = tpu.memref_slice %arg2[%arg1, %dma_wait3A_50, %dma_wait3A_51] : memref<16x158x128xi32, #tpu.memory_space<hbm>> -> memref<1x158x128xi32, #tpu.memory_space<hbm>>
      %dma_wait3A_53 = tpu.memref_squeeze %dma_wait3A_52 : memref<1x158x128xi32, #tpu.memory_space<hbm>> -> memref<158x128xi32, #tpu.memory_space<hbm>>
      tpu.wait_dma2 semaphore(%run_scoped3A : memref<!tpu.dma_semaphore, #tpu.memory_space<semaphore_mem>>) src(%dma_wait3A_53 : memref<158x128xi32, #tpu.memory_space<hbm>>) dst(%arg8 : memref<158x128xi32, #tpu.memory_space<vmem>>)
      tpu.yield
    }) : () -> ()
    "tpu.region"() ({
      %run_scoped3A = tpu.sem_alloc : memref<!tpu.dma_semaphore, #tpu.memory_space<semaphore_mem>>
      %dma_start3A = arith.constant 0 : i32
      %dma_start3A_40 = arith.constant 0 : i32
      %dma_start3A_41 = tpu.memref_slice %arg3[%arg1, %dma_start3A, %dma_start3A_40] : memref<16x158x128xi32, #tpu.memory_space<hbm>> -> memref<1x158x128xi32, #tpu.memory_space<hbm>>
      %dma_start3A_42 = tpu.memref_squeeze %dma_start3A_41 : memref<1x158x128xi32, #tpu.memory_space<hbm>> -> memref<158x128xi32, #tpu.memory_space<hbm>>
      %dma_start3A_43 = arith.constant 0 : i32
      %dma_start3A_44 = arith.constant 0 : i32
      %dma_start3A_45 = tpu.memref_slice %arg3[%arg1, %dma_start3A_43, %dma_start3A_44] : memref<16x158x128xi32, #tpu.memory_space<hbm>> -> memref<1x158x128xi32, #tpu.memory_space<hbm>>
      %dma_start3A_46 = tpu.memref_squeeze %dma_start3A_45 : memref<1x158x128xi32, #tpu.memory_space<hbm>> -> memref<158x128xi32, #tpu.memory_space<hbm>>
      tpu.enqueue_dma source(%dma_start3A_46 : memref<158x128xi32, #tpu.memory_space<hbm>>) target(%arg9 : memref<158x128xi32, #tpu.memory_space<vmem>>) target_semaphore(%run_scoped3A : memref<!tpu.dma_semaphore, #tpu.memory_space<semaphore_mem>>)
      %dma_wait3A = arith.constant 0 : i32
      %dma_wait3A_47 = arith.constant 0 : i32
      %dma_wait3A_48 = tpu.memref_slice %arg3[%arg1, %dma_wait3A, %dma_wait3A_47] : memref<16x158x128xi32, #tpu.memory_space<hbm>> -> memref<1x158x128xi32, #tpu.memory_space<hbm>>
      %dma_wait3A_49 = tpu.memref_squeeze %dma_wait3A_48 : memref<1x158x128xi32, #tpu.memory_space<hbm>> -> memref<158x128xi32, #tpu.memory_space<hbm>>
      %dma_wait3A_50 = arith.constant 0 : i32
      %dma_wait3A_51 = arith.constant 0 : i32
      %dma_wait3A_52 = tpu.memref_slice %arg3[%arg1, %dma_wait3A_50, %dma_wait3A_51] : memref<16x158x128xi32, #tpu.memory_space<hbm>> -> memref<1x158x128xi32, #tpu.memory_space<hbm>>
      %dma_wait3A_53 = tpu.memref_squeeze %dma_wait3A_52 : memref<1x158x128xi32, #tpu.memory_space<hbm>> -> memref<158x128xi32, #tpu.memory_space<hbm>>
      tpu.wait_dma2 semaphore(%run_scoped3A : memref<!tpu.dma_semaphore, #tpu.memory_space<semaphore_mem>>) src(%dma_wait3A_53 : memref<158x128xi32, #tpu.memory_space<hbm>>) dst(%arg9 : memref<158x128xi32, #tpu.memory_space<vmem>>)
      tpu.yield
    }) : () -> ()
    %scan3A = arith.constant 0 : i32
    %scan3A_4 = arith.constant 64 : i32
    %scan3A_5 = arith.addi %scan3A, %scan3A_4 : i32
    %scan3A_6 = arith.constant 1 : i32
    scf.for %scan3A_40 = %scan3A to %scan3A_5 step %scan3A_6  : i32 {
      %mul3A_41 = arith.constant 1 : i32
      %mul3A_42 = arith.muli %scan3A_40, %mul3A_41 : i32
      %add3A = arith.constant 0 : i32
      %add3A_43 = arith.addi %add3A, %mul3A_42 : i32
      %swap3A = arith.index_cast %add3A_43 : i32 to index
      %swap3A_44 = arith.constant 0 : index
      %swap3A_45 = tpu.vector_load %arg12[%swap3A, %swap3A_44] {strides = array<i32>} : memref<64x32xf32, #tpu.memory_space<vmem>>, vector<16xf32>,
      tpu.vector_store %arg12[%swap3A, %swap3A_44], %broadcast_in_dim3A_1 {strides = array<i32>} : memref<64x32xf32, #tpu.memory_space<vmem>>, vector<16xf32>,
      %swap3A_46 = arith.index_cast %add3A_43 : i32 to index
      %swap3A_47 = arith.constant 16 : index
      %swap3A_48 = tpu.vector_load %arg12[%swap3A_46, %swap3A_47] {strides = array<i32>} : memref<64x32xf32, #tpu.memory_space<vmem>>, vector<16xf32>,
      tpu.vector_store %arg12[%swap3A_46, %swap3A_47], %broadcast_in_dim3A_1 {strides = array<i32>} : memref<64x32xf32, #tpu.memory_space<vmem>>, vector<16xf32>,
    }
    %scan3A_7 = arith.constant 64 : i32
    %scan3A_8 = arith.constant 0 : i32
    %scan3A_9 = arith.constant 128 : i32
    %scan3A_10 = arith.addi %scan3A_8, %scan3A_9 : i32
    %scan3A_11 = arith.constant 1 : i32
    scf.for %scan3A_40 = %scan3A_8 to %scan3A_10 step %scan3A_11  : i32 {
      %mul3A_41 = arith.constant 1 : i32
      %mul3A_42 = arith.muli %scan3A_40, %mul3A_41 : i32
      %add3A = arith.constant 0 : i32
      %add3A_43 = arith.addi %add3A, %mul3A_42 : i32
      %swap3A = arith.index_cast %add3A_43 : i32 to index
      %swap3A_44 = arith.constant 0 : index
      %swap3A_45 = tpu.vector_load %arg14[%swap3A, %swap3A_44] {strides = array<i32>} : memref<128x32xf32, #tpu.memory_space<vmem>>, vector<16xf32>,
      tpu.vector_store %arg14[%swap3A, %swap3A_44], %broadcast_in_dim3A_3 {strides = array<i32>} : memref<128x32xf32, #tpu.memory_space<vmem>>, vector<16xf32>,
      %swap3A_46 = arith.index_cast %add3A_43 : i32 to index
      %swap3A_47 = arith.constant 16 : index
      %swap3A_48 = tpu.vector_load %arg14[%swap3A_46, %swap3A_47] {strides = array<i32>} : memref<128x32xf32, #tpu.memory_space<vmem>>, vector<16xf32>,
      tpu.vector_store %arg14[%swap3A_46, %swap3A_47], %broadcast_in_dim3A_3 {strides = array<i32>} : memref<128x32xf32, #tpu.memory_space<vmem>>, vector<16xf32>,
    }
    %scan3A_12 = arith.constant 128 : i32
    %scan3A_13 = arith.constant 0 : i32
    %scan3A_14 = arith.constant 5 : i32
    %scan3A_15 = arith.addi %scan3A_13, %scan3A_14 : i32
    %scan3A_16 = arith.constant 1 : i32
    scf.for %scan3A_40 = %scan3A_13 to %scan3A_15 step %scan3A_16  : i32 {
      %mul3A_41 = arith.constant 1 : i32
      %mul3A_42 = arith.muli %scan3A_40, %mul3A_41 : i32
      %add3A = arith.constant 0 : i32
      %add3A_43 = arith.addi %add3A, %mul3A_42 : i32
      %mul3A_44 = arith.constant 128 : i32
      %mul3A_45 = arith.muli %add3A_43, %mul3A_44 : i32
      %add3A_46 = arith.addi %mul3A_0, %mul3A_45 : i32
      "tpu.region"() ({
        %run_scoped3A = tpu.sem_alloc : memref<!tpu.dma_semaphore, #tpu.memory_space<semaphore_mem>>
        %dma_start3A = arith.constant 0 : i32
        %dma_start3A_49 = tpu.memref_slice %arg7[%add3A_46, %dma_start3A] : memref<10240x32xf32, #tpu.memory_space<vmem_shared>> -> memref<64x32xf32, #tpu.memory_space<vmem_shared>>
        %dma_start3A_50 = arith.constant 0 : i32
        %dma_start3A_51 = tpu.memref_slice %arg7[%add3A_46, %dma_start3A_50] : memref<10240x32xf32, #tpu.memory_space<vmem_shared>> -> memref<64x32xf32, #tpu.memory_space<vmem_shared>>
        tpu.enqueue_dma source(%arg12 : memref<64x32xf32, #tpu.memory_space<vmem>>) target(%dma_start3A_51 : memref<64x32xf32, #tpu.memory_space<vmem_shared>>) target_semaphore(%run_scoped3A : memref<!tpu.dma_semaphore, #tpu.memory_space<semaphore_mem>>)
        %dma_wait3A = arith.constant 0 : i32
        %dma_wait3A_52 = tpu.memref_slice %arg7[%add3A_46, %dma_wait3A] : memref<10240x32xf32, #tpu.memory_space<vmem_shared>> -> memref<64x32xf32, #tpu.memory_space<vmem_shared>>
        %dma_wait3A_53 = arith.constant 0 : i32
        %dma_wait3A_54 = tpu.memref_slice %arg7[%add3A_46, %dma_wait3A_53] : memref<10240x32xf32, #tpu.memory_space<vmem_shared>> -> memref<64x32xf32, #tpu.memory_space<vmem_shared>>
        tpu.wait_dma2 semaphore(%run_scoped3A : memref<!tpu.dma_semaphore, #tpu.memory_space<semaphore_mem>>) src(%arg12 : memref<64x32xf32, #tpu.memory_space<vmem>>) dst(%dma_wait3A_54 : memref<64x32xf32, #tpu.memory_space<vmem_shared>>)
        tpu.yield
      }) : () -> ()
      %add3A_47 = arith.constant 64 : i32
      %add3A_48 = arith.addi %add3A_46, %add3A_47 : i32
      "tpu.region"() ({
        %run_scoped3A = tpu.sem_alloc : memref<!tpu.dma_semaphore, #tpu.memory_space<semaphore_mem>>
        %dma_start3A = arith.constant 0 : i32
        %dma_start3A_49 = tpu.memref_slice %arg7[%add3A_48, %dma_start3A] : memref<10240x32xf32, #tpu.memory_space<vmem_shared>> -> memref<64x32xf32, #tpu.memory_space<vmem_shared>>
        %dma_start3A_50 = arith.constant 0 : i32
        %dma_start3A_51 = tpu.memref_slice %arg7[%add3A_48, %dma_start3A_50] : memref<10240x32xf32, #tpu.memory_space<vmem_shared>> -> memref<64x32xf32, #tpu.memory_space<vmem_shared>>
        tpu.enqueue_dma source(%arg12 : memref<64x32xf32, #tpu.memory_space<vmem>>) target(%dma_start3A_51 : memref<64x32xf32, #tpu.memory_space<vmem_shared>>) target_semaphore(%run_scoped3A : memref<!tpu.dma_semaphore, #tpu.memory_space<semaphore_mem>>)
        %dma_wait3A = arith.constant 0 : i32
        %dma_wait3A_52 = tpu.memref_slice %arg7[%add3A_48, %dma_wait3A] : memref<10240x32xf32, #tpu.memory_space<vmem_shared>> -> memref<64x32xf32, #tpu.memory_space<vmem_shared>>
        %dma_wait3A_53 = arith.constant 0 : i32
        %dma_wait3A_54 = tpu.memref_slice %arg7[%add3A_48, %dma_wait3A_53] : memref<10240x32xf32, #tpu.memory_space<vmem_shared>> -> memref<64x32xf32, #tpu.memory_space<vmem_shared>>
        tpu.wait_dma2 semaphore(%run_scoped3A : memref<!tpu.dma_semaphore, #tpu.memory_space<semaphore_mem>>) src(%arg12 : memref<64x32xf32, #tpu.memory_space<vmem>>) dst(%dma_wait3A_54 : memref<64x32xf32, #tpu.memory_space<vmem_shared>>)
        tpu.yield
      }) : () -> ()
    }
    %scan3A_17 = arith.constant 5 : i32
    %barrier3A = arith.constant 0 : index
    tpu.barrier barrier_id(%barrier3A)
    %scan3A_18 = arith.constant 0 : i32
    %scan3A_19 = arith.constant 158 : i32
    %scan3A_20 = arith.addi %scan3A_18, %scan3A_19 : i32
    %scan3A_21 = arith.constant 1 : i32
    scf.for %scan3A_40 = %scan3A_18 to %scan3A_20 step %scan3A_21  : i32 {
      %mul3A_41 = arith.constant 1 : i32
      %mul3A_42 = arith.muli %scan3A_40, %mul3A_41 : i32
      %add3A = arith.constant 0 : i32
      %add3A_43 = arith.addi %add3A, %mul3A_42 : i32
      %dma_start3A = arith.constant 0 : i32
      %dma_start3A_44 = tpu.memref_slice %arg9[%add3A_43, %dma_start3A] : memref<158x128xi32, #tpu.memory_space<vmem>> -> memref<1x128xi32, #tpu.memory_space<vmem>>
      %dma_start3A_45 = tpu.memref_squeeze %dma_start3A_44 : memref<1x128xi32, #tpu.memory_space<vmem>> -> memref<128xi32, #tpu.memory_space<vmem>>
      %dma_start3A_46 = arith.constant 0 : i32
      %dma_start3A_47 = arith.constant 0 : i32
      %dma_start3A_48 = tpu.memref_slice %arg7[%dma_start3A_46, %dma_start3A_47] : memref<10240x32xf32, #tpu.memory_space<vmem_shared>> -> memref<10240x32xf32, #tpu.memory_space<vmem_shared>>
      tpu.enqueue_indirect_dma source(%arg14 : memref<128x32xf32, #tpu.memory_space<vmem>>) target(%dma_start3A_48 : memref<10240x32xf32, #tpu.memory_space<vmem_shared>>) offsets(%dma_start3A_45 : memref<128xi32, #tpu.memory_space<vmem>>) semaphore(%arg19 : memref<!tpu.dma_semaphore, #tpu.memory_space<semaphore_mem>>) {add = true}
    }
    %scan3A_22 = arith.constant 158 : i32
    %scan3A_23 = arith.constant 0 : i32
    %scan3A_24 = arith.constant 158 : i32
    %scan3A_25 = arith.addi %scan3A_23, %scan3A_24 : i32
    %scan3A_26 = arith.constant 1 : i32
    scf.for %scan3A_40 = %scan3A_23 to %scan3A_25 step %scan3A_26  : i32 {
      %mul3A_41 = arith.constant 1 : i32
      %mul3A_42 = arith.muli %scan3A_40, %mul3A_41 : i32
      %add3A = arith.constant 0 : i32
      %add3A_43 = arith.addi %add3A, %mul3A_42 : i32
      %dma_wait3A = arith.constant 0 : i32
      %dma_wait3A_44 = arith.constant 0 : i32
      %dma_wait3A_45 = tpu.memref_slice %arg9[%dma_wait3A, %dma_wait3A_44] : memref<158x128xi32, #tpu.memory_space<vmem>> -> memref<1x128xi32, #tpu.memory_space<vmem>>
      %dma_wait3A_46 = tpu.memref_squeeze %dma_wait3A_45 : memref<1x128xi32, #tpu.memory_space<vmem>> -> memref<128xi32, #tpu.memory_space<vmem>>
      %dma_wait3A_47 = arith.constant 0 : i32
      %dma_wait3A_48 = arith.constant 0 : i32
      %dma_wait3A_49 = tpu.memref_slice %arg7[%dma_wait3A_47, %dma_wait3A_48] : memref<10240x32xf32, #tpu.memory_space<vmem_shared>> -> memref<10240x32xf32, #tpu.memory_space<vmem_shared>>
      tpu.wait_indirect_dma semaphore(%arg19 : memref<!tpu.dma_semaphore, #tpu.memory_space<semaphore_mem>>) src(%arg14 : memref<128x32xf32, #tpu.memory_space<vmem>>) dst(%dma_wait3A_49 : memref<10240x32xf32, #tpu.memory_space<vmem_shared>>)
    }
    %scan3A_27 = arith.constant 158 : i32
    %barrier3A_28 = arith.constant 0 : index
    tpu.barrier barrier_id(%barrier3A_28)
    %scan3A_29 = arith.constant 0 : i32
    %scan3A_30 = arith.constant 5 : i32
    %scan3A_31 = arith.addi %scan3A_29, %scan3A_30 : i32
    %scan3A_32 = arith.constant 1 : i32
    scf.for %scan3A_40 = %scan3A_29 to %scan3A_31 step %scan3A_32  : i32 {
      %mul3A_41 = arith.constant 1 : i32
      %mul3A_42 = arith.muli %scan3A_40, %mul3A_41 : i32
      %add3A = arith.constant 0 : i32
      %add3A_43 = arith.addi %add3A, %mul3A_42 : i32
      %mul3A_44 = arith.constant 128 : i32
      %mul3A_45 = arith.muli %add3A_43, %mul3A_44 : i32
      %add3A_46 = arith.addi %mul3A_0, %mul3A_45 : i32
      %mul3A_47 = arith.constant 128 : i32
      %mul3A_48 = arith.muli %add3A_43, %mul3A_47 : i32
      "tpu.region"() ({
        %run_scoped3A = tpu.sem_alloc : memref<!tpu.dma_semaphore, #tpu.memory_space<semaphore_mem>>
        %dma_start3A = arith.constant 0 : i32
        %dma_start3A_56 = tpu.memref_slice %arg7[%add3A_46, %dma_start3A] : memref<10240x32xf32, #tpu.memory_space<vmem_shared>> -> memref<128x32xf32, #tpu.memory_space<vmem_shared>>
        %dma_start3A_57 = arith.constant 0 : i32
        %dma_start3A_58 = tpu.memref_slice %arg7[%add3A_46, %dma_start3A_57] : memref<10240x32xf32, #tpu.memory_space<vmem_shared>> -> memref<128x32xf32, #tpu.memory_space<vmem_shared>>
        tpu.enqueue_dma source(%dma_start3A_58 : memref<128x32xf32, #tpu.memory_space<vmem_shared>>) target(%arg13 : memref<128x32xf32, #tpu.memory_space<vmem>>) target_semaphore(%run_scoped3A : memref<!tpu.dma_semaphore, #tpu.memory_space<semaphore_mem>>)
        %dma_wait3A = arith.constant 0 : i32
        %dma_wait3A_59 = tpu.memref_slice %arg7[%add3A_46, %dma_wait3A] : memref<10240x32xf32, #tpu.memory_space<vmem_shared>> -> memref<128x32xf32, #tpu.memory_space<vmem_shared>>
        %dma_wait3A_60 = arith.constant 0 : i32
        %dma_wait3A_61 = tpu.memref_slice %arg7[%add3A_46, %dma_wait3A_60] : memref<10240x32xf32, #tpu.memory_space<vmem_shared>> -> memref<128x32xf32, #tpu.memory_space<vmem_shared>>
        tpu.wait_dma2 semaphore(%run_scoped3A : memref<!tpu.dma_semaphore, #tpu.memory_space<semaphore_mem>>) src(%dma_wait3A_61 : memref<128x32xf32, #tpu.memory_space<vmem_shared>>) dst(%arg13 : memref<128x32xf32, #tpu.memory_space<vmem>>)
        tpu.yield
      }) : () -> ()
      "tpu.region"() ({
        %run_scoped3A = tpu.sem_alloc : memref<!tpu.dma_semaphore, #tpu.memory_space<semaphore_mem>>
        %dma_start3A = arith.constant 0 : i32
        %dma_start3A_56 = tpu.memref_slice %arg7[%add3A_46, %dma_start3A] : memref<10240x32xf32, #tpu.memory_space<vmem_shared>> -> memref<64x32xf32, #tpu.memory_space<vmem_shared>>
        %dma_start3A_57 = arith.constant 0 : i32
        %dma_start3A_58 = tpu.memref_slice %arg7[%add3A_46, %dma_start3A_57] : memref<10240x32xf32, #tpu.memory_space<vmem_shared>> -> memref<64x32xf32, #tpu.memory_space<vmem_shared>>
        tpu.enqueue_dma source(%arg12 : memref<64x32xf32, #tpu.memory_space<vmem>>) target(%dma_start3A_58 : memref<64x32xf32, #tpu.memory_space<vmem_shared>>) target_semaphore(%run_scoped3A : memref<!tpu.dma_semaphore, #tpu.memory_space<semaphore_mem>>)
        %dma_wait3A = arith.constant 0 : i32
        %dma_wait3A_59 = tpu.memref_slice %arg7[%add3A_46, %dma_wait3A] : memref<10240x32xf32, #tpu.memory_space<vmem_shared>> -> memref<64x32xf32, #tpu.memory_space<vmem_shared>>
        %dma_wait3A_60 = arith.constant 0 : i32
        %dma_wait3A_61 = tpu.memref_slice %arg7[%add3A_46, %dma_wait3A_60] : memref<10240x32xf32, #tpu.memory_space<vmem_shared>> -> memref<64x32xf32, #tpu.memory_space<vmem_shared>>
        tpu.wait_dma2 semaphore(%run_scoped3A : memref<!tpu.dma_semaphore, #tpu.memory_space<semaphore_mem>>) src(%arg12 : memref<64x32xf32, #tpu.memory_space<vmem>>) dst(%dma_wait3A_61 : memref<64x32xf32, #tpu.memory_space<vmem_shared>>)
        tpu.yield
      }) : () -> ()
      %add3A_49 = arith.constant 64 : i32
      %add3A_50 = arith.addi %add3A_46, %add3A_49 : i32
      "tpu.region"() ({
        %run_scoped3A = tpu.sem_alloc : memref<!tpu.dma_semaphore, #tpu.memory_space<semaphore_mem>>
        %dma_start3A = arith.constant 0 : i32
        %dma_start3A_56 = tpu.memref_slice %arg7[%add3A_50, %dma_start3A] : memref<10240x32xf32, #tpu.memory_space<vmem_shared>> -> memref<64x32xf32, #tpu.memory_space<vmem_shared>>
        %dma_start3A_57 = arith.constant 0 : i32
        %dma_start3A_58 = tpu.memref_slice %arg7[%add3A_50, %dma_start3A_57] : memref<10240x32xf32, #tpu.memory_space<vmem_shared>> -> memref<64x32xf32, #tpu.memory_space<vmem_shared>>
        tpu.enqueue_dma source(%arg12 : memref<64x32xf32, #tpu.memory_space<vmem>>) target(%dma_start3A_58 : memref<64x32xf32, #tpu.memory_space<vmem_shared>>) target_semaphore(%run_scoped3A : memref<!tpu.dma_semaphore, #tpu.memory_space<semaphore_mem>>)
        %dma_wait3A = arith.constant 0 : i32
        %dma_wait3A_59 = tpu.memref_slice %arg7[%add3A_50, %dma_wait3A] : memref<10240x32xf32, #tpu.memory_space<vmem_shared>> -> memref<64x32xf32, #tpu.memory_space<vmem_shared>>
        %dma_wait3A_60 = arith.constant 0 : i32
        %dma_wait3A_61 = tpu.memref_slice %arg7[%add3A_50, %dma_wait3A_60] : memref<10240x32xf32, #tpu.memory_space<vmem_shared>> -> memref<64x32xf32, #tpu.memory_space<vmem_shared>>
        tpu.wait_dma2 semaphore(%run_scoped3A : memref<!tpu.dma_semaphore, #tpu.memory_space<semaphore_mem>>) src(%arg12 : memref<64x32xf32, #tpu.memory_space<vmem>>) dst(%dma_wait3A_61 : memref<64x32xf32, #tpu.memory_space<vmem_shared>>)
        tpu.yield
      }) : () -> ()
      "tpu.region"() ({
        %run_scoped3A = tpu.sem_alloc : memref<!tpu.dma_semaphore, #tpu.memory_space<semaphore_mem>>
        %dma_start3A = arith.constant 0 : i32
        %dma_start3A_56 = tpu.memref_slice %arg4[%arg0, %add3A_46, %dma_start3A] : memref<2x10240x32xf32, #tpu.memory_space<hbm>> -> memref<1x128x32xf32, #tpu.memory_space<hbm>>
        %dma_start3A_57 = tpu.memref_squeeze %dma_start3A_56 : memref<1x128x32xf32, #tpu.memory_space<hbm>> -> memref<128x32xf32, #tpu.memory_space<hbm>>
        %dma_start3A_58 = arith.constant 0 : i32
        %dma_start3A_59 = tpu.memref_slice %arg4[%arg0, %add3A_46, %dma_start3A_58] : memref<2x10240x32xf32, #tpu.memory_space<hbm>> -> memref<1x128x32xf32, #tpu.memory_space<hbm>>
        %dma_start3A_60 = tpu.memref_squeeze %dma_start3A_59 : memref<1x128x32xf32, #tpu.memory_space<hbm>> -> memref<128x32xf32, #tpu.memory_space<hbm>>
        tpu.enqueue_dma source(%dma_start3A_60 : memref<128x32xf32, #tpu.memory_space<hbm>>) target(%arg10 : memref<128x32xf32, #tpu.memory_space<vmem>>) target_semaphore(%run_scoped3A : memref<!tpu.dma_semaphore, #tpu.memory_space<semaphore_mem>>)
        %dma_wait3A = arith.constant 0 : i32
        %dma_wait3A_61 = tpu.memref_slice %arg4[%arg0, %add3A_46, %dma_wait3A] : memref<2x10240x32xf32, #tpu.memory_space<hbm>> -> memref<1x128x32xf32, #tpu.memory_space<hbm>>
        %dma_wait3A_62 = tpu.memref_squeeze %dma_wait3A_61 : memref<1x128x32xf32, #tpu.memory_space<hbm>> -> memref<128x32xf32, #tpu.memory_space<hbm>>
        %dma_wait3A_63 = arith.constant 0 : i32
        %dma_wait3A_64 = tpu.memref_slice %arg4[%arg0, %add3A_46, %dma_wait3A_63] : memref<2x10240x32xf32, #tpu.memory_space<hbm>> -> memref<1x128x32xf32, #tpu.memory_space<hbm>>
        %dma_wait3A_65 = tpu.memref_squeeze %dma_wait3A_64 : memref<1x128x32xf32, #tpu.memory_space<hbm>> -> memref<128x32xf32, #tpu.memory_space<hbm>>
        tpu.wait_dma2 semaphore(%run_scoped3A : memref<!tpu.dma_semaphore, #tpu.memory_space<semaphore_mem>>) src(%dma_wait3A_65 : memref<128x32xf32, #tpu.memory_space<hbm>>) dst(%arg10 : memref<128x32xf32, #tpu.memory_space<vmem>>)
        tpu.yield
      }) : () -> ()
      %scan3A_51 = arith.constant 0 : i32
      %scan3A_52 = arith.constant 128 : i32
      %scan3A_53 = arith.addi %scan3A_51, %scan3A_52 : i32
      %scan3A_54 = arith.constant 1 : i32
      scf.for %scan3A_56 = %scan3A_51 to %scan3A_53 step %scan3A_54  : i32 {
        %mul3A_57 = arith.constant 1 : i32
        %mul3A_58 = arith.muli %scan3A_56, %mul3A_57 : i32
        %add3A_59 = arith.constant 0 : i32
        %add3A_60 = arith.addi %add3A_59, %mul3A_58 : i32
        %get3A = arith.index_cast %add3A_60 : i32 to index
        %get3A_61 = arith.constant 0 : index
        %get3A_62 = tpu.vector_load %arg13[%get3A, %get3A_61] {strides = array<i32>} : memref<128x32xf32, #tpu.memory_space<vmem>>, vector<16xf32>,
        %max3A = arith.constant 1.000000e+00 : f32
        %max3A_63 = vector.broadcast %max3A : f32 to vector<16xf32>
        %max3A_64 = arith.maximumf %get3A_62, %max3A_63 : vector<16xf32>
        %add3A_65 = arith.addi %mul3A_48, %add3A_60 : i32
        %swap3A = arith.index_cast %add3A_65 : i32 to index
        %swap3A_66 = arith.constant 0 : index
        %swap3A_67 = tpu.vector_load %arg15[%swap3A, %swap3A_66] {strides = array<i32>} : memref<640x16xf32, #tpu.memory_space<vmem>>, vector<16xf32>,
        tpu.vector_store %arg15[%swap3A, %swap3A_66], %max3A_64 {strides = array<i32>} : memref<640x16xf32, #tpu.memory_space<vmem>>, vector<16xf32>,
        %bitcast3A = vector.bitcast %max3A_64 : vector<16xf32> to vector<16xi32>
        %shift_right_arithmetic3A = arith.constant 1 : i32
        %shift_right_arithmetic3A_68 = vector.broadcast %shift_right_arithmetic3A : i32 to vector<16xi32>
        %shift_right_arithmetic3A_69 = arith.shrsi %bitcast3A, %shift_right_arithmetic3A_68 : vector<16xi32>
        %sub3A = arith.constant 1597463007 : i32
        %sub3A_70 = vector.broadcast %sub3A : i32 to vector<16xi32>
        %sub3A_71 = arith.subi %sub3A_70, %shift_right_arithmetic3A_69 : vector<16xi32>
        %bitcast3A_72 = vector.bitcast %sub3A_71 : vector<16xi32> to vector<16xf32>
        %mul3A_73 = arith.constant 5.000000e-01 : f32
        %mul3A_74 = vector.broadcast %mul3A_73 : f32 to vector<16xf32>
        %mul3A_75 = arith.mulf %mul3A_74, %max3A_64 : vector<16xf32>
        %mul3A_76 = arith.mulf %mul3A_75, %bitcast3A_72 : vector<16xf32>
        %mul3A_77 = arith.mulf %mul3A_76, %bitcast3A_72 : vector<16xf32>
        %sub3A_78 = arith.constant 1.500000e+00 : f32
        %sub3A_79 = vector.broadcast %sub3A_78 : f32 to vector<16xf32>
        %sub3A_80 = arith.subf %sub3A_79, %mul3A_77 : vector<16xf32>
        %mul3A_81 = arith.mulf %bitcast3A_72, %sub3A_80 : vector<16xf32>
        %mul3A_82 = arith.constant 5.000000e-01 : f32
        %mul3A_83 = vector.broadcast %mul3A_82 : f32 to vector<16xf32>
        %mul3A_84 = arith.mulf %mul3A_83, %max3A_64 : vector<16xf32>
        %mul3A_85 = arith.mulf %mul3A_84, %mul3A_81 : vector<16xf32>
        %mul3A_86 = arith.mulf %mul3A_85, %mul3A_81 : vector<16xf32>
        %sub3A_87 = arith.constant 1.500000e+00 : f32
        %sub3A_88 = vector.broadcast %sub3A_87 : f32 to vector<16xf32>
        %sub3A_89 = arith.subf %sub3A_88, %mul3A_86 : vector<16xf32>
        %mul3A_90 = arith.mulf %mul3A_81, %sub3A_89 : vector<16xf32>
        %mul3A_91 = arith.constant 5.000000e-01 : f32
        %mul3A_92 = vector.broadcast %mul3A_91 : f32 to vector<16xf32>
        %mul3A_93 = arith.mulf %mul3A_92, %max3A_64 : vector<16xf32>
        %mul3A_94 = arith.mulf %mul3A_93, %mul3A_90 : vector<16xf32>
        %mul3A_95 = arith.mulf %mul3A_94, %mul3A_90 : vector<16xf32>
        %sub3A_96 = arith.constant 1.500000e+00 : f32
        %sub3A_97 = vector.broadcast %sub3A_96 : f32 to vector<16xf32>
        %sub3A_98 = arith.subf %sub3A_97, %mul3A_95 : vector<16xf32>
        %mul3A_99 = arith.mulf %mul3A_90, %sub3A_98 : vector<16xf32>
        %get3A_100 = arith.index_cast %add3A_60 : i32 to index
        %get3A_101 = arith.constant 0 : index
        %get3A_102 = tpu.vector_load %arg10[%get3A_100, %get3A_101] {strides = array<i32>} : memref<128x32xf32, #tpu.memory_space<vmem>>, vector<16xf32>,
        %mul3A_103 = arith.mulf %mul3A_99, %get3A_102 : vector<16xf32>
        %get3A_104 = arith.index_cast %add3A_60 : i32 to index
        %get3A_105 = arith.constant 16 : index
        %get3A_106 = tpu.vector_load %arg10[%get3A_104, %get3A_105] {strides = array<i32>} : memref<128x32xf32, #tpu.memory_space<vmem>>, vector<16xf32>,
        %mul3A_107 = arith.mulf %mul3A_99, %get3A_106 : vector<16xf32>
        %swap3A_108 = arith.index_cast %add3A_60 : i32 to index
        %swap3A_109 = arith.constant 0 : index
        %swap3A_110 = tpu.vector_load %arg14[%swap3A_108, %swap3A_109] {strides = array<i32>} : memref<128x32xf32, #tpu.memory_space<vmem>>, vector<16xf32>,
        tpu.vector_store %arg14[%swap3A_108, %swap3A_109], %mul3A_103 {strides = array<i32>} : memref<128x32xf32, #tpu.memory_space<vmem>>, vector<16xf32>,
        %swap3A_111 = arith.index_cast %add3A_60 : i32 to index
        %swap3A_112 = arith.constant 16 : index
        %swap3A_113 = tpu.vector_load %arg14[%swap3A_111, %swap3A_112] {strides = array<i32>} : memref<128x32xf32, #tpu.memory_space<vmem>>, vector<16xf32>,
        tpu.vector_store %arg14[%swap3A_111, %swap3A_112], %mul3A_107 {strides = array<i32>} : memref<128x32xf32, #tpu.memory_space<vmem>>, vector<16xf32>,
        %mul3A_114 = arith.constant 1.000000e-01 : f32
        %mul3A_115 = vector.broadcast %mul3A_114 : f32 to vector<16xf32>
        %mul3A_116 = arith.mulf %mul3A_115, %mul3A_103 : vector<16xf32>
        %add3A_117 = arith.addi %mul3A_48, %add3A_60 : i32
        %swap3A_118 = arith.index_cast %add3A_117 : i32 to index
        %swap3A_119 = arith.constant 0 : index
        %swap3A_120 = tpu.vector_load %arg16[%swap3A_118, %swap3A_119] {strides = array<i32>} : memref<640x32xf32, #tpu.memory_space<vmem>>, vector<16xf32>,
        tpu.vector_store %arg16[%swap3A_118, %swap3A_119], %mul3A_116 {strides = array<i32>} : memref<640x32xf32, #tpu.memory_space<vmem>>, vector<16xf32>,
        %mul3A_121 = arith.constant 1.000000e-01 : f32
        %mul3A_122 = vector.broadcast %mul3A_121 : f32 to vector<16xf32>
        %mul3A_123 = arith.mulf %mul3A_122, %mul3A_107 : vector<16xf32>
        %add3A_124 = arith.addi %mul3A_48, %add3A_60 : i32
        %swap3A_125 = arith.index_cast %add3A_124 : i32 to index
        %swap3A_126 = arith.constant 16 : index
        %swap3A_127 = tpu.vector_load %arg16[%swap3A_125, %swap3A_126] {strides = array<i32>} : memref<640x32xf32, #tpu.memory_space<vmem>>, vector<16xf32>,
        tpu.vector_store %arg16[%swap3A_125, %swap3A_126], %mul3A_123 {strides = array<i32>} : memref<640x32xf32, #tpu.memory_space<vmem>>, vector<16xf32>,
      }
      %scan3A_55 = arith.constant 128 : i32
      "tpu.region"() ({
        %run_scoped3A = tpu.sem_alloc : memref<!tpu.dma_semaphore, #tpu.memory_space<semaphore_mem>>
        %dma_start3A = arith.constant 0 : i32
        %dma_start3A_56 = tpu.memref_slice %arg6[%add3A_46, %dma_start3A] : memref<10240x32xf32, #tpu.memory_space<vmem_shared>> -> memref<128x32xf32, #tpu.memory_space<vmem_shared>>
        %dma_start3A_57 = arith.constant 0 : i32
        %dma_start3A_58 = tpu.memref_slice %arg6[%add3A_46, %dma_start3A_57] : memref<10240x32xf32, #tpu.memory_space<vmem_shared>> -> memref<128x32xf32, #tpu.memory_space<vmem_shared>>
        tpu.enqueue_dma source(%arg14 : memref<128x32xf32, #tpu.memory_space<vmem>>) target(%dma_start3A_58 : memref<128x32xf32, #tpu.memory_space<vmem_shared>>) target_semaphore(%run_scoped3A : memref<!tpu.dma_semaphore, #tpu.memory_space<semaphore_mem>>)
        %dma_wait3A = arith.constant 0 : i32
        %dma_wait3A_59 = tpu.memref_slice %arg6[%add3A_46, %dma_wait3A] : memref<10240x32xf32, #tpu.memory_space<vmem_shared>> -> memref<128x32xf32, #tpu.memory_space<vmem_shared>>
        %dma_wait3A_60 = arith.constant 0 : i32
        %dma_wait3A_61 = tpu.memref_slice %arg6[%add3A_46, %dma_wait3A_60] : memref<10240x32xf32, #tpu.memory_space<vmem_shared>> -> memref<128x32xf32, #tpu.memory_space<vmem_shared>>
        tpu.wait_dma2 semaphore(%run_scoped3A : memref<!tpu.dma_semaphore, #tpu.memory_space<semaphore_mem>>) src(%arg14 : memref<128x32xf32, #tpu.memory_space<vmem>>) dst(%dma_wait3A_61 : memref<128x32xf32, #tpu.memory_space<vmem_shared>>)
        tpu.yield
      }) : () -> ()
    }
    %scan3A_33 = arith.constant 5 : i32
    %barrier3A_34 = arith.constant 0 : index
    tpu.barrier barrier_id(%barrier3A_34)
    %scan3A_35 = arith.constant 0 : i32
    %scan3A_36 = arith.constant 10 : i32
    %scan3A_37 = arith.addi %scan3A_35, %scan3A_36 : i32
    %scan3A_38 = arith.constant 1 : i32
    scf.for %scan3A_40 = %scan3A_35 to %scan3A_37 step %scan3A_38  : i32 {
      %mul3A_41 = arith.constant 1 : i32
      %mul3A_42 = arith.muli %scan3A_40, %mul3A_41 : i32
      %add3A = arith.constant 0 : i32
      %add3A_43 = arith.addi %add3A, %mul3A_42 : i32
      %dma_start3A = arith.constant 0 : i32
      %dma_start3A_44 = arith.constant 0 : i32
      %dma_start3A_45 = tpu.memref_slice %arg8[%dma_start3A, %dma_start3A_44] : memref<158x128xi32, #tpu.memory_space<vmem>> -> memref<1x128xi32, #tpu.memory_space<vmem>>
      %dma_start3A_46 = tpu.memref_squeeze %dma_start3A_45 : memref<1x128xi32, #tpu.memory_space<vmem>> -> memref<128xi32, #tpu.memory_space<vmem>>
      %dma_start3A_47 = arith.constant 0 : i32
      %dma_start3A_48 = arith.constant 0 : i32
      %dma_start3A_49 = tpu.memref_slice %arg6[%dma_start3A_47, %dma_start3A_48] : memref<10240x32xf32, #tpu.memory_space<vmem_shared>> -> memref<10240x32xf32, #tpu.memory_space<vmem_shared>>
      tpu.enqueue_indirect_dma source(%dma_start3A_49 : memref<10240x32xf32, #tpu.memory_space<vmem_shared>>) target(%arg10 : memref<128x32xf32, #tpu.memory_space<vmem>>) offsets(%dma_start3A_46 : memref<128xi32, #tpu.memory_space<vmem>>) semaphore(%arg17 : memref<!tpu.dma_semaphore, #tpu.memory_space<semaphore_mem>>)
      %scan3A_50 = arith.constant 0 : i32
      %scan3A_51 = arith.constant 79 : i32
      %scan3A_52 = arith.addi %scan3A_50, %scan3A_51 : i32
      %scan3A_53 = arith.constant 1 : i32
      scf.for %scan3A_194 = %scan3A_50 to %scan3A_52 step %scan3A_53  : i32 {
        %mul3A_195 = arith.constant 2 : i32
        %mul3A_196 = arith.muli %scan3A_194, %mul3A_195 : i32
        %add3A_197 = arith.constant 0 : i32
        %add3A_198 = arith.addi %add3A_197, %mul3A_196 : i32
        %dma_wait3A_199 = arith.constant 0 : i32
        %dma_wait3A_200 = arith.constant 0 : i32
        %dma_wait3A_201 = tpu.memref_slice %arg8[%dma_wait3A_199, %dma_wait3A_200] : memref<158x128xi32, #tpu.memory_space<vmem>> -> memref<1x128xi32, #tpu.memory_space<vmem>>
        %dma_wait3A_202 = tpu.memref_squeeze %dma_wait3A_201 : memref<1x128xi32, #tpu.memory_space<vmem>> -> memref<128xi32, #tpu.memory_space<vmem>>
        %dma_wait3A_203 = arith.constant 0 : i32
        %dma_wait3A_204 = arith.constant 0 : i32
        %dma_wait3A_205 = tpu.memref_slice %arg6[%dma_wait3A_203, %dma_wait3A_204] : memref<10240x32xf32, #tpu.memory_space<vmem_shared>> -> memref<10240x32xf32, #tpu.memory_space<vmem_shared>>
        tpu.wait_indirect_dma semaphore(%arg17 : memref<!tpu.dma_semaphore, #tpu.memory_space<semaphore_mem>>) src(%dma_wait3A_205 : memref<10240x32xf32, #tpu.memory_space<vmem_shared>>) dst(%arg10 : memref<128x32xf32, #tpu.memory_space<vmem>>)
        %dma_start3A_206 = arith.constant 0 : i32
        %dma_start3A_207 = tpu.memref_slice %arg9[%add3A_198, %dma_start3A_206] : memref<158x128xi32, #tpu.memory_space<vmem>> -> memref<1x128xi32, #tpu.memory_space<vmem>>
        %dma_start3A_208 = tpu.memref_squeeze %dma_start3A_207 : memref<1x128xi32, #tpu.memory_space<vmem>> -> memref<128xi32, #tpu.memory_space<vmem>>
        %dma_start3A_209 = arith.constant 0 : i32
        %dma_start3A_210 = arith.constant 0 : i32
        %dma_start3A_211 = tpu.memref_slice %arg7[%dma_start3A_209, %dma_start3A_210] : memref<10240x32xf32, #tpu.memory_space<vmem_shared>> -> memref<10240x32xf32, #tpu.memory_space<vmem_shared>>
        tpu.enqueue_indirect_dma source(%arg10 : memref<128x32xf32, #tpu.memory_space<vmem>>) target(%dma_start3A_211 : memref<10240x32xf32, #tpu.memory_space<vmem_shared>>) offsets(%dma_start3A_208 : memref<128xi32, #tpu.memory_space<vmem>>) semaphore(%arg19 : memref<!tpu.dma_semaphore, #tpu.memory_space<semaphore_mem>>) {add = true}
        %gt3A = arith.constant 0 : i32
        %gt3A_212 = arith.cmpi sgt, %add3A_198, %gt3A : i32
        %convert_element_type3A_213 = arith.extui %gt3A_212 : i1 to i32
        %cond3A_214 = arith.constant 0 : i32
        %cond3A_215 = arith.cmpi ne, %convert_element_type3A_213, %cond3A_214 : i32
        scf.if %cond3A_215 {
          %dma_wait3A_253 = arith.constant 0 : i32
          %dma_wait3A_254 = arith.constant 0 : i32
          %dma_wait3A_255 = tpu.memref_slice %arg9[%dma_wait3A_253, %dma_wait3A_254] : memref<158x128xi32, #tpu.memory_space<vmem>> -> memref<1x128xi32, #tpu.memory_space<vmem>>
          %dma_wait3A_256 = tpu.memref_squeeze %dma_wait3A_255 : memref<1x128xi32, #tpu.memory_space<vmem>> -> memref<128xi32, #tpu.memory_space<vmem>>
          %dma_wait3A_257 = arith.constant 0 : i32
          %dma_wait3A_258 = arith.constant 0 : i32
          %dma_wait3A_259 = tpu.memref_slice %arg7[%dma_wait3A_257, %dma_wait3A_258] : memref<10240x32xf32, #tpu.memory_space<vmem_shared>> -> memref<10240x32xf32, #tpu.memory_space<vmem_shared>>
          tpu.wait_indirect_dma semaphore(%arg20 : memref<!tpu.dma_semaphore, #tpu.memory_space<semaphore_mem>>) src(%arg11 : memref<128x32xf32, #tpu.memory_space<vmem>>) dst(%dma_wait3A_259 : memref<10240x32xf32, #tpu.memory_space<vmem_shared>>)
        } else {
        }
        %add3A_216 = arith.constant 1 : i32
        %add3A_217 = arith.addi %add3A_198, %add3A_216 : i32
        %dma_start3A_218 = arith.constant 0 : i32
        %dma_start3A_219 = tpu.memref_slice %arg8[%add3A_217, %dma_start3A_218] : memref<158x128xi32, #tpu.memory_space<vmem>> -> memref<1x128xi32, #tpu.memory_space<vmem>>
        %dma_start3A_220 = tpu.memref_squeeze %dma_start3A_219 : memref<1x128xi32, #tpu.memory_space<vmem>> -> memref<128xi32, #tpu.memory_space<vmem>>
        %dma_start3A_221 = arith.constant 0 : i32
        %dma_start3A_222 = arith.constant 0 : i32
        %dma_start3A_223 = tpu.memref_slice %arg6[%dma_start3A_221, %dma_start3A_222] : memref<10240x32xf32, #tpu.memory_space<vmem_shared>> -> memref<10240x32xf32, #tpu.memory_space<vmem_shared>>
        tpu.enqueue_indirect_dma source(%dma_start3A_223 : memref<10240x32xf32, #tpu.memory_space<vmem_shared>>) target(%arg11 : memref<128x32xf32, #tpu.memory_space<vmem>>) offsets(%dma_start3A_220 : memref<128xi32, #tpu.memory_space<vmem>>) semaphore(%arg18 : memref<!tpu.dma_semaphore, #tpu.memory_space<semaphore_mem>>)
        %dma_wait3A_224 = arith.constant 0 : i32
        %dma_wait3A_225 = arith.constant 0 : i32
        %dma_wait3A_226 = tpu.memref_slice %arg8[%dma_wait3A_224, %dma_wait3A_225] : memref<158x128xi32, #tpu.memory_space<vmem>> -> memref<1x128xi32, #tpu.memory_space<vmem>>
        %dma_wait3A_227 = tpu.memref_squeeze %dma_wait3A_226 : memref<1x128xi32, #tpu.memory_space<vmem>> -> memref<128xi32, #tpu.memory_space<vmem>>
        %dma_wait3A_228 = arith.constant 0 : i32
        %dma_wait3A_229 = arith.constant 0 : i32
        %dma_wait3A_230 = tpu.memref_slice %arg6[%dma_wait3A_228, %dma_wait3A_229] : memref<10240x32xf32, #tpu.memory_space<vmem_shared>> -> memref<10240x32xf32, #tpu.memory_space<vmem_shared>>
        tpu.wait_indirect_dma semaphore(%arg18 : memref<!tpu.dma_semaphore, #tpu.memory_space<semaphore_mem>>) src(%dma_wait3A_230 : memref<10240x32xf32, #tpu.memory_space<vmem_shared>>) dst(%arg11 : memref<128x32xf32, #tpu.memory_space<vmem>>)
        %add3A_231 = arith.constant 1 : i32
        %add3A_232 = arith.addi %add3A_198, %add3A_231 : i32
        %dma_start3A_233 = arith.constant 0 : i32
        %dma_start3A_234 = tpu.memref_slice %arg9[%add3A_232, %dma_start3A_233] : memref<158x128xi32, #tpu.memory_space<vmem>> -> memref<1x128xi32, #tpu.memory_space<vmem>>
        %dma_start3A_235 = tpu.memref_squeeze %dma_start3A_234 : memref<1x128xi32, #tpu.memory_space<vmem>> -> memref<128xi32, #tpu.memory_space<vmem>>
        %dma_start3A_236 = arith.constant 0 : i32
        %dma_start3A_237 = arith.constant 0 : i32
        %dma_start3A_238 = tpu.memref_slice %arg7[%dma_start3A_236, %dma_start3A_237] : memref<10240x32xf32, #tpu.memory_space<vmem_shared>> -> memref<10240x32xf32, #tpu.memory_space<vmem_shared>>
        tpu.enqueue_indirect_dma source(%arg11 : memref<128x32xf32, #tpu.memory_space<vmem>>) target(%dma_start3A_238 : memref<10240x32xf32, #tpu.memory_space<vmem_shared>>) offsets(%dma_start3A_235 : memref<128xi32, #tpu.memory_space<vmem>>) semaphore(%arg20 : memref<!tpu.dma_semaphore, #tpu.memory_space<semaphore_mem>>) {add = true}
        %dma_wait3A_239 = arith.constant 0 : i32
        %dma_wait3A_240 = arith.constant 0 : i32
        %dma_wait3A_241 = tpu.memref_slice %arg9[%dma_wait3A_239, %dma_wait3A_240] : memref<158x128xi32, #tpu.memory_space<vmem>> -> memref<1x128xi32, #tpu.memory_space<vmem>>
        %dma_wait3A_242 = tpu.memref_squeeze %dma_wait3A_241 : memref<1x128xi32, #tpu.memory_space<vmem>> -> memref<128xi32, #tpu.memory_space<vmem>>
        %dma_wait3A_243 = arith.constant 0 : i32
        %dma_wait3A_244 = arith.constant 0 : i32
        %dma_wait3A_245 = tpu.memref_slice %arg7[%dma_wait3A_243, %dma_wait3A_244] : memref<10240x32xf32, #tpu.memory_space<vmem_shared>> -> memref<10240x32xf32, #tpu.memory_space<vmem_shared>>
        tpu.wait_indirect_dma semaphore(%arg19 : memref<!tpu.dma_semaphore, #tpu.memory_space<semaphore_mem>>) src(%arg10 : memref<128x32xf32, #tpu.memory_space<vmem>>) dst(%dma_wait3A_245 : memref<10240x32xf32, #tpu.memory_space<vmem_shared>>)
        %add3A_246 = arith.constant 2 : i32
        %add3A_247 = arith.addi %add3A_198, %add3A_246 : i32
        %lt3A_248 = arith.constant 158 : i32
        %lt3A_249 = arith.cmpi slt, %add3A_247, %lt3A_248 : i32
        %convert_element_type3A_250 = arith.extui %lt3A_249 : i1 to i32
        %cond3A_251 = arith.constant 0 : i32
        %cond3A_252 = arith.cmpi ne, %convert_element_type3A_250, %cond3A_251 : i32
        scf.if %cond3A_252 {
          %add3A_253 = arith.constant 2 : i32
          %add3A_254 = arith.addi %add3A_198, %add3A_253 : i32
          %dma_start3A_255 = arith.constant 0 : i32
          %dma_start3A_256 = tpu.memref_slice %arg8[%add3A_254, %dma_start3A_255] : memref<158x128xi32, #tpu.memory_space<vmem>> -> memref<1x128xi32, #tpu.memory_space<vmem>>
          %dma_start3A_257 = tpu.memref_squeeze %dma_start3A_256 : memref<1x128xi32, #tpu.memory_space<vmem>> -> memref<128xi32, #tpu.memory_space<vmem>>
          %dma_start3A_258 = arith.constant 0 : i32
          %dma_start3A_259 = arith.constant 0 : i32
          %dma_start3A_260 = tpu.memref_slice %arg6[%dma_start3A_258, %dma_start3A_259] : memref<10240x32xf32, #tpu.memory_space<vmem_shared>> -> memref<10240x32xf32, #tpu.memory_space<vmem_shared>>
          tpu.enqueue_indirect_dma source(%dma_start3A_260 : memref<10240x32xf32, #tpu.memory_space<vmem_shared>>) target(%arg10 : memref<128x32xf32, #tpu.memory_space<vmem>>) offsets(%dma_start3A_257 : memref<128xi32, #tpu.memory_space<vmem>>) semaphore(%arg17 : memref<!tpu.dma_semaphore, #tpu.memory_space<semaphore_mem>>)
        } else {
        }
      }
      %scan3A_54 = arith.constant 79 : i32
      %dma_wait3A = arith.constant 0 : i32
      %dma_wait3A_55 = arith.constant 0 : i32
      %dma_wait3A_56 = tpu.memref_slice %arg9[%dma_wait3A, %dma_wait3A_55] : memref<158x128xi32, #tpu.memory_space<vmem>> -> memref<1x128xi32, #tpu.memory_space<vmem>>
      %dma_wait3A_57 = tpu.memref_squeeze %dma_wait3A_56 : memref<1x128xi32, #tpu.memory_space<vmem>> -> memref<128xi32, #tpu.memory_space<vmem>>
      %dma_wait3A_58 = arith.constant 0 : i32
      %dma_wait3A_59 = arith.constant 0 : i32
      %dma_wait3A_60 = tpu.memref_slice %arg7[%dma_wait3A_58, %dma_wait3A_59] : memref<10240x32xf32, #tpu.memory_space<vmem_shared>> -> memref<10240x32xf32, #tpu.memory_space<vmem_shared>>
      tpu.wait_indirect_dma semaphore(%arg20 : memref<!tpu.dma_semaphore, #tpu.memory_space<semaphore_mem>>) src(%arg11 : memref<128x32xf32, #tpu.memory_space<vmem>>) dst(%dma_wait3A_60 : memref<10240x32xf32, #tpu.memory_space<vmem_shared>>)
      %barrier3A_61 = arith.constant 0 : index
      tpu.barrier barrier_id(%barrier3A_61)
      %add3A_62 = arith.constant 0 : i32
      %add3A_63 = arith.addi %mul3A_0, %add3A_62 : i32
      "tpu.region"() ({
        %run_scoped3A = tpu.sem_alloc : memref<!tpu.dma_semaphore, #tpu.memory_space<semaphore_mem>>
        %dma_start3A_194 = arith.constant 0 : i32
        %dma_start3A_195 = tpu.memref_slice %arg7[%add3A_63, %dma_start3A_194] : memref<10240x32xf32, #tpu.memory_space<vmem_shared>> -> memref<128x32xf32, #tpu.memory_space<vmem_shared>>
        %dma_start3A_196 = arith.constant 0 : i32
        %dma_start3A_197 = tpu.memref_slice %arg7[%add3A_63, %dma_start3A_196] : memref<10240x32xf32, #tpu.memory_space<vmem_shared>> -> memref<128x32xf32, #tpu.memory_space<vmem_shared>>
        tpu.enqueue_dma source(%dma_start3A_197 : memref<128x32xf32, #tpu.memory_space<vmem_shared>>) target(%arg13 : memref<128x32xf32, #tpu.memory_space<vmem>>) target_semaphore(%run_scoped3A : memref<!tpu.dma_semaphore, #tpu.memory_space<semaphore_mem>>)
        %dma_wait3A_198 = arith.constant 0 : i32
        %dma_wait3A_199 = tpu.memref_slice %arg7[%add3A_63, %dma_wait3A_198] : memref<10240x32xf32, #tpu.memory_space<vmem_shared>> -> memref<128x32xf32, #tpu.memory_space<vmem_shared>>
        %dma_wait3A_200 = arith.constant 0 : i32
        %dma_wait3A_201 = tpu.memref_slice %arg7[%add3A_63, %dma_wait3A_200] : memref<10240x32xf32, #tpu.memory_space<vmem_shared>> -> memref<128x32xf32, #tpu.memory_space<vmem_shared>>
        tpu.wait_dma2 semaphore(%run_scoped3A : memref<!tpu.dma_semaphore, #tpu.memory_space<semaphore_mem>>) src(%dma_wait3A_201 : memref<128x32xf32, #tpu.memory_space<vmem_shared>>) dst(%arg13 : memref<128x32xf32, #tpu.memory_space<vmem>>)
        tpu.yield
      }) : () -> ()
      %dma_start3A_64 = arith.constant 0 : i32
      %dma_start3A_65 = tpu.memref_slice %arg7[%add3A_63, %dma_start3A_64] : memref<10240x32xf32, #tpu.memory_space<vmem_shared>> -> memref<64x32xf32, #tpu.memory_space<vmem_shared>>
      %dma_start3A_66 = arith.constant 0 : i32
      %dma_start3A_67 = tpu.memref_slice %arg7[%add3A_63, %dma_start3A_66] : memref<10240x32xf32, #tpu.memory_space<vmem_shared>> -> memref<64x32xf32, #tpu.memory_space<vmem_shared>>
      tpu.enqueue_dma source(%arg12 : memref<64x32xf32, #tpu.memory_space<vmem>>) target(%dma_start3A_67 : memref<64x32xf32, #tpu.memory_space<vmem_shared>>) target_semaphore(%arg21 : memref<!tpu.dma_semaphore, #tpu.memory_space<semaphore_mem>>)
      %add3A_68 = arith.constant 64 : i32
      %add3A_69 = arith.addi %add3A_63, %add3A_68 : i32
      %dma_start3A_70 = arith.constant 0 : i32
      %dma_start3A_71 = tpu.memref_slice %arg7[%add3A_69, %dma_start3A_70] : memref<10240x32xf32, #tpu.memory_space<vmem_shared>> -> memref<64x32xf32, #tpu.memory_space<vmem_shared>>
      %dma_start3A_72 = arith.constant 0 : i32
      %dma_start3A_73 = tpu.memref_slice %arg7[%add3A_69, %dma_start3A_72] : memref<10240x32xf32, #tpu.memory_space<vmem_shared>> -> memref<64x32xf32, #tpu.memory_space<vmem_shared>>
      tpu.enqueue_dma source(%arg12 : memref<64x32xf32, #tpu.memory_space<vmem>>) target(%dma_start3A_73 : memref<64x32xf32, #tpu.memory_space<vmem_shared>>) target_semaphore(%arg21 : memref<!tpu.dma_semaphore, #tpu.memory_space<semaphore_mem>>)
      %lt3A = arith.constant 9 : i32
      %lt3A_74 = arith.cmpi slt, %add3A_43, %lt3A : i32
      %convert_element_type3A = arith.extui %lt3A_74 : i1 to i32
      %cond3A = arith.constant 0 : i32
      %cond3A_75 = arith.cmpi ne, %convert_element_type3A, %cond3A : i32
      scf.if %cond3A_75 {
        %scan3A_194 = arith.constant 0 : i32
        %scan3A_195 = arith.constant 128 : i32
        %scan3A_196 = arith.addi %scan3A_194, %scan3A_195 : i32
        %scan3A_197 = arith.constant 1 : i32
        scf.for %scan3A_203 = %scan3A_194 to %scan3A_196 step %scan3A_197  : i32 {
          %mul3A_204 = arith.constant 1 : i32
          %mul3A_205 = arith.muli %scan3A_203, %mul3A_204 : i32
          %add3A_206 = arith.constant 0 : i32
          %add3A_207 = arith.addi %add3A_206, %mul3A_205 : i32
          %add3A_208 = arith.constant 0 : i32
          %add3A_209 = arith.addi %add3A_208, %add3A_207 : i32
          %get3A = arith.index_cast %add3A_209 : i32 to index
          %get3A_210 = arith.constant 0 : index
          %get3A_211 = tpu.vector_load %arg15[%get3A, %get3A_210] {strides = array<i32>} : memref<640x16xf32, #tpu.memory_space<vmem>>, vector<16xf32>,
          %div3A = arith.constant 0.899999976 : f32
          %div3A_212 = vector.broadcast %div3A : f32 to vector<16xf32>
          %div3A_213 = arith.divf %div3A_212, %get3A_211 : vector<16xf32>
          %get3A_214 = arith.index_cast %add3A_207 : i32 to index
          %get3A_215 = arith.constant 0 : index
          %get3A_216 = tpu.vector_load %arg13[%get3A_214, %get3A_215] {strides = array<i32>} : memref<128x32xf32, #tpu.memory_space<vmem>>, vector<16xf32>,
          %mul3A_217 = arith.mulf %div3A_213, %get3A_216 : vector<16xf32>
          %add3A_218 = arith.constant 0 : i32
          %add3A_219 = arith.addi %add3A_218, %add3A_207 : i32
          %get3A_220 = arith.index_cast %add3A_219 : i32 to index
          %get3A_221 = arith.constant 0 : index
          %get3A_222 = tpu.vector_load %arg16[%get3A_220, %get3A_221] {strides = array<i32>} : memref<640x32xf32, #tpu.memory_space<vmem>>, vector<16xf32>,
          %add3A_223 = arith.addf %mul3A_217, %get3A_222 : vector<16xf32>
          %swap3A = arith.index_cast %add3A_207 : i32 to index
          %swap3A_224 = arith.constant 0 : index
          %swap3A_225 = tpu.vector_load %arg14[%swap3A, %swap3A_224] {strides = array<i32>} : memref<128x32xf32, #tpu.memory_space<vmem>>, vector<16xf32>,
          tpu.vector_store %arg14[%swap3A, %swap3A_224], %add3A_223 {strides = array<i32>} : memref<128x32xf32, #tpu.memory_space<vmem>>, vector<16xf32>,
          %get3A_226 = arith.index_cast %add3A_207 : i32 to index
          %get3A_227 = arith.constant 16 : index
          %get3A_228 = tpu.vector_load %arg13[%get3A_226, %get3A_227] {strides = array<i32>} : memref<128x32xf32, #tpu.memory_space<vmem>>, vector<16xf32>,
          %mul3A_229 = arith.mulf %div3A_213, %get3A_228 : vector<16xf32>
          %add3A_230 = arith.constant 0 : i32
          %add3A_231 = arith.addi %add3A_230, %add3A_207 : i32
          %get3A_232 = arith.index_cast %add3A_231 : i32 to index
          %get3A_233 = arith.constant 16 : index
          %get3A_234 = tpu.vector_load %arg16[%get3A_232, %get3A_233] {strides = array<i32>} : memref<640x32xf32, #tpu.memory_space<vmem>>, vector<16xf32>,
          %add3A_235 = arith.addf %mul3A_229, %get3A_234 : vector<16xf32>
          %swap3A_236 = arith.index_cast %add3A_207 : i32 to index
          %swap3A_237 = arith.constant 16 : index
          %swap3A_238 = tpu.vector_load %arg14[%swap3A_236, %swap3A_237] {strides = array<i32>} : memref<128x32xf32, #tpu.memory_space<vmem>>, vector<16xf32>,
          tpu.vector_store %arg14[%swap3A_236, %swap3A_237], %add3A_235 {strides = array<i32>} : memref<128x32xf32, #tpu.memory_space<vmem>>, vector<16xf32>,
        }
        %scan3A_198 = arith.constant 128 : i32
        %dma_start3A_199 = arith.constant 0 : i32
        %dma_start3A_200 = tpu.memref_slice %arg6[%add3A_63, %dma_start3A_199] : memref<10240x32xf32, #tpu.memory_space<vmem_shared>> -> memref<128x32xf32, #tpu.memory_space<vmem_shared>>
        %dma_start3A_201 = arith.constant 0 : i32
        %dma_start3A_202 = tpu.memref_slice %arg6[%add3A_63, %dma_start3A_201] : memref<10240x32xf32, #tpu.memory_space<vmem_shared>> -> memref<128x32xf32, #tpu.memory_space<vmem_shared>>
        tpu.enqueue_dma source(%arg14 : memref<128x32xf32, #tpu.memory_space<vmem>>) target(%dma_start3A_202 : memref<128x32xf32, #tpu.memory_space<vmem_shared>>) target_semaphore(%arg22 : memref<!tpu.dma_semaphore, #tpu.memory_space<semaphore_mem>>)
      } else {
      }
      %eq3A = arith.constant 9 : i32
      %eq3A_76 = arith.cmpi eq, %add3A_43, %eq3A : i32
      %convert_element_type3A_77 = arith.extui %eq3A_76 : i1 to i32
      %cond3A_78 = arith.constant 0 : i32
      %cond3A_79 = arith.cmpi ne, %convert_element_type3A_77, %cond3A_78 : i32
      scf.if %cond3A_79 {
        %scan3A_194 = arith.constant 0 : i32
        %scan3A_195 = arith.constant 128 : i32
        %scan3A_196 = arith.addi %scan3A_194, %scan3A_195 : i32
        %scan3A_197 = arith.constant 1 : i32
        scf.for %scan3A_205 = %scan3A_194 to %scan3A_196 step %scan3A_197  : i32 {
          %mul3A_206 = arith.constant 1 : i32
          %mul3A_207 = arith.muli %scan3A_205, %mul3A_206 : i32
          %add3A_208 = arith.constant 0 : i32
          %add3A_209 = arith.addi %add3A_208, %mul3A_207 : i32
          %add3A_210 = arith.constant 0 : i32
          %add3A_211 = arith.addi %add3A_210, %add3A_209 : i32
          %get3A = arith.index_cast %add3A_211 : i32 to index
          %get3A_212 = arith.constant 0 : index
          %get3A_213 = tpu.vector_load %arg15[%get3A, %get3A_212] {strides = array<i32>} : memref<640x16xf32, #tpu.memory_space<vmem>>, vector<16xf32>,
          %bitcast3A = vector.bitcast %get3A_213 : vector<16xf32> to vector<16xi32>
          %shift_right_arithmetic3A = arith.constant 1 : i32
          %shift_right_arithmetic3A_214 = vector.broadcast %shift_right_arithmetic3A : i32 to vector<16xi32>
          %shift_right_arithmetic3A_215 = arith.shrsi %bitcast3A, %shift_right_arithmetic3A_214 : vector<16xi32>
          %sub3A = arith.constant 1597463007 : i32
          %sub3A_216 = vector.broadcast %sub3A : i32 to vector<16xi32>
          %sub3A_217 = arith.subi %sub3A_216, %shift_right_arithmetic3A_215 : vector<16xi32>
          %bitcast3A_218 = vector.bitcast %sub3A_217 : vector<16xi32> to vector<16xf32>
          %mul3A_219 = arith.constant 5.000000e-01 : f32
          %mul3A_220 = vector.broadcast %mul3A_219 : f32 to vector<16xf32>
          %mul3A_221 = arith.mulf %mul3A_220, %get3A_213 : vector<16xf32>
          %mul3A_222 = arith.mulf %mul3A_221, %bitcast3A_218 : vector<16xf32>
          %mul3A_223 = arith.mulf %mul3A_222, %bitcast3A_218 : vector<16xf32>
          %sub3A_224 = arith.constant 1.500000e+00 : f32
          %sub3A_225 = vector.broadcast %sub3A_224 : f32 to vector<16xf32>
          %sub3A_226 = arith.subf %sub3A_225, %mul3A_223 : vector<16xf32>
          %mul3A_227 = arith.mulf %bitcast3A_218, %sub3A_226 : vector<16xf32>
          %mul3A_228 = arith.constant 5.000000e-01 : f32
          %mul3A_229 = vector.broadcast %mul3A_228 : f32 to vector<16xf32>
          %mul3A_230 = arith.mulf %mul3A_229, %get3A_213 : vector<16xf32>
          %mul3A_231 = arith.mulf %mul3A_230, %mul3A_227 : vector<16xf32>
          %mul3A_232 = arith.mulf %mul3A_231, %mul3A_227 : vector<16xf32>
          %sub3A_233 = arith.constant 1.500000e+00 : f32
          %sub3A_234 = vector.broadcast %sub3A_233 : f32 to vector<16xf32>
          %sub3A_235 = arith.subf %sub3A_234, %mul3A_232 : vector<16xf32>
          %mul3A_236 = arith.mulf %mul3A_227, %sub3A_235 : vector<16xf32>
          %mul3A_237 = arith.constant 5.000000e-01 : f32
          %mul3A_238 = vector.broadcast %mul3A_237 : f32 to vector<16xf32>
          %mul3A_239 = arith.mulf %mul3A_238, %get3A_213 : vector<16xf32>
          %mul3A_240 = arith.mulf %mul3A_239, %mul3A_236 : vector<16xf32>
          %mul3A_241 = arith.mulf %mul3A_240, %mul3A_236 : vector<16xf32>
          %sub3A_242 = arith.constant 1.500000e+00 : f32
          %sub3A_243 = vector.broadcast %sub3A_242 : f32 to vector<16xf32>
          %sub3A_244 = arith.subf %sub3A_243, %mul3A_241 : vector<16xf32>
          %mul3A_245 = arith.mulf %mul3A_236, %sub3A_244 : vector<16xf32>
          %mul3A_246 = arith.mulf %get3A_213, %mul3A_245 : vector<16xf32>
          %mul3A_247 = arith.constant 0.899999976 : f32
          %mul3A_248 = vector.broadcast %mul3A_247 : f32 to vector<16xf32>
          %mul3A_249 = arith.mulf %mul3A_248, %mul3A_245 : vector<16xf32>
          %get3A_250 = arith.index_cast %add3A_209 : i32 to index
          %get3A_251 = arith.constant 0 : index
          %get3A_252 = tpu.vector_load %arg13[%get3A_250, %get3A_251] {strides = array<i32>} : memref<128x32xf32, #tpu.memory_space<vmem>>, vector<16xf32>,
          %mul3A_253 = arith.mulf %mul3A_249, %get3A_252 : vector<16xf32>
          %add3A_254 = arith.constant 0 : i32
          %add3A_255 = arith.addi %add3A_254, %add3A_209 : i32
          %get3A_256 = arith.index_cast %add3A_255 : i32 to index
          %get3A_257 = arith.constant 0 : index
          %get3A_258 = tpu.vector_load %arg16[%get3A_256, %get3A_257] {strides = array<i32>} : memref<640x32xf32, #tpu.memory_space<vmem>>, vector<16xf32>,
          %mul3A_259 = arith.mulf %get3A_258, %mul3A_246 : vector<16xf32>
          %add3A_260 = arith.addf %mul3A_253, %mul3A_259 : vector<16xf32>
          %swap3A = arith.index_cast %add3A_209 : i32 to index
          %swap3A_261 = arith.constant 0 : index
          %swap3A_262 = tpu.vector_load %arg14[%swap3A, %swap3A_261] {strides = array<i32>} : memref<128x32xf32, #tpu.memory_space<vmem>>, vector<16xf32>,
          tpu.vector_store %arg14[%swap3A, %swap3A_261], %add3A_260 {strides = array<i32>} : memref<128x32xf32, #tpu.memory_space<vmem>>, vector<16xf32>,
          %get3A_263 = arith.index_cast %add3A_209 : i32 to index
          %get3A_264 = arith.constant 16 : index
          %get3A_265 = tpu.vector_load %arg13[%get3A_263, %get3A_264] {strides = array<i32>} : memref<128x32xf32, #tpu.memory_space<vmem>>, vector<16xf32>,
          %mul3A_266 = arith.mulf %mul3A_249, %get3A_265 : vector<16xf32>
          %add3A_267 = arith.constant 0 : i32
          %add3A_268 = arith.addi %add3A_267, %add3A_209 : i32
          %get3A_269 = arith.index_cast %add3A_268 : i32 to index
          %get3A_270 = arith.constant 16 : index
          %get3A_271 = tpu.vector_load %arg16[%get3A_269, %get3A_270] {strides = array<i32>} : memref<640x32xf32, #tpu.memory_space<vmem>>, vector<16xf32>,
          %mul3A_272 = arith.mulf %get3A_271, %mul3A_246 : vector<16xf32>
          %add3A_273 = arith.addf %mul3A_266, %mul3A_272 : vector<16xf32>
          %swap3A_274 = arith.index_cast %add3A_209 : i32 to index
          %swap3A_275 = arith.constant 16 : index
          %swap3A_276 = tpu.vector_load %arg14[%swap3A_274, %swap3A_275] {strides = array<i32>} : memref<128x32xf32, #tpu.memory_space<vmem>>, vector<16xf32>,
          tpu.vector_store %arg14[%swap3A_274, %swap3A_275], %add3A_273 {strides = array<i32>} : memref<128x32xf32, #tpu.memory_space<vmem>>, vector<16xf32>,
        }
        %scan3A_198 = arith.constant 128 : i32
        %dma_start3A_199 = arith.constant 0 : i32
        %dma_start3A_200 = tpu.memref_slice %arg5[%arg0, %add3A_63, %dma_start3A_199] : memref<2x10240x32xf32, #tpu.memory_space<hbm>> -> memref<1x128x32xf32, #tpu.memory_space<hbm>>
        %dma_start3A_201 = tpu.memref_squeeze %dma_start3A_200 : memref<1x128x32xf32, #tpu.memory_space<hbm>> -> memref<128x32xf32, #tpu.memory_space<hbm>>
        %dma_start3A_202 = arith.constant 0 : i32
        %dma_start3A_203 = tpu.memref_slice %arg5[%arg0, %add3A_63, %dma_start3A_202] : memref<2x10240x32xf32, #tpu.memory_space<hbm>> -> memref<1x128x32xf32, #tpu.memory_space<hbm>>
        %dma_start3A_204 = tpu.memref_squeeze %dma_start3A_203 : memref<1x128x32xf32, #tpu.memory_space<hbm>> -> memref<128x32xf32, #tpu.memory_space<hbm>>
        tpu.enqueue_dma source(%arg14 : memref<128x32xf32, #tpu.memory_space<vmem>>) target(%dma_start3A_204 : memref<128x32xf32, #tpu.memory_space<hbm>>) target_semaphore(%arg22 : memref<!tpu.dma_semaphore, #tpu.memory_space<semaphore_mem>>)
      } else {
      }
      %add3A_80 = arith.constant 128 : i32
      %add3A_81 = arith.addi %mul3A_0, %add3A_80 : i32
      "tpu.region"() ({
        %run_scoped3A = tpu.sem_alloc : memref<!tpu.dma_semaphore, #tpu.memory_space<semaphore_mem>>
        %dma_start3A_194 = arith.constant 0 : i32
        %dma_start3A_195 = tpu.memref_slice %arg7[%add3A_81, %dma_start3A_194] : memref<10240x32xf32, #tpu.memory_space<vmem_shared>> -> memref<128x32xf32, #tpu.memory_space<vmem_shared>>
        %dma_start3A_196 = arith.constant 0 : i32
        %dma_start3A_197 = tpu.memref_slice %arg7[%add3A_81, %dma_start3A_196] : memref<10240x32xf32, #tpu.memory_space<vmem_shared>> -> memref<128x32xf32, #tpu.memory_space<vmem_shared>>
        tpu.enqueue_dma source(%dma_start3A_197 : memref<128x32xf32, #tpu.memory_space<vmem_shared>>) target(%arg13 : memref<128x32xf32, #tpu.memory_space<vmem>>) target_semaphore(%run_scoped3A : memref<!tpu.dma_semaphore, #tpu.memory_space<semaphore_mem>>)
        %dma_wait3A_198 = arith.constant 0 : i32
        %dma_wait3A_199 = tpu.memref_slice %arg7[%add3A_81, %dma_wait3A_198] : memref<10240x32xf32, #tpu.memory_space<vmem_shared>> -> memref<128x32xf32, #tpu.memory_space<vmem_shared>>
        %dma_wait3A_200 = arith.constant 0 : i32
        %dma_wait3A_201 = tpu.memref_slice %arg7[%add3A_81, %dma_wait3A_200] : memref<10240x32xf32, #tpu.memory_space<vmem_shared>> -> memref<128x32xf32, #tpu.memory_space<vmem_shared>>
        tpu.wait_dma2 semaphore(%run_scoped3A : memref<!tpu.dma_semaphore, #tpu.memory_space<semaphore_mem>>) src(%dma_wait3A_201 : memref<128x32xf32, #tpu.memory_space<vmem_shared>>) dst(%arg13 : memref<128x32xf32, #tpu.memory_space<vmem>>)
        tpu.yield
      }) : () -> ()
      %dma_start3A_82 = arith.constant 0 : i32
      %dma_start3A_83 = tpu.memref_slice %arg7[%add3A_81, %dma_start3A_82] : memref<10240x32xf32, #tpu.memory_space<vmem_shared>> -> memref<64x32xf32, #tpu.memory_space<vmem_shared>>
      %dma_start3A_84 = arith.constant 0 : i32
      %dma_start3A_85 = tpu.memref_slice %arg7[%add3A_81, %dma_start3A_84] : memref<10240x32xf32, #tpu.memory_space<vmem_shared>> -> memref<64x32xf32, #tpu.memory_space<vmem_shared>>
      tpu.enqueue_dma source(%arg12 : memref<64x32xf32, #tpu.memory_space<vmem>>) target(%dma_start3A_85 : memref<64x32xf32, #tpu.memory_space<vmem_shared>>) target_semaphore(%arg21 : memref<!tpu.dma_semaphore, #tpu.memory_space<semaphore_mem>>)
      %add3A_86 = arith.constant 64 : i32
      %add3A_87 = arith.addi %add3A_81, %add3A_86 : i32
      %dma_start3A_88 = arith.constant 0 : i32
      %dma_start3A_89 = tpu.memref_slice %arg7[%add3A_87, %dma_start3A_88] : memref<10240x32xf32, #tpu.memory_space<vmem_shared>> -> memref<64x32xf32, #tpu.memory_space<vmem_shared>>
      %dma_start3A_90 = arith.constant 0 : i32
      %dma_start3A_91 = tpu.memref_slice %arg7[%add3A_87, %dma_start3A_90] : memref<10240x32xf32, #tpu.memory_space<vmem_shared>> -> memref<64x32xf32, #tpu.memory_space<vmem_shared>>
      tpu.enqueue_dma source(%arg12 : memref<64x32xf32, #tpu.memory_space<vmem>>) target(%dma_start3A_91 : memref<64x32xf32, #tpu.memory_space<vmem_shared>>) target_semaphore(%arg21 : memref<!tpu.dma_semaphore, #tpu.memory_space<semaphore_mem>>)
      %lt3A_92 = arith.constant 9 : i32
      %lt3A_93 = arith.cmpi slt, %add3A_43, %lt3A_92 : i32
      %convert_element_type3A_94 = arith.extui %lt3A_93 : i1 to i32
      %cond3A_95 = arith.constant 0 : i32
      %cond3A_96 = arith.cmpi ne, %convert_element_type3A_94, %cond3A_95 : i32
      scf.if %cond3A_96 {
        %scan3A_194 = arith.constant 0 : i32
        %scan3A_195 = arith.constant 128 : i32
        %scan3A_196 = arith.addi %scan3A_194, %scan3A_195 : i32
        %scan3A_197 = arith.constant 1 : i32
        scf.for %scan3A_203 = %scan3A_194 to %scan3A_196 step %scan3A_197  : i32 {
          %mul3A_204 = arith.constant 1 : i32
          %mul3A_205 = arith.muli %scan3A_203, %mul3A_204 : i32
          %add3A_206 = arith.constant 0 : i32
          %add3A_207 = arith.addi %add3A_206, %mul3A_205 : i32
          %add3A_208 = arith.constant 128 : i32
          %add3A_209 = arith.addi %add3A_208, %add3A_207 : i32
          %get3A = arith.index_cast %add3A_209 : i32 to index
          %get3A_210 = arith.constant 0 : index
          %get3A_211 = tpu.vector_load %arg15[%get3A, %get3A_210] {strides = array<i32>} : memref<640x16xf32, #tpu.memory_space<vmem>>, vector<16xf32>,
          %div3A = arith.constant 0.899999976 : f32
          %div3A_212 = vector.broadcast %div3A : f32 to vector<16xf32>
          %div3A_213 = arith.divf %div3A_212, %get3A_211 : vector<16xf32>
          %get3A_214 = arith.index_cast %add3A_207 : i32 to index
          %get3A_215 = arith.constant 0 : index
          %get3A_216 = tpu.vector_load %arg13[%get3A_214, %get3A_215] {strides = array<i32>} : memref<128x32xf32, #tpu.memory_space<vmem>>, vector<16xf32>,
          %mul3A_217 = arith.mulf %div3A_213, %get3A_216 : vector<16xf32>
          %add3A_218 = arith.constant 128 : i32
          %add3A_219 = arith.addi %add3A_218, %add3A_207 : i32
          %get3A_220 = arith.index_cast %add3A_219 : i32 to index
          %get3A_221 = arith.constant 0 : index
          %get3A_222 = tpu.vector_load %arg16[%get3A_220, %get3A_221] {strides = array<i32>} : memref<640x32xf32, #tpu.memory_space<vmem>>, vector<16xf32>,
          %add3A_223 = arith.addf %mul3A_217, %get3A_222 : vector<16xf32>
          %swap3A = arith.index_cast %add3A_207 : i32 to index
          %swap3A_224 = arith.constant 0 : index
          %swap3A_225 = tpu.vector_load %arg10[%swap3A, %swap3A_224] {strides = array<i32>} : memref<128x32xf32, #tpu.memory_space<vmem>>, vector<16xf32>,
          tpu.vector_store %arg10[%swap3A, %swap3A_224], %add3A_223 {strides = array<i32>} : memref<128x32xf32, #tpu.memory_space<vmem>>, vector<16xf32>,
          %get3A_226 = arith.index_cast %add3A_207 : i32 to index
          %get3A_227 = arith.constant 16 : index
          %get3A_228 = tpu.vector_load %arg13[%get3A_226, %get3A_227] {strides = array<i32>} : memref<128x32xf32, #tpu.memory_space<vmem>>, vector<16xf32>,
          %mul3A_229 = arith.mulf %div3A_213, %get3A_228 : vector<16xf32>
          %add3A_230 = arith.constant 128 : i32
          %add3A_231 = arith.addi %add3A_230, %add3A_207 : i32
          %get3A_232 = arith.index_cast %add3A_231 : i32 to index
          %get3A_233 = arith.constant 16 : index
          %get3A_234 = tpu.vector_load %arg16[%get3A_232, %get3A_233] {strides = array<i32>} : memref<640x32xf32, #tpu.memory_space<vmem>>, vector<16xf32>,
          %add3A_235 = arith.addf %mul3A_229, %get3A_234 : vector<16xf32>
          %swap3A_236 = arith.index_cast %add3A_207 : i32 to index
          %swap3A_237 = arith.constant 16 : index
          %swap3A_238 = tpu.vector_load %arg10[%swap3A_236, %swap3A_237] {strides = array<i32>} : memref<128x32xf32, #tpu.memory_space<vmem>>, vector<16xf32>,
          tpu.vector_store %arg10[%swap3A_236, %swap3A_237], %add3A_235 {strides = array<i32>} : memref<128x32xf32, #tpu.memory_space<vmem>>, vector<16xf32>,
        }
        %scan3A_198 = arith.constant 128 : i32
        %dma_start3A_199 = arith.constant 0 : i32
        %dma_start3A_200 = tpu.memref_slice %arg6[%add3A_81, %dma_start3A_199] : memref<10240x32xf32, #tpu.memory_space<vmem_shared>> -> memref<128x32xf32, #tpu.memory_space<vmem_shared>>
        %dma_start3A_201 = arith.constant 0 : i32
        %dma_start3A_202 = tpu.memref_slice %arg6[%add3A_81, %dma_start3A_201] : memref<10240x32xf32, #tpu.memory_space<vmem_shared>> -> memref<128x32xf32, #tpu.memory_space<vmem_shared>>
        tpu.enqueue_dma source(%arg10 : memref<128x32xf32, #tpu.memory_space<vmem>>) target(%dma_start3A_202 : memref<128x32xf32, #tpu.memory_space<vmem_shared>>) target_semaphore(%arg23 : memref<!tpu.dma_semaphore, #tpu.memory_space<semaphore_mem>>)
      } else {
      }
      %eq3A_97 = arith.constant 9 : i32
      %eq3A_98 = arith.cmpi eq, %add3A_43, %eq3A_97 : i32
      %convert_element_type3A_99 = arith.extui %eq3A_98 : i1 to i32
      %cond3A_100 = arith.constant 0 : i32
      %cond3A_101 = arith.cmpi ne, %convert_element_type3A_99, %cond3A_100 : i32
      scf.if %cond3A_101 {
        %scan3A_194 = arith.constant 0 : i32
        %scan3A_195 = arith.constant 128 : i32
        %scan3A_196 = arith.addi %scan3A_194, %scan3A_195 : i32
        %scan3A_197 = arith.constant 1 : i32
        scf.for %scan3A_205 = %scan3A_194 to %scan3A_196 step %scan3A_197  : i32 {
          %mul3A_206 = arith.constant 1 : i32
          %mul3A_207 = arith.muli %scan3A_205, %mul3A_206 : i32
          %add3A_208 = arith.constant 0 : i32
          %add3A_209 = arith.addi %add3A_208, %mul3A_207 : i32
          %add3A_210 = arith.constant 128 : i32
          %add3A_211 = arith.addi %add3A_210, %add3A_209 : i32
          %get3A = arith.index_cast %add3A_211 : i32 to index
          %get3A_212 = arith.constant 0 : index
          %get3A_213 = tpu.vector_load %arg15[%get3A, %get3A_212] {strides = array<i32>} : memref<640x16xf32, #tpu.memory_space<vmem>>, vector<16xf32>,
          %bitcast3A = vector.bitcast %get3A_213 : vector<16xf32> to vector<16xi32>
          %shift_right_arithmetic3A = arith.constant 1 : i32
          %shift_right_arithmetic3A_214 = vector.broadcast %shift_right_arithmetic3A : i32 to vector<16xi32>
          %shift_right_arithmetic3A_215 = arith.shrsi %bitcast3A, %shift_right_arithmetic3A_214 : vector<16xi32>
          %sub3A = arith.constant 1597463007 : i32
          %sub3A_216 = vector.broadcast %sub3A : i32 to vector<16xi32>
          %sub3A_217 = arith.subi %sub3A_216, %shift_right_arithmetic3A_215 : vector<16xi32>
          %bitcast3A_218 = vector.bitcast %sub3A_217 : vector<16xi32> to vector<16xf32>
          %mul3A_219 = arith.constant 5.000000e-01 : f32
          %mul3A_220 = vector.broadcast %mul3A_219 : f32 to vector<16xf32>
          %mul3A_221 = arith.mulf %mul3A_220, %get3A_213 : vector<16xf32>
          %mul3A_222 = arith.mulf %mul3A_221, %bitcast3A_218 : vector<16xf32>
          %mul3A_223 = arith.mulf %mul3A_222, %bitcast3A_218 : vector<16xf32>
          %sub3A_224 = arith.constant 1.500000e+00 : f32
          %sub3A_225 = vector.broadcast %sub3A_224 : f32 to vector<16xf32>
          %sub3A_226 = arith.subf %sub3A_225, %mul3A_223 : vector<16xf32>
          %mul3A_227 = arith.mulf %bitcast3A_218, %sub3A_226 : vector<16xf32>
          %mul3A_228 = arith.constant 5.000000e-01 : f32
          %mul3A_229 = vector.broadcast %mul3A_228 : f32 to vector<16xf32>
          %mul3A_230 = arith.mulf %mul3A_229, %get3A_213 : vector<16xf32>
          %mul3A_231 = arith.mulf %mul3A_230, %mul3A_227 : vector<16xf32>
          %mul3A_232 = arith.mulf %mul3A_231, %mul3A_227 : vector<16xf32>
          %sub3A_233 = arith.constant 1.500000e+00 : f32
          %sub3A_234 = vector.broadcast %sub3A_233 : f32 to vector<16xf32>
          %sub3A_235 = arith.subf %sub3A_234, %mul3A_232 : vector<16xf32>
          %mul3A_236 = arith.mulf %mul3A_227, %sub3A_235 : vector<16xf32>
          %mul3A_237 = arith.constant 5.000000e-01 : f32
          %mul3A_238 = vector.broadcast %mul3A_237 : f32 to vector<16xf32>
          %mul3A_239 = arith.mulf %mul3A_238, %get3A_213 : vector<16xf32>
          %mul3A_240 = arith.mulf %mul3A_239, %mul3A_236 : vector<16xf32>
          %mul3A_241 = arith.mulf %mul3A_240, %mul3A_236 : vector<16xf32>
          %sub3A_242 = arith.constant 1.500000e+00 : f32
          %sub3A_243 = vector.broadcast %sub3A_242 : f32 to vector<16xf32>
          %sub3A_244 = arith.subf %sub3A_243, %mul3A_241 : vector<16xf32>
          %mul3A_245 = arith.mulf %mul3A_236, %sub3A_244 : vector<16xf32>
          %mul3A_246 = arith.mulf %get3A_213, %mul3A_245 : vector<16xf32>
          %mul3A_247 = arith.constant 0.899999976 : f32
          %mul3A_248 = vector.broadcast %mul3A_247 : f32 to vector<16xf32>
          %mul3A_249 = arith.mulf %mul3A_248, %mul3A_245 : vector<16xf32>
          %get3A_250 = arith.index_cast %add3A_209 : i32 to index
          %get3A_251 = arith.constant 0 : index
          %get3A_252 = tpu.vector_load %arg13[%get3A_250, %get3A_251] {strides = array<i32>} : memref<128x32xf32, #tpu.memory_space<vmem>>, vector<16xf32>,
          %mul3A_253 = arith.mulf %mul3A_249, %get3A_252 : vector<16xf32>
          %add3A_254 = arith.constant 128 : i32
          %add3A_255 = arith.addi %add3A_254, %add3A_209 : i32
          %get3A_256 = arith.index_cast %add3A_255 : i32 to index
          %get3A_257 = arith.constant 0 : index
          %get3A_258 = tpu.vector_load %arg16[%get3A_256, %get3A_257] {strides = array<i32>} : memref<640x32xf32, #tpu.memory_space<vmem>>, vector<16xf32>,
          %mul3A_259 = arith.mulf %get3A_258, %mul3A_246 : vector<16xf32>
          %add3A_260 = arith.addf %mul3A_253, %mul3A_259 : vector<16xf32>
          %swap3A = arith.index_cast %add3A_209 : i32 to index
          %swap3A_261 = arith.constant 0 : index
          %swap3A_262 = tpu.vector_load %arg10[%swap3A, %swap3A_261] {strides = array<i32>} : memref<128x32xf32, #tpu.memory_space<vmem>>, vector<16xf32>,
          tpu.vector_store %arg10[%swap3A, %swap3A_261], %add3A_260 {strides = array<i32>} : memref<128x32xf32, #tpu.memory_space<vmem>>, vector<16xf32>,
          %get3A_263 = arith.index_cast %add3A_209 : i32 to index
          %get3A_264 = arith.constant 16 : index
          %get3A_265 = tpu.vector_load %arg13[%get3A_263, %get3A_264] {strides = array<i32>} : memref<128x32xf32, #tpu.memory_space<vmem>>, vector<16xf32>,
          %mul3A_266 = arith.mulf %mul3A_249, %get3A_265 : vector<16xf32>
          %add3A_267 = arith.constant 128 : i32
          %add3A_268 = arith.addi %add3A_267, %add3A_209 : i32
          %get3A_269 = arith.index_cast %add3A_268 : i32 to index
          %get3A_270 = arith.constant 16 : index
          %get3A_271 = tpu.vector_load %arg16[%get3A_269, %get3A_270] {strides = array<i32>} : memref<640x32xf32, #tpu.memory_space<vmem>>, vector<16xf32>,
          %mul3A_272 = arith.mulf %get3A_271, %mul3A_246 : vector<16xf32>
          %add3A_273 = arith.addf %mul3A_266, %mul3A_272 : vector<16xf32>
          %swap3A_274 = arith.index_cast %add3A_209 : i32 to index
          %swap3A_275 = arith.constant 16 : index
          %swap3A_276 = tpu.vector_load %arg10[%swap3A_274, %swap3A_275] {strides = array<i32>} : memref<128x32xf32, #tpu.memory_space<vmem>>, vector<16xf32>,
          tpu.vector_store %arg10[%swap3A_274, %swap3A_275], %add3A_273 {strides = array<i32>} : memref<128x32xf32, #tpu.memory_space<vmem>>, vector<16xf32>,
        }
        %scan3A_198 = arith.constant 128 : i32
        %dma_start3A_199 = arith.constant 0 : i32
        %dma_start3A_200 = tpu.memref_slice %arg5[%arg0, %add3A_81, %dma_start3A_199] : memref<2x10240x32xf32, #tpu.memory_space<hbm>> -> memref<1x128x32xf32, #tpu.memory_space<hbm>>
        %dma_start3A_201 = tpu.memref_squeeze %dma_start3A_200 : memref<1x128x32xf32, #tpu.memory_space<hbm>> -> memref<128x32xf32, #tpu.memory_space<hbm>>
        %dma_start3A_202 = arith.constant 0 : i32
        %dma_start3A_203 = tpu.memref_slice %arg5[%arg0, %add3A_81, %dma_start3A_202] : memref<2x10240x32xf32, #tpu.memory_space<hbm>> -> memref<1x128x32xf32, #tpu.memory_space<hbm>>
        %dma_start3A_204 = tpu.memref_squeeze %dma_start3A_203 : memref<1x128x32xf32, #tpu.memory_space<hbm>> -> memref<128x32xf32, #tpu.memory_space<hbm>>
        tpu.enqueue_dma source(%arg10 : memref<128x32xf32, #tpu.memory_space<vmem>>) target(%dma_start3A_204 : memref<128x32xf32, #tpu.memory_space<hbm>>) target_semaphore(%arg23 : memref<!tpu.dma_semaphore, #tpu.memory_space<semaphore_mem>>)
      } else {
      }
      %add3A_102 = arith.constant 256 : i32
      %add3A_103 = arith.addi %mul3A_0, %add3A_102 : i32
      "tpu.region"() ({
        %run_scoped3A = tpu.sem_alloc : memref<!tpu.dma_semaphore, #tpu.memory_space<semaphore_mem>>
        %dma_start3A_194 = arith.constant 0 : i32
        %dma_start3A_195 = tpu.memref_slice %arg7[%add3A_103, %dma_start3A_194] : memref<10240x32xf32, #tpu.memory_space<vmem_shared>> -> memref<128x32xf32, #tpu.memory_space<vmem_shared>>
        %dma_start3A_196 = arith.constant 0 : i32
        %dma_start3A_197 = tpu.memref_slice %arg7[%add3A_103, %dma_start3A_196] : memref<10240x32xf32, #tpu.memory_space<vmem_shared>> -> memref<128x32xf32, #tpu.memory_space<vmem_shared>>
        tpu.enqueue_dma source(%dma_start3A_197 : memref<128x32xf32, #tpu.memory_space<vmem_shared>>) target(%arg13 : memref<128x32xf32, #tpu.memory_space<vmem>>) target_semaphore(%run_scoped3A : memref<!tpu.dma_semaphore, #tpu.memory_space<semaphore_mem>>)
        %dma_wait3A_198 = arith.constant 0 : i32
        %dma_wait3A_199 = tpu.memref_slice %arg7[%add3A_103, %dma_wait3A_198] : memref<10240x32xf32, #tpu.memory_space<vmem_shared>> -> memref<128x32xf32, #tpu.memory_space<vmem_shared>>
        %dma_wait3A_200 = arith.constant 0 : i32
        %dma_wait3A_201 = tpu.memref_slice %arg7[%add3A_103, %dma_wait3A_200] : memref<10240x32xf32, #tpu.memory_space<vmem_shared>> -> memref<128x32xf32, #tpu.memory_space<vmem_shared>>
        tpu.wait_dma2 semaphore(%run_scoped3A : memref<!tpu.dma_semaphore, #tpu.memory_space<semaphore_mem>>) src(%dma_wait3A_201 : memref<128x32xf32, #tpu.memory_space<vmem_shared>>) dst(%arg13 : memref<128x32xf32, #tpu.memory_space<vmem>>)
        tpu.yield
      }) : () -> ()
      %dma_start3A_104 = arith.constant 0 : i32
      %dma_start3A_105 = tpu.memref_slice %arg7[%add3A_103, %dma_start3A_104] : memref<10240x32xf32, #tpu.memory_space<vmem_shared>> -> memref<64x32xf32, #tpu.memory_space<vmem_shared>>
      %dma_start3A_106 = arith.constant 0 : i32
      %dma_start3A_107 = tpu.memref_slice %arg7[%add3A_103, %dma_start3A_106] : memref<10240x32xf32, #tpu.memory_space<vmem_shared>> -> memref<64x32xf32, #tpu.memory_space<vmem_shared>>
      tpu.enqueue_dma source(%arg12 : memref<64x32xf32, #tpu.memory_space<vmem>>) target(%dma_start3A_107 : memref<64x32xf32, #tpu.memory_space<vmem_shared>>) target_semaphore(%arg21 : memref<!tpu.dma_semaphore, #tpu.memory_space<semaphore_mem>>)
      %add3A_108 = arith.constant 64 : i32
      %add3A_109 = arith.addi %add3A_103, %add3A_108 : i32
      %dma_start3A_110 = arith.constant 0 : i32
      %dma_start3A_111 = tpu.memref_slice %arg7[%add3A_109, %dma_start3A_110] : memref<10240x32xf32, #tpu.memory_space<vmem_shared>> -> memref<64x32xf32, #tpu.memory_space<vmem_shared>>
      %dma_start3A_112 = arith.constant 0 : i32
      %dma_start3A_113 = tpu.memref_slice %arg7[%add3A_109, %dma_start3A_112] : memref<10240x32xf32, #tpu.memory_space<vmem_shared>> -> memref<64x32xf32, #tpu.memory_space<vmem_shared>>
      tpu.enqueue_dma source(%arg12 : memref<64x32xf32, #tpu.memory_space<vmem>>) target(%dma_start3A_113 : memref<64x32xf32, #tpu.memory_space<vmem_shared>>) target_semaphore(%arg21 : memref<!tpu.dma_semaphore, #tpu.memory_space<semaphore_mem>>)
      %dma_wait3A_114 = arith.constant 0 : i32
      %dma_wait3A_115 = tpu.memref_slice %arg6[%mul3A_0, %dma_wait3A_114] : memref<10240x32xf32, #tpu.memory_space<vmem_shared>> -> memref<128x32xf32, #tpu.memory_space<vmem_shared>>
      %dma_wait3A_116 = arith.constant 0 : i32
      %dma_wait3A_117 = tpu.memref_slice %arg6[%mul3A_0, %dma_wait3A_116] : memref<10240x32xf32, #tpu.memory_space<vmem_shared>> -> memref<128x32xf32, #tpu.memory_space<vmem_shared>>
      tpu.wait_dma2 semaphore(%arg22 : memref<!tpu.dma_semaphore, #tpu.memory_space<semaphore_mem>>) src(%arg14 : memref<128x32xf32, #tpu.memory_space<vmem>>) dst(%dma_wait3A_117 : memref<128x32xf32, #tpu.memory_space<vmem_shared>>)
      %lt3A_118 = arith.constant 9 : i32
      %lt3A_119 = arith.cmpi slt, %add3A_43, %lt3A_118 : i32
      %convert_element_type3A_120 = arith.extui %lt3A_119 : i1 to i32
      %cond3A_121 = arith.constant 0 : i32
      %cond3A_122 = arith.cmpi ne, %convert_element_type3A_120, %cond3A_121 : i32
      scf.if %cond3A_122 {
        %scan3A_194 = arith.constant 0 : i32
        %scan3A_195 = arith.constant 128 : i32
        %scan3A_196 = arith.addi %scan3A_194, %scan3A_195 : i32
        %scan3A_197 = arith.constant 1 : i32
        scf.for %scan3A_203 = %scan3A_194 to %scan3A_196 step %scan3A_197  : i32 {
          %mul3A_204 = arith.constant 1 : i32
          %mul3A_205 = arith.muli %scan3A_203, %mul3A_204 : i32
          %add3A_206 = arith.constant 0 : i32
          %add3A_207 = arith.addi %add3A_206, %mul3A_205 : i32
          %add3A_208 = arith.constant 256 : i32
          %add3A_209 = arith.addi %add3A_208, %add3A_207 : i32
          %get3A = arith.index_cast %add3A_209 : i32 to index
          %get3A_210 = arith.constant 0 : index
          %get3A_211 = tpu.vector_load %arg15[%get3A, %get3A_210] {strides = array<i32>} : memref<640x16xf32, #tpu.memory_space<vmem>>, vector<16xf32>,
          %div3A = arith.constant 0.899999976 : f32
          %div3A_212 = vector.broadcast %div3A : f32 to vector<16xf32>
          %div3A_213 = arith.divf %div3A_212, %get3A_211 : vector<16xf32>
          %get3A_214 = arith.index_cast %add3A_207 : i32 to index
          %get3A_215 = arith.constant 0 : index
          %get3A_216 = tpu.vector_load %arg13[%get3A_214, %get3A_215] {strides = array<i32>} : memref<128x32xf32, #tpu.memory_space<vmem>>, vector<16xf32>,
          %mul3A_217 = arith.mulf %div3A_213, %get3A_216 : vector<16xf32>
          %add3A_218 = arith.constant 256 : i32
          %add3A_219 = arith.addi %add3A_218, %add3A_207 : i32
          %get3A_220 = arith.index_cast %add3A_219 : i32 to index
          %get3A_221 = arith.constant 0 : index
          %get3A_222 = tpu.vector_load %arg16[%get3A_220, %get3A_221] {strides = array<i32>} : memref<640x32xf32, #tpu.memory_space<vmem>>, vector<16xf32>,
          %add3A_223 = arith.addf %mul3A_217, %get3A_222 : vector<16xf32>
          %swap3A = arith.index_cast %add3A_207 : i32 to index
          %swap3A_224 = arith.constant 0 : index
          %swap3A_225 = tpu.vector_load %arg14[%swap3A, %swap3A_224] {strides = array<i32>} : memref<128x32xf32, #tpu.memory_space<vmem>>, vector<16xf32>,
          tpu.vector_store %arg14[%swap3A, %swap3A_224], %add3A_223 {strides = array<i32>} : memref<128x32xf32, #tpu.memory_space<vmem>>, vector<16xf32>,
          %get3A_226 = arith.index_cast %add3A_207 : i32 to index
          %get3A_227 = arith.constant 16 : index
          %get3A_228 = tpu.vector_load %arg13[%get3A_226, %get3A_227] {strides = array<i32>} : memref<128x32xf32, #tpu.memory_space<vmem>>, vector<16xf32>,
          %mul3A_229 = arith.mulf %div3A_213, %get3A_228 : vector<16xf32>
          %add3A_230 = arith.constant 256 : i32
          %add3A_231 = arith.addi %add3A_230, %add3A_207 : i32
          %get3A_232 = arith.index_cast %add3A_231 : i32 to index
          %get3A_233 = arith.constant 16 : index
          %get3A_234 = tpu.vector_load %arg16[%get3A_232, %get3A_233] {strides = array<i32>} : memref<640x32xf32, #tpu.memory_space<vmem>>, vector<16xf32>,
          %add3A_235 = arith.addf %mul3A_229, %get3A_234 : vector<16xf32>
          %swap3A_236 = arith.index_cast %add3A_207 : i32 to index
          %swap3A_237 = arith.constant 16 : index
          %swap3A_238 = tpu.vector_load %arg14[%swap3A_236, %swap3A_237] {strides = array<i32>} : memref<128x32xf32, #tpu.memory_space<vmem>>, vector<16xf32>,
          tpu.vector_store %arg14[%swap3A_236, %swap3A_237], %add3A_235 {strides = array<i32>} : memref<128x32xf32, #tpu.memory_space<vmem>>, vector<16xf32>,
        }
        %scan3A_198 = arith.constant 128 : i32
        %dma_start3A_199 = arith.constant 0 : i32
        %dma_start3A_200 = tpu.memref_slice %arg6[%add3A_103, %dma_start3A_199] : memref<10240x32xf32, #tpu.memory_space<vmem_shared>> -> memref<128x32xf32, #tpu.memory_space<vmem_shared>>
        %dma_start3A_201 = arith.constant 0 : i32
        %dma_start3A_202 = tpu.memref_slice %arg6[%add3A_103, %dma_start3A_201] : memref<10240x32xf32, #tpu.memory_space<vmem_shared>> -> memref<128x32xf32, #tpu.memory_space<vmem_shared>>
        tpu.enqueue_dma source(%arg14 : memref<128x32xf32, #tpu.memory_space<vmem>>) target(%dma_start3A_202 : memref<128x32xf32, #tpu.memory_space<vmem_shared>>) target_semaphore(%arg22 : memref<!tpu.dma_semaphore, #tpu.memory_space<semaphore_mem>>)
      } else {
      }
      %eq3A_123 = arith.constant 9 : i32
      %eq3A_124 = arith.cmpi eq, %add3A_43, %eq3A_123 : i32
      %convert_element_type3A_125 = arith.extui %eq3A_124 : i1 to i32
      %cond3A_126 = arith.constant 0 : i32
      %cond3A_127 = arith.cmpi ne, %convert_element_type3A_125, %cond3A_126 : i32
      scf.if %cond3A_127 {
        %scan3A_194 = arith.constant 0 : i32
        %scan3A_195 = arith.constant 128 : i32
        %scan3A_196 = arith.addi %scan3A_194, %scan3A_195 : i32
        %scan3A_197 = arith.constant 1 : i32
        scf.for %scan3A_205 = %scan3A_194 to %scan3A_196 step %scan3A_197  : i32 {
          %mul3A_206 = arith.constant 1 : i32
          %mul3A_207 = arith.muli %scan3A_205, %mul3A_206 : i32
          %add3A_208 = arith.constant 0 : i32
          %add3A_209 = arith.addi %add3A_208, %mul3A_207 : i32
          %add3A_210 = arith.constant 256 : i32
          %add3A_211 = arith.addi %add3A_210, %add3A_209 : i32
          %get3A = arith.index_cast %add3A_211 : i32 to index
          %get3A_212 = arith.constant 0 : index
          %get3A_213 = tpu.vector_load %arg15[%get3A, %get3A_212] {strides = array<i32>} : memref<640x16xf32, #tpu.memory_space<vmem>>, vector<16xf32>,
          %bitcast3A = vector.bitcast %get3A_213 : vector<16xf32> to vector<16xi32>
          %shift_right_arithmetic3A = arith.constant 1 : i32
          %shift_right_arithmetic3A_214 = vector.broadcast %shift_right_arithmetic3A : i32 to vector<16xi32>
          %shift_right_arithmetic3A_215 = arith.shrsi %bitcast3A, %shift_right_arithmetic3A_214 : vector<16xi32>
          %sub3A = arith.constant 1597463007 : i32
          %sub3A_216 = vector.broadcast %sub3A : i32 to vector<16xi32>
          %sub3A_217 = arith.subi %sub3A_216, %shift_right_arithmetic3A_215 : vector<16xi32>
          %bitcast3A_218 = vector.bitcast %sub3A_217 : vector<16xi32> to vector<16xf32>
          %mul3A_219 = arith.constant 5.000000e-01 : f32
          %mul3A_220 = vector.broadcast %mul3A_219 : f32 to vector<16xf32>
          %mul3A_221 = arith.mulf %mul3A_220, %get3A_213 : vector<16xf32>
          %mul3A_222 = arith.mulf %mul3A_221, %bitcast3A_218 : vector<16xf32>
          %mul3A_223 = arith.mulf %mul3A_222, %bitcast3A_218 : vector<16xf32>
          %sub3A_224 = arith.constant 1.500000e+00 : f32
          %sub3A_225 = vector.broadcast %sub3A_224 : f32 to vector<16xf32>
          %sub3A_226 = arith.subf %sub3A_225, %mul3A_223 : vector<16xf32>
          %mul3A_227 = arith.mulf %bitcast3A_218, %sub3A_226 : vector<16xf32>
          %mul3A_228 = arith.constant 5.000000e-01 : f32
          %mul3A_229 = vector.broadcast %mul3A_228 : f32 to vector<16xf32>
          %mul3A_230 = arith.mulf %mul3A_229, %get3A_213 : vector<16xf32>
          %mul3A_231 = arith.mulf %mul3A_230, %mul3A_227 : vector<16xf32>
          %mul3A_232 = arith.mulf %mul3A_231, %mul3A_227 : vector<16xf32>
          %sub3A_233 = arith.constant 1.500000e+00 : f32
          %sub3A_234 = vector.broadcast %sub3A_233 : f32 to vector<16xf32>
          %sub3A_235 = arith.subf %sub3A_234, %mul3A_232 : vector<16xf32>
          %mul3A_236 = arith.mulf %mul3A_227, %sub3A_235 : vector<16xf32>
          %mul3A_237 = arith.constant 5.000000e-01 : f32
          %mul3A_238 = vector.broadcast %mul3A_237 : f32 to vector<16xf32>
          %mul3A_239 = arith.mulf %mul3A_238, %get3A_213 : vector<16xf32>
          %mul3A_240 = arith.mulf %mul3A_239, %mul3A_236 : vector<16xf32>
          %mul3A_241 = arith.mulf %mul3A_240, %mul3A_236 : vector<16xf32>
          %sub3A_242 = arith.constant 1.500000e+00 : f32
          %sub3A_243 = vector.broadcast %sub3A_242 : f32 to vector<16xf32>
          %sub3A_244 = arith.subf %sub3A_243, %mul3A_241 : vector<16xf32>
          %mul3A_245 = arith.mulf %mul3A_236, %sub3A_244 : vector<16xf32>
          %mul3A_246 = arith.mulf %get3A_213, %mul3A_245 : vector<16xf32>
          %mul3A_247 = arith.constant 0.899999976 : f32
          %mul3A_248 = vector.broadcast %mul3A_247 : f32 to vector<16xf32>
          %mul3A_249 = arith.mulf %mul3A_248, %mul3A_245 : vector<16xf32>
          %get3A_250 = arith.index_cast %add3A_209 : i32 to index
          %get3A_251 = arith.constant 0 : index
          %get3A_252 = tpu.vector_load %arg13[%get3A_250, %get3A_251] {strides = array<i32>} : memref<128x32xf32, #tpu.memory_space<vmem>>, vector<16xf32>,
          %mul3A_253 = arith.mulf %mul3A_249, %get3A_252 : vector<16xf32>
          %add3A_254 = arith.constant 256 : i32
          %add3A_255 = arith.addi %add3A_254, %add3A_209 : i32
          %get3A_256 = arith.index_cast %add3A_255 : i32 to index
          %get3A_257 = arith.constant 0 : index
          %get3A_258 = tpu.vector_load %arg16[%get3A_256, %get3A_257] {strides = array<i32>} : memref<640x32xf32, #tpu.memory_space<vmem>>, vector<16xf32>,
          %mul3A_259 = arith.mulf %get3A_258, %mul3A_246 : vector<16xf32>
          %add3A_260 = arith.addf %mul3A_253, %mul3A_259 : vector<16xf32>
          %swap3A = arith.index_cast %add3A_209 : i32 to index
          %swap3A_261 = arith.constant 0 : index
          %swap3A_262 = tpu.vector_load %arg14[%swap3A, %swap3A_261] {strides = array<i32>} : memref<128x32xf32, #tpu.memory_space<vmem>>, vector<16xf32>,
          tpu.vector_store %arg14[%swap3A, %swap3A_261], %add3A_260 {strides = array<i32>} : memref<128x32xf32, #tpu.memory_space<vmem>>, vector<16xf32>,
          %get3A_263 = arith.index_cast %add3A_209 : i32 to index
          %get3A_264 = arith.constant 16 : index
          %get3A_265 = tpu.vector_load %arg13[%get3A_263, %get3A_264] {strides = array<i32>} : memref<128x32xf32, #tpu.memory_space<vmem>>, vector<16xf32>,
          %mul3A_266 = arith.mulf %mul3A_249, %get3A_265 : vector<16xf32>
          %add3A_267 = arith.constant 256 : i32
          %add3A_268 = arith.addi %add3A_267, %add3A_209 : i32
          %get3A_269 = arith.index_cast %add3A_268 : i32 to index
          %get3A_270 = arith.constant 16 : index
          %get3A_271 = tpu.vector_load %arg16[%get3A_269, %get3A_270] {strides = array<i32>} : memref<640x32xf32, #tpu.memory_space<vmem>>, vector<16xf32>,
          %mul3A_272 = arith.mulf %get3A_271, %mul3A_246 : vector<16xf32>
          %add3A_273 = arith.addf %mul3A_266, %mul3A_272 : vector<16xf32>
          %swap3A_274 = arith.index_cast %add3A_209 : i32 to index
          %swap3A_275 = arith.constant 16 : index
          %swap3A_276 = tpu.vector_load %arg14[%swap3A_274, %swap3A_275] {strides = array<i32>} : memref<128x32xf32, #tpu.memory_space<vmem>>, vector<16xf32>,
          tpu.vector_store %arg14[%swap3A_274, %swap3A_275], %add3A_273 {strides = array<i32>} : memref<128x32xf32, #tpu.memory_space<vmem>>, vector<16xf32>,
        }
        %scan3A_198 = arith.constant 128 : i32
        %dma_start3A_199 = arith.constant 0 : i32
        %dma_start3A_200 = tpu.memref_slice %arg5[%arg0, %add3A_103, %dma_start3A_199] : memref<2x10240x32xf32, #tpu.memory_space<hbm>> -> memref<1x128x32xf32, #tpu.memory_space<hbm>>
        %dma_start3A_201 = tpu.memref_squeeze %dma_start3A_200 : memref<1x128x32xf32, #tpu.memory_space<hbm>> -> memref<128x32xf32, #tpu.memory_space<hbm>>
        %dma_start3A_202 = arith.constant 0 : i32
        %dma_start3A_203 = tpu.memref_slice %arg5[%arg0, %add3A_103, %dma_start3A_202] : memref<2x10240x32xf32, #tpu.memory_space<hbm>> -> memref<1x128x32xf32, #tpu.memory_space<hbm>>
        %dma_start3A_204 = tpu.memref_squeeze %dma_start3A_203 : memref<1x128x32xf32, #tpu.memory_space<hbm>> -> memref<128x32xf32, #tpu.memory_space<hbm>>
        tpu.enqueue_dma source(%arg14 : memref<128x32xf32, #tpu.memory_space<vmem>>) target(%dma_start3A_204 : memref<128x32xf32, #tpu.memory_space<hbm>>) target_semaphore(%arg22 : memref<!tpu.dma_semaphore, #tpu.memory_space<semaphore_mem>>)
      } else {
      }
      %add3A_128 = arith.constant 384 : i32
      %add3A_129 = arith.addi %mul3A_0, %add3A_128 : i32
      "tpu.region"() ({
        %run_scoped3A = tpu.sem_alloc : memref<!tpu.dma_semaphore, #tpu.memory_space<semaphore_mem>>
        %dma_start3A_194 = arith.constant 0 : i32
        %dma_start3A_195 = tpu.memref_slice %arg7[%add3A_129, %dma_start3A_194] : memref<10240x32xf32, #tpu.memory_space<vmem_shared>> -> memref<128x32xf32, #tpu.memory_space<vmem_shared>>
        %dma_start3A_196 = arith.constant 0 : i32
        %dma_start3A_197 = tpu.memref_slice %arg7[%add3A_129, %dma_start3A_196] : memref<10240x32xf32, #tpu.memory_space<vmem_shared>> -> memref<128x32xf32, #tpu.memory_space<vmem_shared>>
        tpu.enqueue_dma source(%dma_start3A_197 : memref<128x32xf32, #tpu.memory_space<vmem_shared>>) target(%arg13 : memref<128x32xf32, #tpu.memory_space<vmem>>) target_semaphore(%run_scoped3A : memref<!tpu.dma_semaphore, #tpu.memory_space<semaphore_mem>>)
        %dma_wait3A_198 = arith.constant 0 : i32
        %dma_wait3A_199 = tpu.memref_slice %arg7[%add3A_129, %dma_wait3A_198] : memref<10240x32xf32, #tpu.memory_space<vmem_shared>> -> memref<128x32xf32, #tpu.memory_space<vmem_shared>>
        %dma_wait3A_200 = arith.constant 0 : i32
        %dma_wait3A_201 = tpu.memref_slice %arg7[%add3A_129, %dma_wait3A_200] : memref<10240x32xf32, #tpu.memory_space<vmem_shared>> -> memref<128x32xf32, #tpu.memory_space<vmem_shared>>
        tpu.wait_dma2 semaphore(%run_scoped3A : memref<!tpu.dma_semaphore, #tpu.memory_space<semaphore_mem>>) src(%dma_wait3A_201 : memref<128x32xf32, #tpu.memory_space<vmem_shared>>) dst(%arg13 : memref<128x32xf32, #tpu.memory_space<vmem>>)
        tpu.yield
      }) : () -> ()
      %dma_start3A_130 = arith.constant 0 : i32
      %dma_start3A_131 = tpu.memref_slice %arg7[%add3A_129, %dma_start3A_130] : memref<10240x32xf32, #tpu.memory_space<vmem_shared>> -> memref<64x32xf32, #tpu.memory_space<vmem_shared>>
      %dma_start3A_132 = arith.constant 0 : i32
      %dma_start3A_133 = tpu.memref_slice %arg7[%add3A_129, %dma_start3A_132] : memref<10240x32xf32, #tpu.memory_space<vmem_shared>> -> memref<64x32xf32, #tpu.memory_space<vmem_shared>>
      tpu.enqueue_dma source(%arg12 : memref<64x32xf32, #tpu.memory_space<vmem>>) target(%dma_start3A_133 : memref<64x32xf32, #tpu.memory_space<vmem_shared>>) target_semaphore(%arg21 : memref<!tpu.dma_semaphore, #tpu.memory_space<semaphore_mem>>)
      %add3A_134 = arith.constant 64 : i32
      %add3A_135 = arith.addi %add3A_129, %add3A_134 : i32
      %dma_start3A_136 = arith.constant 0 : i32
      %dma_start3A_137 = tpu.memref_slice %arg7[%add3A_135, %dma_start3A_136] : memref<10240x32xf32, #tpu.memory_space<vmem_shared>> -> memref<64x32xf32, #tpu.memory_space<vmem_shared>>
      %dma_start3A_138 = arith.constant 0 : i32
      %dma_start3A_139 = tpu.memref_slice %arg7[%add3A_135, %dma_start3A_138] : memref<10240x32xf32, #tpu.memory_space<vmem_shared>> -> memref<64x32xf32, #tpu.memory_space<vmem_shared>>
      tpu.enqueue_dma source(%arg12 : memref<64x32xf32, #tpu.memory_space<vmem>>) target(%dma_start3A_139 : memref<64x32xf32, #tpu.memory_space<vmem_shared>>) target_semaphore(%arg21 : memref<!tpu.dma_semaphore, #tpu.memory_space<semaphore_mem>>)
      %dma_wait3A_140 = arith.constant 0 : i32
      %dma_wait3A_141 = tpu.memref_slice %arg6[%mul3A_0, %dma_wait3A_140] : memref<10240x32xf32, #tpu.memory_space<vmem_shared>> -> memref<128x32xf32, #tpu.memory_space<vmem_shared>>
      %dma_wait3A_142 = arith.constant 0 : i32
      %dma_wait3A_143 = tpu.memref_slice %arg6[%mul3A_0, %dma_wait3A_142] : memref<10240x32xf32, #tpu.memory_space<vmem_shared>> -> memref<128x32xf32, #tpu.memory_space<vmem_shared>>
      tpu.wait_dma2 semaphore(%arg23 : memref<!tpu.dma_semaphore, #tpu.memory_space<semaphore_mem>>) src(%arg10 : memref<128x32xf32, #tpu.memory_space<vmem>>) dst(%dma_wait3A_143 : memref<128x32xf32, #tpu.memory_space<vmem_shared>>)
      %lt3A_144 = arith.constant 9 : i32
      %lt3A_145 = arith.cmpi slt, %add3A_43, %lt3A_144 : i32
      %convert_element_type3A_146 = arith.extui %lt3A_145 : i1 to i32
      %cond3A_147 = arith.constant 0 : i32
      %cond3A_148 = arith.cmpi ne, %convert_element_type3A_146, %cond3A_147 : i32
      scf.if %cond3A_148 {
        %scan3A_194 = arith.constant 0 : i32
        %scan3A_195 = arith.constant 128 : i32
        %scan3A_196 = arith.addi %scan3A_194, %scan3A_195 : i32
        %scan3A_197 = arith.constant 1 : i32
        scf.for %scan3A_203 = %scan3A_194 to %scan3A_196 step %scan3A_197  : i32 {
          %mul3A_204 = arith.constant 1 : i32
          %mul3A_205 = arith.muli %scan3A_203, %mul3A_204 : i32
          %add3A_206 = arith.constant 0 : i32
          %add3A_207 = arith.addi %add3A_206, %mul3A_205 : i32
          %add3A_208 = arith.constant 384 : i32
          %add3A_209 = arith.addi %add3A_208, %add3A_207 : i32
          %get3A = arith.index_cast %add3A_209 : i32 to index
          %get3A_210 = arith.constant 0 : index
          %get3A_211 = tpu.vector_load %arg15[%get3A, %get3A_210] {strides = array<i32>} : memref<640x16xf32, #tpu.memory_space<vmem>>, vector<16xf32>,
          %div3A = arith.constant 0.899999976 : f32
          %div3A_212 = vector.broadcast %div3A : f32 to vector<16xf32>
          %div3A_213 = arith.divf %div3A_212, %get3A_211 : vector<16xf32>
          %get3A_214 = arith.index_cast %add3A_207 : i32 to index
          %get3A_215 = arith.constant 0 : index
          %get3A_216 = tpu.vector_load %arg13[%get3A_214, %get3A_215] {strides = array<i32>} : memref<128x32xf32, #tpu.memory_space<vmem>>, vector<16xf32>,
          %mul3A_217 = arith.mulf %div3A_213, %get3A_216 : vector<16xf32>
          %add3A_218 = arith.constant 384 : i32
          %add3A_219 = arith.addi %add3A_218, %add3A_207 : i32
          %get3A_220 = arith.index_cast %add3A_219 : i32 to index
          %get3A_221 = arith.constant 0 : index
          %get3A_222 = tpu.vector_load %arg16[%get3A_220, %get3A_221] {strides = array<i32>} : memref<640x32xf32, #tpu.memory_space<vmem>>, vector<16xf32>,
          %add3A_223 = arith.addf %mul3A_217, %get3A_222 : vector<16xf32>
          %swap3A = arith.index_cast %add3A_207 : i32 to index
          %swap3A_224 = arith.constant 0 : index
          %swap3A_225 = tpu.vector_load %arg10[%swap3A, %swap3A_224] {strides = array<i32>} : memref<128x32xf32, #tpu.memory_space<vmem>>, vector<16xf32>,
          tpu.vector_store %arg10[%swap3A, %swap3A_224], %add3A_223 {strides = array<i32>} : memref<128x32xf32, #tpu.memory_space<vmem>>, vector<16xf32>,
          %get3A_226 = arith.index_cast %add3A_207 : i32 to index
          %get3A_227 = arith.constant 16 : index
          %get3A_228 = tpu.vector_load %arg13[%get3A_226, %get3A_227] {strides = array<i32>} : memref<128x32xf32, #tpu.memory_space<vmem>>, vector<16xf32>,
          %mul3A_229 = arith.mulf %div3A_213, %get3A_228 : vector<16xf32>
          %add3A_230 = arith.constant 384 : i32
          %add3A_231 = arith.addi %add3A_230, %add3A_207 : i32
          %get3A_232 = arith.index_cast %add3A_231 : i32 to index
          %get3A_233 = arith.constant 16 : index
          %get3A_234 = tpu.vector_load %arg16[%get3A_232, %get3A_233] {strides = array<i32>} : memref<640x32xf32, #tpu.memory_space<vmem>>, vector<16xf32>,
          %add3A_235 = arith.addf %mul3A_229, %get3A_234 : vector<16xf32>
          %swap3A_236 = arith.index_cast %add3A_207 : i32 to index
          %swap3A_237 = arith.constant 16 : index
          %swap3A_238 = tpu.vector_load %arg10[%swap3A_236, %swap3A_237] {strides = array<i32>} : memref<128x32xf32, #tpu.memory_space<vmem>>, vector<16xf32>,
          tpu.vector_store %arg10[%swap3A_236, %swap3A_237], %add3A_235 {strides = array<i32>} : memref<128x32xf32, #tpu.memory_space<vmem>>, vector<16xf32>,
        }
        %scan3A_198 = arith.constant 128 : i32
        %dma_start3A_199 = arith.constant 0 : i32
        %dma_start3A_200 = tpu.memref_slice %arg6[%add3A_129, %dma_start3A_199] : memref<10240x32xf32, #tpu.memory_space<vmem_shared>> -> memref<128x32xf32, #tpu.memory_space<vmem_shared>>
        %dma_start3A_201 = arith.constant 0 : i32
        %dma_start3A_202 = tpu.memref_slice %arg6[%add3A_129, %dma_start3A_201] : memref<10240x32xf32, #tpu.memory_space<vmem_shared>> -> memref<128x32xf32, #tpu.memory_space<vmem_shared>>
        tpu.enqueue_dma source(%arg10 : memref<128x32xf32, #tpu.memory_space<vmem>>) target(%dma_start3A_202 : memref<128x32xf32, #tpu.memory_space<vmem_shared>>) target_semaphore(%arg23 : memref<!tpu.dma_semaphore, #tpu.memory_space<semaphore_mem>>)
      } else {
      }
      %eq3A_149 = arith.constant 9 : i32
      %eq3A_150 = arith.cmpi eq, %add3A_43, %eq3A_149 : i32
      %convert_element_type3A_151 = arith.extui %eq3A_150 : i1 to i32
      %cond3A_152 = arith.constant 0 : i32
      %cond3A_153 = arith.cmpi ne, %convert_element_type3A_151, %cond3A_152 : i32
      scf.if %cond3A_153 {
        %scan3A_194 = arith.constant 0 : i32
        %scan3A_195 = arith.constant 128 : i32
        %scan3A_196 = arith.addi %scan3A_194, %scan3A_195 : i32
        %scan3A_197 = arith.constant 1 : i32
        scf.for %scan3A_205 = %scan3A_194 to %scan3A_196 step %scan3A_197  : i32 {
          %mul3A_206 = arith.constant 1 : i32
          %mul3A_207 = arith.muli %scan3A_205, %mul3A_206 : i32
          %add3A_208 = arith.constant 0 : i32
          %add3A_209 = arith.addi %add3A_208, %mul3A_207 : i32
          %add3A_210 = arith.constant 384 : i32
          %add3A_211 = arith.addi %add3A_210, %add3A_209 : i32
          %get3A = arith.index_cast %add3A_211 : i32 to index
          %get3A_212 = arith.constant 0 : index
          %get3A_213 = tpu.vector_load %arg15[%get3A, %get3A_212] {strides = array<i32>} : memref<640x16xf32, #tpu.memory_space<vmem>>, vector<16xf32>,
          %bitcast3A = vector.bitcast %get3A_213 : vector<16xf32> to vector<16xi32>
          %shift_right_arithmetic3A = arith.constant 1 : i32
          %shift_right_arithmetic3A_214 = vector.broadcast %shift_right_arithmetic3A : i32 to vector<16xi32>
          %shift_right_arithmetic3A_215 = arith.shrsi %bitcast3A, %shift_right_arithmetic3A_214 : vector<16xi32>
          %sub3A = arith.constant 1597463007 : i32
          %sub3A_216 = vector.broadcast %sub3A : i32 to vector<16xi32>
          %sub3A_217 = arith.subi %sub3A_216, %shift_right_arithmetic3A_215 : vector<16xi32>
          %bitcast3A_218 = vector.bitcast %sub3A_217 : vector<16xi32> to vector<16xf32>
          %mul3A_219 = arith.constant 5.000000e-01 : f32
          %mul3A_220 = vector.broadcast %mul3A_219 : f32 to vector<16xf32>
          %mul3A_221 = arith.mulf %mul3A_220, %get3A_213 : vector<16xf32>
          %mul3A_222 = arith.mulf %mul3A_221, %bitcast3A_218 : vector<16xf32>
          %mul3A_223 = arith.mulf %mul3A_222, %bitcast3A_218 : vector<16xf32>
          %sub3A_224 = arith.constant 1.500000e+00 : f32
          %sub3A_225 = vector.broadcast %sub3A_224 : f32 to vector<16xf32>
          %sub3A_226 = arith.subf %sub3A_225, %mul3A_223 : vector<16xf32>
          %mul3A_227 = arith.mulf %bitcast3A_218, %sub3A_226 : vector<16xf32>
          %mul3A_228 = arith.constant 5.000000e-01 : f32
          %mul3A_229 = vector.broadcast %mul3A_228 : f32 to vector<16xf32>
          %mul3A_230 = arith.mulf %mul3A_229, %get3A_213 : vector<16xf32>
          %mul3A_231 = arith.mulf %mul3A_230, %mul3A_227 : vector<16xf32>
          %mul3A_232 = arith.mulf %mul3A_231, %mul3A_227 : vector<16xf32>
          %sub3A_233 = arith.constant 1.500000e+00 : f32
          %sub3A_234 = vector.broadcast %sub3A_233 : f32 to vector<16xf32>
          %sub3A_235 = arith.subf %sub3A_234, %mul3A_232 : vector<16xf32>
          %mul3A_236 = arith.mulf %mul3A_227, %sub3A_235 : vector<16xf32>
          %mul3A_237 = arith.constant 5.000000e-01 : f32
          %mul3A_238 = vector.broadcast %mul3A_237 : f32 to vector<16xf32>
          %mul3A_239 = arith.mulf %mul3A_238, %get3A_213 : vector<16xf32>
          %mul3A_240 = arith.mulf %mul3A_239, %mul3A_236 : vector<16xf32>
          %mul3A_241 = arith.mulf %mul3A_240, %mul3A_236 : vector<16xf32>
          %sub3A_242 = arith.constant 1.500000e+00 : f32
          %sub3A_243 = vector.broadcast %sub3A_242 : f32 to vector<16xf32>
          %sub3A_244 = arith.subf %sub3A_243, %mul3A_241 : vector<16xf32>
          %mul3A_245 = arith.mulf %mul3A_236, %sub3A_244 : vector<16xf32>
          %mul3A_246 = arith.mulf %get3A_213, %mul3A_245 : vector<16xf32>
          %mul3A_247 = arith.constant 0.899999976 : f32
          %mul3A_248 = vector.broadcast %mul3A_247 : f32 to vector<16xf32>
          %mul3A_249 = arith.mulf %mul3A_248, %mul3A_245 : vector<16xf32>
          %get3A_250 = arith.index_cast %add3A_209 : i32 to index
          %get3A_251 = arith.constant 0 : index
          %get3A_252 = tpu.vector_load %arg13[%get3A_250, %get3A_251] {strides = array<i32>} : memref<128x32xf32, #tpu.memory_space<vmem>>, vector<16xf32>,
          %mul3A_253 = arith.mulf %mul3A_249, %get3A_252 : vector<16xf32>
          %add3A_254 = arith.constant 384 : i32
          %add3A_255 = arith.addi %add3A_254, %add3A_209 : i32
          %get3A_256 = arith.index_cast %add3A_255 : i32 to index
          %get3A_257 = arith.constant 0 : index
          %get3A_258 = tpu.vector_load %arg16[%get3A_256, %get3A_257] {strides = array<i32>} : memref<640x32xf32, #tpu.memory_space<vmem>>, vector<16xf32>,
          %mul3A_259 = arith.mulf %get3A_258, %mul3A_246 : vector<16xf32>
          %add3A_260 = arith.addf %mul3A_253, %mul3A_259 : vector<16xf32>
          %swap3A = arith.index_cast %add3A_209 : i32 to index
          %swap3A_261 = arith.constant 0 : index
          %swap3A_262 = tpu.vector_load %arg10[%swap3A, %swap3A_261] {strides = array<i32>} : memref<128x32xf32, #tpu.memory_space<vmem>>, vector<16xf32>,
          tpu.vector_store %arg10[%swap3A, %swap3A_261], %add3A_260 {strides = array<i32>} : memref<128x32xf32, #tpu.memory_space<vmem>>, vector<16xf32>,
          %get3A_263 = arith.index_cast %add3A_209 : i32 to index
          %get3A_264 = arith.constant 16 : index
          %get3A_265 = tpu.vector_load %arg13[%get3A_263, %get3A_264] {strides = array<i32>} : memref<128x32xf32, #tpu.memory_space<vmem>>, vector<16xf32>,
          %mul3A_266 = arith.mulf %mul3A_249, %get3A_265 : vector<16xf32>
          %add3A_267 = arith.constant 384 : i32
          %add3A_268 = arith.addi %add3A_267, %add3A_209 : i32
          %get3A_269 = arith.index_cast %add3A_268 : i32 to index
          %get3A_270 = arith.constant 16 : index
          %get3A_271 = tpu.vector_load %arg16[%get3A_269, %get3A_270] {strides = array<i32>} : memref<640x32xf32, #tpu.memory_space<vmem>>, vector<16xf32>,
          %mul3A_272 = arith.mulf %get3A_271, %mul3A_246 : vector<16xf32>
          %add3A_273 = arith.addf %mul3A_266, %mul3A_272 : vector<16xf32>
          %swap3A_274 = arith.index_cast %add3A_209 : i32 to index
          %swap3A_275 = arith.constant 16 : index
          %swap3A_276 = tpu.vector_load %arg10[%swap3A_274, %swap3A_275] {strides = array<i32>} : memref<128x32xf32, #tpu.memory_space<vmem>>, vector<16xf32>,
          tpu.vector_store %arg10[%swap3A_274, %swap3A_275], %add3A_273 {strides = array<i32>} : memref<128x32xf32, #tpu.memory_space<vmem>>, vector<16xf32>,
        }
        %scan3A_198 = arith.constant 128 : i32
        %dma_start3A_199 = arith.constant 0 : i32
        %dma_start3A_200 = tpu.memref_slice %arg5[%arg0, %add3A_129, %dma_start3A_199] : memref<2x10240x32xf32, #tpu.memory_space<hbm>> -> memref<1x128x32xf32, #tpu.memory_space<hbm>>
        %dma_start3A_201 = tpu.memref_squeeze %dma_start3A_200 : memref<1x128x32xf32, #tpu.memory_space<hbm>> -> memref<128x32xf32, #tpu.memory_space<hbm>>
        %dma_start3A_202 = arith.constant 0 : i32
        %dma_start3A_203 = tpu.memref_slice %arg5[%arg0, %add3A_129, %dma_start3A_202] : memref<2x10240x32xf32, #tpu.memory_space<hbm>> -> memref<1x128x32xf32, #tpu.memory_space<hbm>>
        %dma_start3A_204 = tpu.memref_squeeze %dma_start3A_203 : memref<1x128x32xf32, #tpu.memory_space<hbm>> -> memref<128x32xf32, #tpu.memory_space<hbm>>
        tpu.enqueue_dma source(%arg10 : memref<128x32xf32, #tpu.memory_space<vmem>>) target(%dma_start3A_204 : memref<128x32xf32, #tpu.memory_space<hbm>>) target_semaphore(%arg23 : memref<!tpu.dma_semaphore, #tpu.memory_space<semaphore_mem>>)
      } else {
      }
      %add3A_154 = arith.constant 512 : i32
      %add3A_155 = arith.addi %mul3A_0, %add3A_154 : i32
      "tpu.region"() ({
        %run_scoped3A = tpu.sem_alloc : memref<!tpu.dma_semaphore, #tpu.memory_space<semaphore_mem>>
        %dma_start3A_194 = arith.constant 0 : i32
        %dma_start3A_195 = tpu.memref_slice %arg7[%add3A_155, %dma_start3A_194] : memref<10240x32xf32, #tpu.memory_space<vmem_shared>> -> memref<128x32xf32, #tpu.memory_space<vmem_shared>>
        %dma_start3A_196 = arith.constant 0 : i32
        %dma_start3A_197 = tpu.memref_slice %arg7[%add3A_155, %dma_start3A_196] : memref<10240x32xf32, #tpu.memory_space<vmem_shared>> -> memref<128x32xf32, #tpu.memory_space<vmem_shared>>
        tpu.enqueue_dma source(%dma_start3A_197 : memref<128x32xf32, #tpu.memory_space<vmem_shared>>) target(%arg13 : memref<128x32xf32, #tpu.memory_space<vmem>>) target_semaphore(%run_scoped3A : memref<!tpu.dma_semaphore, #tpu.memory_space<semaphore_mem>>)
        %dma_wait3A_198 = arith.constant 0 : i32
        %dma_wait3A_199 = tpu.memref_slice %arg7[%add3A_155, %dma_wait3A_198] : memref<10240x32xf32, #tpu.memory_space<vmem_shared>> -> memref<128x32xf32, #tpu.memory_space<vmem_shared>>
        %dma_wait3A_200 = arith.constant 0 : i32
        %dma_wait3A_201 = tpu.memref_slice %arg7[%add3A_155, %dma_wait3A_200] : memref<10240x32xf32, #tpu.memory_space<vmem_shared>> -> memref<128x32xf32, #tpu.memory_space<vmem_shared>>
        tpu.wait_dma2 semaphore(%run_scoped3A : memref<!tpu.dma_semaphore, #tpu.memory_space<semaphore_mem>>) src(%dma_wait3A_201 : memref<128x32xf32, #tpu.memory_space<vmem_shared>>) dst(%arg13 : memref<128x32xf32, #tpu.memory_space<vmem>>)
        tpu.yield
      }) : () -> ()
      %dma_start3A_156 = arith.constant 0 : i32
      %dma_start3A_157 = tpu.memref_slice %arg7[%add3A_155, %dma_start3A_156] : memref<10240x32xf32, #tpu.memory_space<vmem_shared>> -> memref<64x32xf32, #tpu.memory_space<vmem_shared>>
      %dma_start3A_158 = arith.constant 0 : i32
      %dma_start3A_159 = tpu.memref_slice %arg7[%add3A_155, %dma_start3A_158] : memref<10240x32xf32, #tpu.memory_space<vmem_shared>> -> memref<64x32xf32, #tpu.memory_space<vmem_shared>>
      tpu.enqueue_dma source(%arg12 : memref<64x32xf32, #tpu.memory_space<vmem>>) target(%dma_start3A_159 : memref<64x32xf32, #tpu.memory_space<vmem_shared>>) target_semaphore(%arg21 : memref<!tpu.dma_semaphore, #tpu.memory_space<semaphore_mem>>)
      %add3A_160 = arith.constant 64 : i32
      %add3A_161 = arith.addi %add3A_155, %add3A_160 : i32
      %dma_start3A_162 = arith.constant 0 : i32
      %dma_start3A_163 = tpu.memref_slice %arg7[%add3A_161, %dma_start3A_162] : memref<10240x32xf32, #tpu.memory_space<vmem_shared>> -> memref<64x32xf32, #tpu.memory_space<vmem_shared>>
      %dma_start3A_164 = arith.constant 0 : i32
      %dma_start3A_165 = tpu.memref_slice %arg7[%add3A_161, %dma_start3A_164] : memref<10240x32xf32, #tpu.memory_space<vmem_shared>> -> memref<64x32xf32, #tpu.memory_space<vmem_shared>>
      tpu.enqueue_dma source(%arg12 : memref<64x32xf32, #tpu.memory_space<vmem>>) target(%dma_start3A_165 : memref<64x32xf32, #tpu.memory_space<vmem_shared>>) target_semaphore(%arg21 : memref<!tpu.dma_semaphore, #tpu.memory_space<semaphore_mem>>)
      %dma_wait3A_166 = arith.constant 0 : i32
      %dma_wait3A_167 = tpu.memref_slice %arg6[%mul3A_0, %dma_wait3A_166] : memref<10240x32xf32, #tpu.memory_space<vmem_shared>> -> memref<128x32xf32, #tpu.memory_space<vmem_shared>>
      %dma_wait3A_168 = arith.constant 0 : i32
      %dma_wait3A_169 = tpu.memref_slice %arg6[%mul3A_0, %dma_wait3A_168] : memref<10240x32xf32, #tpu.memory_space<vmem_shared>> -> memref<128x32xf32, #tpu.memory_space<vmem_shared>>
      tpu.wait_dma2 semaphore(%arg22 : memref<!tpu.dma_semaphore, #tpu.memory_space<semaphore_mem>>) src(%arg14 : memref<128x32xf32, #tpu.memory_space<vmem>>) dst(%dma_wait3A_169 : memref<128x32xf32, #tpu.memory_space<vmem_shared>>)
      %lt3A_170 = arith.constant 9 : i32
      %lt3A_171 = arith.cmpi slt, %add3A_43, %lt3A_170 : i32
      %convert_element_type3A_172 = arith.extui %lt3A_171 : i1 to i32
      %cond3A_173 = arith.constant 0 : i32
      %cond3A_174 = arith.cmpi ne, %convert_element_type3A_172, %cond3A_173 : i32
      scf.if %cond3A_174 {
        %scan3A_194 = arith.constant 0 : i32
        %scan3A_195 = arith.constant 128 : i32
        %scan3A_196 = arith.addi %scan3A_194, %scan3A_195 : i32
        %scan3A_197 = arith.constant 1 : i32
        scf.for %scan3A_203 = %scan3A_194 to %scan3A_196 step %scan3A_197  : i32 {
          %mul3A_204 = arith.constant 1 : i32
          %mul3A_205 = arith.muli %scan3A_203, %mul3A_204 : i32
          %add3A_206 = arith.constant 0 : i32
          %add3A_207 = arith.addi %add3A_206, %mul3A_205 : i32
          %add3A_208 = arith.constant 512 : i32
          %add3A_209 = arith.addi %add3A_208, %add3A_207 : i32
          %get3A = arith.index_cast %add3A_209 : i32 to index
          %get3A_210 = arith.constant 0 : index
          %get3A_211 = tpu.vector_load %arg15[%get3A, %get3A_210] {strides = array<i32>} : memref<640x16xf32, #tpu.memory_space<vmem>>, vector<16xf32>,
          %div3A = arith.constant 0.899999976 : f32
          %div3A_212 = vector.broadcast %div3A : f32 to vector<16xf32>
          %div3A_213 = arith.divf %div3A_212, %get3A_211 : vector<16xf32>
          %get3A_214 = arith.index_cast %add3A_207 : i32 to index
          %get3A_215 = arith.constant 0 : index
          %get3A_216 = tpu.vector_load %arg13[%get3A_214, %get3A_215] {strides = array<i32>} : memref<128x32xf32, #tpu.memory_space<vmem>>, vector<16xf32>,
          %mul3A_217 = arith.mulf %div3A_213, %get3A_216 : vector<16xf32>
          %add3A_218 = arith.constant 512 : i32
          %add3A_219 = arith.addi %add3A_218, %add3A_207 : i32
          %get3A_220 = arith.index_cast %add3A_219 : i32 to index
          %get3A_221 = arith.constant 0 : index
          %get3A_222 = tpu.vector_load %arg16[%get3A_220, %get3A_221] {strides = array<i32>} : memref<640x32xf32, #tpu.memory_space<vmem>>, vector<16xf32>,
          %add3A_223 = arith.addf %mul3A_217, %get3A_222 : vector<16xf32>
          %swap3A = arith.index_cast %add3A_207 : i32 to index
          %swap3A_224 = arith.constant 0 : index
          %swap3A_225 = tpu.vector_load %arg14[%swap3A, %swap3A_224] {strides = array<i32>} : memref<128x32xf32, #tpu.memory_space<vmem>>, vector<16xf32>,
          tpu.vector_store %arg14[%swap3A, %swap3A_224], %add3A_223 {strides = array<i32>} : memref<128x32xf32, #tpu.memory_space<vmem>>, vector<16xf32>,
          %get3A_226 = arith.index_cast %add3A_207 : i32 to index
          %get3A_227 = arith.constant 16 : index
          %get3A_228 = tpu.vector_load %arg13[%get3A_226, %get3A_227] {strides = array<i32>} : memref<128x32xf32, #tpu.memory_space<vmem>>, vector<16xf32>,
          %mul3A_229 = arith.mulf %div3A_213, %get3A_228 : vector<16xf32>
          %add3A_230 = arith.constant 512 : i32
          %add3A_231 = arith.addi %add3A_230, %add3A_207 : i32
          %get3A_232 = arith.index_cast %add3A_231 : i32 to index
          %get3A_233 = arith.constant 16 : index
          %get3A_234 = tpu.vector_load %arg16[%get3A_232, %get3A_233] {strides = array<i32>} : memref<640x32xf32, #tpu.memory_space<vmem>>, vector<16xf32>,
          %add3A_235 = arith.addf %mul3A_229, %get3A_234 : vector<16xf32>
          %swap3A_236 = arith.index_cast %add3A_207 : i32 to index
          %swap3A_237 = arith.constant 16 : index
          %swap3A_238 = tpu.vector_load %arg14[%swap3A_236, %swap3A_237] {strides = array<i32>} : memref<128x32xf32, #tpu.memory_space<vmem>>, vector<16xf32>,
          tpu.vector_store %arg14[%swap3A_236, %swap3A_237], %add3A_235 {strides = array<i32>} : memref<128x32xf32, #tpu.memory_space<vmem>>, vector<16xf32>,
        }
        %scan3A_198 = arith.constant 128 : i32
        %dma_start3A_199 = arith.constant 0 : i32
        %dma_start3A_200 = tpu.memref_slice %arg6[%add3A_155, %dma_start3A_199] : memref<10240x32xf32, #tpu.memory_space<vmem_shared>> -> memref<128x32xf32, #tpu.memory_space<vmem_shared>>
        %dma_start3A_201 = arith.constant 0 : i32
        %dma_start3A_202 = tpu.memref_slice %arg6[%add3A_155, %dma_start3A_201] : memref<10240x32xf32, #tpu.memory_space<vmem_shared>> -> memref<128x32xf32, #tpu.memory_space<vmem_shared>>
        tpu.enqueue_dma source(%arg14 : memref<128x32xf32, #tpu.memory_space<vmem>>) target(%dma_start3A_202 : memref<128x32xf32, #tpu.memory_space<vmem_shared>>) target_semaphore(%arg22 : memref<!tpu.dma_semaphore, #tpu.memory_space<semaphore_mem>>)
      } else {
      }
      %eq3A_175 = arith.constant 9 : i32
      %eq3A_176 = arith.cmpi eq, %add3A_43, %eq3A_175 : i32
      %convert_element_type3A_177 = arith.extui %eq3A_176 : i1 to i32
      %cond3A_178 = arith.constant 0 : i32
      %cond3A_179 = arith.cmpi ne, %convert_element_type3A_177, %cond3A_178 : i32
      scf.if %cond3A_179 {
        %scan3A_194 = arith.constant 0 : i32
        %scan3A_195 = arith.constant 128 : i32
        %scan3A_196 = arith.addi %scan3A_194, %scan3A_195 : i32
        %scan3A_197 = arith.constant 1 : i32
        scf.for %scan3A_205 = %scan3A_194 to %scan3A_196 step %scan3A_197  : i32 {
          %mul3A_206 = arith.constant 1 : i32
          %mul3A_207 = arith.muli %scan3A_205, %mul3A_206 : i32
          %add3A_208 = arith.constant 0 : i32
          %add3A_209 = arith.addi %add3A_208, %mul3A_207 : i32
          %add3A_210 = arith.constant 512 : i32
          %add3A_211 = arith.addi %add3A_210, %add3A_209 : i32
          %get3A = arith.index_cast %add3A_211 : i32 to index
          %get3A_212 = arith.constant 0 : index
          %get3A_213 = tpu.vector_load %arg15[%get3A, %get3A_212] {strides = array<i32>} : memref<640x16xf32, #tpu.memory_space<vmem>>, vector<16xf32>,
          %bitcast3A = vector.bitcast %get3A_213 : vector<16xf32> to vector<16xi32>
          %shift_right_arithmetic3A = arith.constant 1 : i32
          %shift_right_arithmetic3A_214 = vector.broadcast %shift_right_arithmetic3A : i32 to vector<16xi32>
          %shift_right_arithmetic3A_215 = arith.shrsi %bitcast3A, %shift_right_arithmetic3A_214 : vector<16xi32>
          %sub3A = arith.constant 1597463007 : i32
          %sub3A_216 = vector.broadcast %sub3A : i32 to vector<16xi32>
          %sub3A_217 = arith.subi %sub3A_216, %shift_right_arithmetic3A_215 : vector<16xi32>
          %bitcast3A_218 = vector.bitcast %sub3A_217 : vector<16xi32> to vector<16xf32>
          %mul3A_219 = arith.constant 5.000000e-01 : f32
          %mul3A_220 = vector.broadcast %mul3A_219 : f32 to vector<16xf32>
          %mul3A_221 = arith.mulf %mul3A_220, %get3A_213 : vector<16xf32>
          %mul3A_222 = arith.mulf %mul3A_221, %bitcast3A_218 : vector<16xf32>
          %mul3A_223 = arith.mulf %mul3A_222, %bitcast3A_218 : vector<16xf32>
          %sub3A_224 = arith.constant 1.500000e+00 : f32
          %sub3A_225 = vector.broadcast %sub3A_224 : f32 to vector<16xf32>
          %sub3A_226 = arith.subf %sub3A_225, %mul3A_223 : vector<16xf32>
          %mul3A_227 = arith.mulf %bitcast3A_218, %sub3A_226 : vector<16xf32>
          %mul3A_228 = arith.constant 5.000000e-01 : f32
          %mul3A_229 = vector.broadcast %mul3A_228 : f32 to vector<16xf32>
          %mul3A_230 = arith.mulf %mul3A_229, %get3A_213 : vector<16xf32>
          %mul3A_231 = arith.mulf %mul3A_230, %mul3A_227 : vector<16xf32>
          %mul3A_232 = arith.mulf %mul3A_231, %mul3A_227 : vector<16xf32>
          %sub3A_233 = arith.constant 1.500000e+00 : f32
          %sub3A_234 = vector.broadcast %sub3A_233 : f32 to vector<16xf32>
          %sub3A_235 = arith.subf %sub3A_234, %mul3A_232 : vector<16xf32>
          %mul3A_236 = arith.mulf %mul3A_227, %sub3A_235 : vector<16xf32>
          %mul3A_237 = arith.constant 5.000000e-01 : f32
          %mul3A_238 = vector.broadcast %mul3A_237 : f32 to vector<16xf32>
          %mul3A_239 = arith.mulf %mul3A_238, %get3A_213 : vector<16xf32>
          %mul3A_240 = arith.mulf %mul3A_239, %mul3A_236 : vector<16xf32>
          %mul3A_241 = arith.mulf %mul3A_240, %mul3A_236 : vector<16xf32>
          %sub3A_242 = arith.constant 1.500000e+00 : f32
          %sub3A_243 = vector.broadcast %sub3A_242 : f32 to vector<16xf32>
          %sub3A_244 = arith.subf %sub3A_243, %mul3A_241 : vector<16xf32>
          %mul3A_245 = arith.mulf %mul3A_236, %sub3A_244 : vector<16xf32>
          %mul3A_246 = arith.mulf %get3A_213, %mul3A_245 : vector<16xf32>
          %mul3A_247 = arith.constant 0.899999976 : f32
          %mul3A_248 = vector.broadcast %mul3A_247 : f32 to vector<16xf32>
          %mul3A_249 = arith.mulf %mul3A_248, %mul3A_245 : vector<16xf32>
          %get3A_250 = arith.index_cast %add3A_209 : i32 to index
          %get3A_251 = arith.constant 0 : index
          %get3A_252 = tpu.vector_load %arg13[%get3A_250, %get3A_251] {strides = array<i32>} : memref<128x32xf32, #tpu.memory_space<vmem>>, vector<16xf32>,
          %mul3A_253 = arith.mulf %mul3A_249, %get3A_252 : vector<16xf32>
          %add3A_254 = arith.constant 512 : i32
          %add3A_255 = arith.addi %add3A_254, %add3A_209 : i32
          %get3A_256 = arith.index_cast %add3A_255 : i32 to index
          %get3A_257 = arith.constant 0 : index
          %get3A_258 = tpu.vector_load %arg16[%get3A_256, %get3A_257] {strides = array<i32>} : memref<640x32xf32, #tpu.memory_space<vmem>>, vector<16xf32>,
          %mul3A_259 = arith.mulf %get3A_258, %mul3A_246 : vector<16xf32>
          %add3A_260 = arith.addf %mul3A_253, %mul3A_259 : vector<16xf32>
          %swap3A = arith.index_cast %add3A_209 : i32 to index
          %swap3A_261 = arith.constant 0 : index
          %swap3A_262 = tpu.vector_load %arg14[%swap3A, %swap3A_261] {strides = array<i32>} : memref<128x32xf32, #tpu.memory_space<vmem>>, vector<16xf32>,
          tpu.vector_store %arg14[%swap3A, %swap3A_261], %add3A_260 {strides = array<i32>} : memref<128x32xf32, #tpu.memory_space<vmem>>, vector<16xf32>,
          %get3A_263 = arith.index_cast %add3A_209 : i32 to index
          %get3A_264 = arith.constant 16 : index
          %get3A_265 = tpu.vector_load %arg13[%get3A_263, %get3A_264] {strides = array<i32>} : memref<128x32xf32, #tpu.memory_space<vmem>>, vector<16xf32>,
          %mul3A_266 = arith.mulf %mul3A_249, %get3A_265 : vector<16xf32>
          %add3A_267 = arith.constant 512 : i32
          %add3A_268 = arith.addi %add3A_267, %add3A_209 : i32
          %get3A_269 = arith.index_cast %add3A_268 : i32 to index
          %get3A_270 = arith.constant 16 : index
          %get3A_271 = tpu.vector_load %arg16[%get3A_269, %get3A_270] {strides = array<i32>} : memref<640x32xf32, #tpu.memory_space<vmem>>, vector<16xf32>,
          %mul3A_272 = arith.mulf %get3A_271, %mul3A_246 : vector<16xf32>
          %add3A_273 = arith.addf %mul3A_266, %mul3A_272 : vector<16xf32>
          %swap3A_274 = arith.index_cast %add3A_209 : i32 to index
          %swap3A_275 = arith.constant 16 : index
          %swap3A_276 = tpu.vector_load %arg14[%swap3A_274, %swap3A_275] {strides = array<i32>} : memref<128x32xf32, #tpu.memory_space<vmem>>, vector<16xf32>,
          tpu.vector_store %arg14[%swap3A_274, %swap3A_275], %add3A_273 {strides = array<i32>} : memref<128x32xf32, #tpu.memory_space<vmem>>, vector<16xf32>,
        }
        %scan3A_198 = arith.constant 128 : i32
        %dma_start3A_199 = arith.constant 0 : i32
        %dma_start3A_200 = tpu.memref_slice %arg5[%arg0, %add3A_155, %dma_start3A_199] : memref<2x10240x32xf32, #tpu.memory_space<hbm>> -> memref<1x128x32xf32, #tpu.memory_space<hbm>>
        %dma_start3A_201 = tpu.memref_squeeze %dma_start3A_200 : memref<1x128x32xf32, #tpu.memory_space<hbm>> -> memref<128x32xf32, #tpu.memory_space<hbm>>
        %dma_start3A_202 = arith.constant 0 : i32
        %dma_start3A_203 = tpu.memref_slice %arg5[%arg0, %add3A_155, %dma_start3A_202] : memref<2x10240x32xf32, #tpu.memory_space<hbm>> -> memref<1x128x32xf32, #tpu.memory_space<hbm>>
        %dma_start3A_204 = tpu.memref_squeeze %dma_start3A_203 : memref<1x128x32xf32, #tpu.memory_space<hbm>> -> memref<128x32xf32, #tpu.memory_space<hbm>>
        tpu.enqueue_dma source(%arg14 : memref<128x32xf32, #tpu.memory_space<vmem>>) target(%dma_start3A_204 : memref<128x32xf32, #tpu.memory_space<hbm>>) target_semaphore(%arg22 : memref<!tpu.dma_semaphore, #tpu.memory_space<semaphore_mem>>)
      } else {
      }
      %dma_wait3A_180 = arith.constant 0 : i32
      %dma_wait3A_181 = tpu.memref_slice %arg6[%mul3A_0, %dma_wait3A_180] : memref<10240x32xf32, #tpu.memory_space<vmem_shared>> -> memref<128x32xf32, #tpu.memory_space<vmem_shared>>
      %dma_wait3A_182 = arith.constant 0 : i32
      %dma_wait3A_183 = tpu.memref_slice %arg6[%mul3A_0, %dma_wait3A_182] : memref<10240x32xf32, #tpu.memory_space<vmem_shared>> -> memref<128x32xf32, #tpu.memory_space<vmem_shared>>
      tpu.wait_dma2 semaphore(%arg23 : memref<!tpu.dma_semaphore, #tpu.memory_space<semaphore_mem>>) src(%arg10 : memref<128x32xf32, #tpu.memory_space<vmem>>) dst(%dma_wait3A_183 : memref<128x32xf32, #tpu.memory_space<vmem_shared>>)
      %dma_wait3A_184 = arith.constant 0 : i32
      %dma_wait3A_185 = tpu.memref_slice %arg6[%mul3A_0, %dma_wait3A_184] : memref<10240x32xf32, #tpu.memory_space<vmem_shared>> -> memref<128x32xf32, #tpu.memory_space<vmem_shared>>
      %dma_wait3A_186 = arith.constant 0 : i32
      %dma_wait3A_187 = tpu.memref_slice %arg6[%mul3A_0, %dma_wait3A_186] : memref<10240x32xf32, #tpu.memory_space<vmem_shared>> -> memref<128x32xf32, #tpu.memory_space<vmem_shared>>
      tpu.wait_dma2 semaphore(%arg22 : memref<!tpu.dma_semaphore, #tpu.memory_space<semaphore_mem>>) src(%arg14 : memref<128x32xf32, #tpu.memory_space<vmem>>) dst(%dma_wait3A_187 : memref<128x32xf32, #tpu.memory_space<vmem_shared>>)
      %scan3A_188 = arith.constant 0 : i32
      %scan3A_189 = arith.constant 10 : i32
      %scan3A_190 = arith.addi %scan3A_188, %scan3A_189 : i32
      %scan3A_191 = arith.constant 1 : i32
      scf.for %scan3A_194 = %scan3A_188 to %scan3A_190 step %scan3A_191  : i32 {
        %mul3A_195 = arith.constant 1 : i32
        %mul3A_196 = arith.muli %scan3A_194, %mul3A_195 : i32
        %add3A_197 = arith.constant 0 : i32
        %add3A_198 = arith.addi %add3A_197, %mul3A_196 : i32
        %dma_wait3A_199 = arith.constant 0 : i32
        %dma_wait3A_200 = tpu.memref_slice %arg7[%mul3A_0, %dma_wait3A_199] : memref<10240x32xf32, #tpu.memory_space<vmem_shared>> -> memref<64x32xf32, #tpu.memory_space<vmem_shared>>
        %dma_wait3A_201 = arith.constant 0 : i32
        %dma_wait3A_202 = tpu.memref_slice %arg7[%mul3A_0, %dma_wait3A_201] : memref<10240x32xf32, #tpu.memory_space<vmem_shared>> -> memref<64x32xf32, #tpu.memory_space<vmem_shared>>
        tpu.wait_dma2 semaphore(%arg21 : memref<!tpu.dma_semaphore, #tpu.memory_space<semaphore_mem>>) src(%arg12 : memref<64x32xf32, #tpu.memory_space<vmem>>) dst(%dma_wait3A_202 : memref<64x32xf32, #tpu.memory_space<vmem_shared>>)
      }
      %scan3A_192 = arith.constant 10 : i32
      %barrier3A_193 = arith.constant 0 : index
      tpu.barrier barrier_id(%barrier3A_193)
    }
    %scan3A_39 = arith.constant 10 : i32
    return
  }
}

module attributes {stable_mosaic.version = 14 : i64} {
  func.func @_mlp_body(%arg0: i32, %arg1: memref<1000x128xf32, #tpu.memory_space<vmem>>, %arg2: memref<128x128xf32, #tpu.memory_space<vmem>>, %arg3: memref<1x128xf32, #tpu.memory_space<vmem>>, %arg4: memref<128x64xf32, #tpu.memory_space<vmem>>, %arg5: memref<1x64xf32, #tpu.memory_space<vmem>>, %arg6: memref<1000x128xf32, #tpu.memory_space<vmem>>, %arg7: memref<2x1000x32xf32, #tpu.memory_space<vmem>>) attributes {dimension_semantics = [#tpu.dimension_semantics<arbitrary>], iteration_bounds = array<i64: 10>, scalar_prefetch = 0 : i64, scratch_operands = 0 : i64, tpu.core_type = #tpu.core_type<tc>, window_params = [{transform_indices = @transform_0, window_bounds = array<i64: 1000, 128>}, {pipeline_mode = #tpu.pipeline_mode<synchronous>, transform_indices = @transform_1, window_bounds = array<i64: 128, 128>}, {pipeline_mode = #tpu.pipeline_mode<synchronous>, transform_indices = @transform_2, window_bounds = array<i64: 1, 128>}, {pipeline_mode = #tpu.pipeline_mode<synchronous>, transform_indices = @transform_3, window_bounds = array<i64: 128, 64>}, {pipeline_mode = #tpu.pipeline_mode<synchronous>, transform_indices = @transform_4, window_bounds = array<i64: 1, 64>}, {transform_indices = @transform_5, window_bounds = array<i64: 1000, 128>}, {transform_indices = @transform_6, window_bounds = array<i64: 2, 1000, 32>}]} {
    %get3A = arith.constant 0 : index
    %get3A_0 = arith.constant 0 : index
    %get3A_1 = vector.load %arg1[%get3A, %get3A_0] : memref<1000x128xf32, #tpu.memory_space<vmem>>, vector<1000x128xf32>
    %get3A_2 = arith.constant 0 : index
    %get3A_3 = arith.constant 0 : index
    %get3A_4 = vector.load %arg2[%get3A_2, %get3A_3] : memref<128x128xf32, #tpu.memory_space<vmem>>, vector<128x128xf32>
    %dot_general3A = arith.constant dense<0.000000e+00> : vector<1000x128xf32>
    %dot_general3A_5 = tpu.matmul %get3A_1, %get3A_4, %dot_general3A {dimension_numbers = #tpu.dot_dimension_numbers<[1], [0], [0], [1], [0, 0, 1, 1], [], []>, transpose_lhs_hint = false} : vector<1000x128xf32>, vector<128x128xf32>, vector<1000x128xf32> -> vector<1000x128xf32>
    %get3A_6 = arith.constant 0 : index
    %get3A_7 = arith.constant 0 : index
    %get3A_8 = vector.load %arg3[%get3A_6, %get3A_7] : memref<1x128xf32, #tpu.memory_space<vmem>>, vector<1x128xf32>
    %add3A = vector.broadcast %get3A_8 : vector<1x128xf32> to vector<1000x128xf32>
    %add3A_9 = arith.addf %dot_general3A_5, %add3A : vector<1000x128xf32>
    %swap3A = arith.constant 0 : index
    %swap3A_10 = arith.constant 0 : index
    %swap3A_11 = vector.load %arg6[%swap3A, %swap3A_10] : memref<1000x128xf32, #tpu.memory_space<vmem>>, vector<1000x128xf32>
    tpu.vector_store %arg6[%swap3A, %swap3A_10], %add3A_9 {strides = array<i32>} : memref<1000x128xf32, #tpu.memory_space<vmem>>, vector<1000x128xf32>,
    %max3A = arith.constant 0.000000e+00 : f32
    %max3A_12 = vector.broadcast %max3A : f32 to vector<1000x128xf32>
    %max3A_13 = arith.maximumf %add3A_9, %max3A_12 : vector<1000x128xf32>
    %get3A_14 = arith.constant 0 : index
    %get3A_15 = arith.constant 0 : index
    %get3A_16 = vector.load %arg4[%get3A_14, %get3A_15] : memref<128x64xf32, #tpu.memory_space<vmem>>, vector<128x64xf32>
    %dot_general3A_17 = arith.constant dense<0.000000e+00> : vector<1000x64xf32>
    %dot_general3A_18 = tpu.matmul %max3A_13, %get3A_16, %dot_general3A_17 {dimension_numbers = #tpu.dot_dimension_numbers<[1], [0], [0], [1], [0, 0, 1, 1], [], []>, transpose_lhs_hint = false} : vector<1000x128xf32>, vector<128x64xf32>, vector<1000x64xf32> -> vector<1000x64xf32>
    %get3A_19 = arith.constant 0 : index
    %get3A_20 = arith.constant 0 : index
    %get3A_21 = vector.load %arg5[%get3A_19, %get3A_20] : memref<1x64xf32, #tpu.memory_space<vmem>>, vector<1x64xf32>
    %add3A_22 = vector.broadcast %get3A_21 : vector<1x64xf32> to vector<1000x64xf32>
    %add3A_23 = arith.addf %dot_general3A_18, %add3A_22 : vector<1000x64xf32>
    %slice3A = vector.extract_strided_slice %add3A_23 {offsets = [0, 0], sizes = [1000, 32], strides = [1, 1]} : vector<1000x64xf32> to vector<1000x32xf32>
    %swap3A_24 = arith.constant 0 : index
    %swap3A_25 = arith.constant 0 : index
    %swap3A_26 = arith.constant 0 : index
    %swap3A_27 = vector.load %arg7[%swap3A_24, %swap3A_25, %swap3A_26] : memref<2x1000x32xf32, #tpu.memory_space<vmem>>, vector<1x1000x32xf32>
    %swap3A_28 = vector.shape_cast %swap3A_27 : vector<1x1000x32xf32> to vector<1000x32xf32>
    %swap3A_29 = vector.shape_cast %slice3A : vector<1000x32xf32> to vector<1x1000x32xf32>
    tpu.vector_store %arg7[%swap3A_24, %swap3A_25, %swap3A_26], %swap3A_29 {strides = array<i32>} : memref<2x1000x32xf32, #tpu.memory_space<vmem>>, vector<1x1000x32xf32>,
    %slice3A_30 = vector.extract_strided_slice %add3A_23 {offsets = [0, 32], sizes = [1000, 32], strides = [1, 1]} : vector<1000x64xf32> to vector<1000x32xf32>
    %swap3A_31 = arith.constant 1 : index
    %swap3A_32 = arith.constant 0 : index
    %swap3A_33 = arith.constant 0 : index
    %swap3A_34 = vector.load %arg7[%swap3A_31, %swap3A_32, %swap3A_33] : memref<2x1000x32xf32, #tpu.memory_space<vmem>>, vector<1x1000x32xf32>
    %swap3A_35 = vector.shape_cast %swap3A_34 : vector<1x1000x32xf32> to vector<1000x32xf32>
    %swap3A_36 = vector.shape_cast %slice3A_30 : vector<1000x32xf32> to vector<1x1000x32xf32>
    tpu.vector_store %arg7[%swap3A_31, %swap3A_32, %swap3A_33], %swap3A_36 {strides = array<i32>} : memref<2x1000x32xf32, #tpu.memory_space<vmem>>, vector<1x1000x32xf32>,
    return
  }
  func.func @transform_0(%arg0: i32) -> (i32, i32) {
    %c0_i32 = arith.constant 0 : i32
    %c0_i32_0 = arith.constant 0 : i32
    return %arg0, %c0_i32 : i32, i32
  }
  func.func @transform_1(%arg0: i32) -> (i32, i32) {
    %c0_i32 = arith.constant 0 : i32
    %c0_i32_0 = arith.constant 0 : i32
    %c0_i32_1 = arith.constant 0 : i32
    return %c0_i32, %c0_i32_0 : i32, i32
  }
  func.func @transform_2(%arg0: i32) -> (i32, i32) {
    %c0_i32 = arith.constant 0 : i32
    %c0_i32_0 = arith.constant 0 : i32
    %c0_i32_1 = arith.constant 0 : i32
    return %c0_i32, %c0_i32_0 : i32, i32
  }
  func.func @transform_3(%arg0: i32) -> (i32, i32) {
    %c0_i32 = arith.constant 0 : i32
    %c0_i32_0 = arith.constant 0 : i32
    %c0_i32_1 = arith.constant 0 : i32
    return %c0_i32, %c0_i32_0 : i32, i32
  }
  func.func @transform_4(%arg0: i32) -> (i32, i32) {
    %c0_i32 = arith.constant 0 : i32
    %c0_i32_0 = arith.constant 0 : i32
    %c0_i32_1 = arith.constant 0 : i32
    return %c0_i32, %c0_i32_0 : i32, i32
  }
  func.func @transform_5(%arg0: i32) -> (i32, i32) {
    %c0_i32 = arith.constant 0 : i32
    %c0_i32_0 = arith.constant 0 : i32
    return %arg0, %c0_i32 : i32, i32
  }
  func.func @transform_6(%arg0: i32) -> (i32, i32, i32) {
    %c0_i32 = arith.constant 0 : i32
    %c0_i32_0 = arith.constant 0 : i32
    %c0_i32_1 = arith.constant 0 : i32
    return %c0_i32, %arg0, %c0_i32_0 : i32, i32, i32
  }
}

</mosaic_0001>

<sc_bundles>
// kernel: kernel.4.cloned.1.call-start
scs
__scs_entry_jumppad:
0x0: {  	(pc) =	sbr.rel $0x88, $3  }
0x1: {  	(tag) =	ssettag $0x0;
	lr =	simm.s32 $0x1  }
0x2: {  	[smem:$0x3F9B] =	sst lr;
	_ =	strace $0xD0000000  }
0x3: {  	_ = 	snop  }
0x4: {  	_ = 	snop  }
0x5: {  	_ = 	snop  }
0x6: {  	_ = 	snop  }
0x7: {  	_ = 	snop  }
__scs_overlays_trampoline_lowered:
0x8: {  	[smem:$0x3FAA] =	sst s0  }
0x9: {  	[smem:$0x3FAB] =	sst s1  }
0xa: {  	[smem:$0x3FAC] =	sst s2  }
0xb: {  	[smem:$0x3FAD] =	sst s3  }
0xc: {  	[smem:$0x3FAE] =	sst s4  }
0xd: {  	[smem:$0x3FAF] =	sst s5  }
0xe: {  	[smem:$0x3FB0] =	sst s6  }
0xf: {  	[smem:$0x3FB1] =	sst s7  }
0x10: {  	[smem:$0x3FB2] =	sst s8  }
0x11: {  	[smem:$0x3FB3] =	sst s9;
	s0 =	simm.s32 @!p0 $0x0  }
0x12: {  	s1 =	sld [smem:$0x3F99];
	s0 =	simm.s32 @p0 $0x1  }
0x13: {  	[smem:$0x3FB4] =	sst s0;
	s0 =	simm.s32 @!p1 $0x0  }
0x14: {  	s2 =	sld [smem:$0x3F98];
	s0 =	simm.s32 @p1 $0x1  }
0x15: {  	[smem:$0x3FB5] =	sst s0;
	s0 =	simm.s32 @!p2 $0x0  }
0x16: {  	s3 =	sld [smem:$0x3FDB];
	s0 =	simm.s32 @p2 $0x1  }
0x17: {  	s4 =	simm.s32 $0x1BF5;
	[smem:$0x3FB7] =	sst s0  }
0x18: {  	s0 =	sld [smem:$0x3F9A];
	_ =	swait.ge [sflag:s4], $0x0  }
0x19: {  	s7 =	sld [smem:$0x3F9B]  }
0x1a: {  	s8 =	sadd.s32 $0xFFFFE003, lr  }
0x1b: {  	s9 =	sadd.s32 $0xFFFFFEF7, lr;
	s5 =	simm.s32 $0xFFFFFFFF;
	p2 =	slt.u32 s8, $0xFFFFF086  }
0x1c: {  	p1 =	slt.u32 s9, $0xF7A;
	s5 =	simm.s32 @!p2 $0x0  }
0x1d: {  	s5 =	simm.s32 @p1 $0x1;
	p0 =	seq.s32 s7, s2  }
0x1e: {  	s7 =	smul.u32 @!p0 $0xF7A, s2;
	p2 =	seq.s32 @!p0 s5, $0x0  }
0x1f: {  	s9 =	smul.u32 $0xF7A, s1;
	s8 =	simm.s32 @!p0 $0x1BF5;
	p2 =	por !p2, p0  }
0x20: {  	[sflag:s8] =	ssyncset.s32 @!p0 $0xFFFFF086;
	s6 =	sadd.s32 @!p0 s3, s7;
	s7 =	simm.s32 @!p0 $0x108  }
0x21: {  	s3 =	sadd.s32 s3, s9;
	s6 =	sadd.s32 @!p0 $0x88, s6;
	s7 =	simm.s32 @p2 $0x1082  }
0x22: {  	[simem:s7], [sflag:s8] =	dma.local @!p0 [hbm:s6], $0xF7A  }
0x23: {  	s9 =	sor.u32 $0xD0000000, s2;
	s6 =	simm.s32 $0x108;
	_ =	swait.ge @!p0 [sflag:s8], $0x0  }
0x24: {  	s3 =	sadd.s32 $0x88, s3;
	s6 =	simm.s32 @!p1 $0x1082;
	[sflag:s4] =	ssyncset.s32 $0xFFFFF086  }
0x25: {  	[simem:s6], [sflag:s4] =	dma.local [hbm:s3], $0xF7A  }
0x26: {  	[smem:$0x3F9B] =	sst s1;
	(tag) =	ssettag s2;
	_ =	strace s9  }
0x27: {  	s1 =	sld [smem:$0x3FAB]  }
0x28: {  	s2 =	sld [smem:$0x3FAC]  }
0x29: {  	s4 =	sld [smem:$0x3FAE]  }
0x2a: {  	p0 =	seq.s32 s5, $0x0;
	s5 =	sld [smem:$0x3FAF]  }
0x2b: {  	s6 =	sld [smem:$0x3FB0]  }
0x2c: {  	s7 =	sld [smem:$0x3FB1]  }
0x2d: {  	s3 =	simm.s32 $0x108;
	s8 =	sld [smem:$0x3FB2]  }
0x2e: {  	s3 =	simm.s32 @!p0 $0x1082;
	s9 =	sld [smem:$0x3FB3]  }
0x2f: {  	lr =	sadd.s32 s0, s3;
	s0 =	sld [smem:$0x3FAA]  }
0x30: {  	s3 =	sld [smem:$0x3FAD]  }
0x31: {  	[smem:$0x3FB6] =	sst s10  }
0x32: {  	s10 =	sld [smem:$0x3FB4];
	_ =	sdelay $0x3  }
0x33: {  	p0 =	seq.s32 s10, $0x1;
	s10 =	sld [smem:$0x3FB6];
	_ =	sdelay $0x3  }
0x34: {  	[smem:$0x3FB6] =	sst s10  }
0x35: {  	s10 =	sld [smem:$0x3FB5];
	_ =	sdelay $0x3  }
0x36: {  	p1 =	seq.s32 s10, $0x1;
	s10 =	sld [smem:$0x3FB6];
	_ =	sdelay $0x3  }
0x37: {  	[smem:$0x3FB6] =	sst s10  }
0x38: {  	s10 =	sld [smem:$0x3FB7]  }
0x39: {  	_ = 	snop;
	(pc) =	sbr.ind lr, $3  }
0x3a: {  	_ = 	snop  }
0x3b: {  	_ = 	snop  }
0x3c: {  	p2 =	seq.s32 s10, $0x1;
	s10 =	sld [smem:$0x3FB6]  }
0x3d: {  	_ =	shalt  }
0x3e: {  	_ =	shalt  }
0x3f: {  	_ =	shalt  }
0x40: {  	_ =	shalt  }
0x41: {  	_ =	shalt  }
0x42: {  	_ =	shalt  }
0x43: {  	_ =	shalt  }
0x44: {  	_ =	shalt  }
0x45: {  	_ =	shalt  }
0x46: {  	_ =	shalt  }
0x47: {  	_ =	shalt  }
0x48: {  	_ =	shalt  }
0x49: {  	_ =	shalt  }
0x4a: {  	_ =	shalt  }
0x4b: {  	_ =	shalt  }
0x4c: {  	_ =	shalt  }
0x4d: {  	_ =	shalt  }
0x4e: {  	_ =	shalt  }
0x4f: {  	_ =	shalt  }
0x50: {  	_ =	shalt  }
0x51: {  	_ =	shalt  }
0x52: {  	_ =	shalt  }
0x53: {  	_ =	shalt  }
0x54: {  	_ =	shalt  }
0x55: {  	_ =	shalt  }
0x56: {  	_ =	shalt  }
0x57: {  	_ =	shalt  }
0x58: {  	_ =	shalt  }
0x59: {  	_ =	shalt  }
0x5a: {  	_ =	shalt  }
0x5b: {  	_ =	shalt  }
0x5c: {  	_ =	shalt  }
0x5d: {  	_ =	shalt  }
0x5e: {  	_ =	shalt  }
0x5f: {  	_ =	shalt  }
0x60: {  	_ =	shalt  }
0x61: {  	_ =	shalt  }
0x62: {  	_ =	shalt  }
0x63: {  	_ =	shalt  }
0x64: {  	_ =	shalt  }
0x65: {  	_ =	shalt  }
0x66: {  	_ =	shalt  }
0x67: {  	_ =	shalt  }
0x68: {  	_ =	shalt  }
0x69: {  	_ =	shalt  }
0x6a: {  	_ =	shalt  }
0x6b: {  	_ =	shalt  }
0x6c: {  	_ =	shalt  }
0x6d: {  	_ =	shalt  }
0x6e: {  	_ =	shalt  }
0x6f: {  	_ =	shalt  }
0x70: {  	_ =	shalt  }
0x71: {  	_ =	shalt  }
0x72: {  	_ =	shalt  }
0x73: {  	_ =	shalt  }
0x74: {  	_ =	shalt  }
0x75: {  	_ =	shalt  }
0x76: {  	_ =	shalt  }
0x77: {  	_ =	shalt  }
0x78: {  	_ =	shalt  }
0x79: {  	_ =	shalt  }
0x7a: {  	_ =	shalt  }
0x7b: {  	_ =	shalt  }
0x7c: {  	_ =	shalt  }
0x7d: {  	_ =	shalt  }
0x7e: {  	_ =	shalt  }
0x7f: {  	_ =	shalt  }
0x80: {  	_ =	shalt  }
0x81: {  	_ =	shalt  }
0x82: {  	_ =	shalt  }
0x83: {  	_ =	shalt  }
0x84: {  	_ =	shalt  }
0x85: {  	_ =	shalt  }
0x86: {  	_ =	shalt  }
0x87: {  	_ =	shalt  }
.Lfunc_end0:
.L_simem_size_0:
called_computation_lowered:
.L_overlay_start_0:
0x88: {  	s2 =	sld [smem:$0x3FD9]  }
0x89: {  	s3 =	sld [smem:$0x3FFE];
	_ =	sdelay $0x1  }
0x8a: {  	s1 =	srdreg.scid  }
0x8b: {  	s0 =	sand.u32 $0x1, s1  }
0x8c: {  	s14 =	sshll.u32 s0, $0xA;
	s2 =	sadd.s32 s3, s2  }
0x8d: {  	s2 =	sadd.s32 s2, s14  }
0x8e: {  	[smem:$0x3FC2] =	sst s2  }
0x8f: {  	_ = 	snop  }
0x90: {  	s2 =	sld [smem:$0x3FD0];
	_ =	sdelay $0x2  }
0x91: {  	s15 =	simm.s32 $0xA;
	s4 =	simm.s32 $0x10  }
0x92: {  	[smem:s4], [sflag:s15] =	dma.local [hbm:s2], $0x1  }
0x93: {  	_ =	swait.eq [sflag:s15], $0x1  }
0x94: {  	[sflag:s15] =	ssyncset.done $0x0  }
0x95: {  	[sflag:s15] =	ssyncadd.s32 $0xFFFFFFFF  }
0x96: {  	s16 =	sld [smem:$0x11];
	(tm) =	ssettm $0x1  }
0x97: {  	s17 =	sld [smem:$0x3FFB];
	_ =	sdelay $0x3  }
0x98: {  	_ =	strace s17  }
0x99: {  	s3 =	sld [smem:$0x3FFC];
	_ =	sdelay $0x3  }
0x9a: {  	_ =	strace s3  }
0x9b: {  	s3 =	sld [smem:$0x3FFD];
	_ =	sdelay $0x3  }
0x9c: {  	_ =	strace s3  }
0x9d: {  	_ =	strace $0x8FFFFFFF  }
0x9e: {  	s18 =	sld [smem:$0x3FDB];
	_ =	sdelay $0x1  }
0x9f: {  	s19 =	simm.s32 $_scs_section_size  }
0xa0: {  	s5 =	simm.s32 $_size__tile_overlayer_lowered;
	s6 =	simm.s32 $_tile_overlayer_lowered  }
0xa1: {  	s22 =	simm.s32 $0x1BFF;
	s21 =	sshll.u32 s6, $0x1;
	s3 =	sadd.s32 s19, s18  }
0xa2: {  	s7 =	simm.s32 $0x0;
	s20 =	sshll.u32 s5, $0x1;
	s5 =	sadd.s32 s21, s3  }
0xa3: {  	[timem:s7], [sflag:s22] =	dma.local [hbm:s5], s20  }
0xa4: {  	_ =	swait.ge [sflag:s22], s20  }
0xa5: {  	s4 =	ssub.s32 $0x0, s20;
	[sflag:s22] =	ssyncset.done $0x0  }
0xa6: {  	[sflag:s22] =	ssyncadd.s32 s4;
	_ =	sdelay $0x1  }
0xa7: {  	s23 =	simm.s32 $0x1B8B  }
0xa8: {  	_ =	swait.ge [sflag:s23], $0x1  }
0xa9: {  	[sflag:s23] =	ssyncset.done $0x0  }
0xaa: {  	s25 =	simm.s32 $0x1B8E;
	s24 =	sld [smem:$0x3FFE];
	[sflag:s23] =	ssyncadd.s32 $0xFFFFFFFF  }
0xab: {  	s26 =	simm.s32 $execute0_lowered;
	[smem:$0x3FD2] =	sst s25  }
0xac: {  	s5 =	sshll.u32 s26, $0x1;
	_ =	strace $0x80000046;
	[dreg:$0x1] =	wrdreg $0xFFFFFFFF  }
0xad: {  	s28 =	simm.s32 $_size_execute0_lowered;
	s3 =	sadd.s32 s3, s5;
	[dreg:$0x0] =	wrdreg $0x0  }
0xae: {  	s5 =	sshll.u32 s28, $0x1;
	[dreg:$0x2] =	wrdreg s3  }
0xaf: {  	[dreg:$0x3] =	wrdreg s5  }
0xb0: {  	[dreg:$0x4] =	wrdreg $0xC0  }
0xb1: {  	_ =	task [dreg:s7], $0x5FFFF  }
0xb2: {  	[dreg:$0x1] =	wrdreg $0xFFFFFFFF  }
0xb3: {  	[dreg:$0x0] =	wrdreg $0x60  }
0xb4: {  	[dreg:$0x2] =	wrdreg s16  }
0xb5: {  	[dreg:$0x3] =	wrdreg s24  }
0xb6: {  	[dreg:$0x4] =	wrdreg $0x50000  }
0xb7: {  	[dreg:$0x5] =	wrdreg $0x0  }
0xb8: {  	[dreg:$0x6] =	wrdreg $0x9  }
0xb9: {  	_ =	task.clear_ibuf [dreg:s7], $0x7FFFF;
	_ =	strace $0x90000046  }
0xba: {  	s29 =	simm.s32 $0x9;
	_ =	strace $0x80000048  }
0xbb: {  	_ =	swait.ge [sflag:s29], $0x1  }
0xbc: {  	[sflag:s29] =	ssyncadd.s32 $0xFFFFFFFF  }
0xbd: {  	_ =	strace $0x90000048  }
0xbe: {  	_ =	sfence  }
0xbf: {  	s30 =	sld [smem:$0x0];
	_ =	sdelay $0x2  }
0xc0: {  	s31 =	sshll.u32 s1, $0xD;
	s1 =	sshrl.u32 s1, $0x2  }
0xc1: {  	s3 =	sand.u32 $0x4000, s31;
	s1 =	sadd.s32 s1, s30  }
0xc2: {  	s0 =	sor.u32 s3, s0;
	s1 =	sshll.u32 s1, $0x11  }
0xc3: {  	s0 =	sor.u32 s1, s0  }
0xc4: {  	s0 =	sadd.s32 $0x8F2B, s0  }
0xc5: {  	[sflag:s0] =	ssyncadd.remote.s32 $0x1  }
0xc6: {  	_ =	sfence.sel $0xFFFF  }
0xc7: {  	[dreg:$0x0] =	wrdreg $0xFFFFFFFF;
	(pc) =	sbr.abs _section_cstart, $3  }
0xc8: {  	[dreg:$0x1] =	wrdreg $0xFFFFFFFF  }
0xc9: {  	_ =	task.clear_ibuf [dreg:s7], $0x2FFFF;
	_ =	strace $0x9FFFFFFF  }
0xca: {  	(tm) =	ssettm $0x7FFFFFFF  }
0xcb: {  	_ =	shalt  }
tec
execute0_lowered:
.L_overlay_start_1:
0x0: {  	(tag) =	ssettag $0x1  }
0x1: {  	s0 =	rddreg [dreg:$0x0]  }
0x2: {  	s1 =	rddreg [dreg:$0x1]  }
0x3: {  	s2 =	rddreg [dreg:$0x2]  }
0x4: {  	s3 =	rddreg [dreg:$0x3];
	s11 =	stileid.u32  }
0x5: {  	s28 =	simm.s32 $0x0;
	s5 =	srdreg.scid;
	s4 =	smul.u32 $0x9E0, s11  }
0x6: {  	[smem:$0x7FF] =	sst s28;
	s8 =	smul.u32 $0x14000, s11  }
0x7: {  	s5 =	sand.u32 $0x1, s5;
	s7 =	sadd.s32 $0xAC00, s1;
	s15 =	smul.u32 $0x5000, s11  }
0x8: {  	_ =	strace $0x80000047;
	[dreg:$0x5] =	wrdreg s7;
	s13 =	ssub.s32 $0x2, s5  }
0x9: {  	s12 =	smul.u32 $0x50000, s5;
	s6 =	sadd.s32 s4, s1;
	s1 =	sadd.s32 $0x1EC00, s1  }
0xa: {  	s9 =	sshrl.u32 s13, $0x1;
	s14 =	sshrl.u32 s8, $0x2;
	s0 =	sadd.s32 s0, s4  }
0xb: {  	s10 =	sadd.s32 s15, s2;
	s18 =	sadd.s32 $0x1000, s15;
	s29 =	sadd.s32 s15, s3  }
0xc: {  	s21 =	sadd.s32 $0x2000, s15;
	s23 =	sadd.s32 $0x3000, s15;
	s24 =	sadd.s32 $0x4000, s15  }
0xd: {  	s5 =	ssub.s32 s13, s9;
	[dreg:$0x7] =	wrdreg s0;
	s16 =	sadd.s32 $0xE00, s6  }
0xe: {  	s9 =	sadd.s32 s14, s2;
	s17 =	sadd.s32 s15, s12;
	[dreg:$0x6] =	wrdreg s12  }
0xf: {  	s19 =	sadd.s32 s12, s18;
	s13 =	sadd.s32 s18, s2;
	[dreg:$0xa] =	wrdreg s29  }
0x10: {  	s31 =	sadd.s32 s18, s3;
	s22 =	sadd.s32 s21, s3;
	[dreg:$0x8] =	wrdreg s16  }
0x11: {  	s25 =	sadd.s32 s12, s23;
	s4 =	sadd.s32 s23, s3;
	[dreg:$0xe] =	wrdreg s22  }
0x12: {  	s26 =	sadd.s32 s12, s24;
	s8 =	sadd.s32 s24, s3;
	[dreg:$0x10] =	wrdreg s4  }
0x13: {  	s14 =	smul.u32 $0x280, s11;
	s11 =	simm.s32 $0x17600;
	[dreg:$0x13] =	wrdreg s8  }
0x14: {  	s0 =	sshrl.u32 s17, $0x3;
	s20 =	sshrl.u32 s19, $0x3;
	[dreg:$0x9] =	wrdreg s9  }
0x15: {  	s16 =	sadd.s32 s21, s2;
	s19 =	sadd.s32 s23, s2;
	[dreg:$0xc] =	wrdreg s31  }
0x16: {  	s7 =	sshrl.u32 s26, $0x3;
	s15 =	sadd.s32 $0x800, s9;
	[dreg:$0x15] =	wrdreg s14  }
0x17: {  	s23 =	sadd.s32 s24, s2;
	s17 =	sadd.s32 $0x1800, s9;
	[dreg:$0x16] =	wrdreg s15  }
0x18: {  	s18 =	sadd.s32 $0x2800, s9;
	s22 =	sadd.s32 $0x1000, s9;
	[dreg:$0x17] =	wrdreg s17  }
0x19: {  	s24 =	sadd.s32 $0x2000, s9;
	s26 =	sadd.s32 $0x4000, s9;
	[dreg:$0x18] =	wrdreg s18  }
0x1a: {  	s4 =	simm.s32 $0x0;
	s30 =	sadd.s32 s1, s0;
	[dreg:$0x1b] =	wrdreg s22  }
0x1b: {  	s0 =	sadd.s32 s1, s20;
	s7 =	sadd.s32 s1, s7;
	[dreg:$0x1c] =	wrdreg s24  }
0x1c: {  	s20 =	sadd.s32 $0x3800, s9;
	[dreg:$0x1e] =	wrdreg s26;
	s14 =	simm.s32 $0x16600  }
0x1d: {  	s15 =	simm.s32 $0x13E00;
	s17 =	simm.s32 $0x1;
	[dreg:$0xd] =	wrdreg s0  }
0x1e: {  	s18 =	simm.s32 $0x4;
	s22 =	simm.s32 $0x6;
	[dreg:$0x12] =	wrdreg s7  }
0x1f: {  	s24 =	simm.s32 $0x7;
	s0 =	sadd.s32 s12, s21;
	[dreg:$0x19] =	wrdreg s20  }
0x20: {  	s12 =	smax.u32 s5, $0x1;
	s21 =	sadd.s32 $0x4800, s9;
	[dreg:$0xb] =	wrdreg s30  }
0x21: {  	s7 =	simm.s32 $0x8;
	s20 =	simm.s32 $0x14E00;
	[dreg:$0x14] =	wrdreg s12  }
.Ltmp0:
0x22: {  	s0 =	sshrl.u32 s0, $0x3;
	[dreg:$0x1a] =	wrdreg s21;
	(pc) =	sbr.rel .LBB2_1-.Ltmp0, $4  }
0x23: {  	s12 =	simm.s32 $0x3;
	s21 =	simm.s32 $0x2;
	s0 =	sadd.s32 s1, s0  }
0x24: {  	[dreg:$0xf] =	wrdreg s0;
	s0 =	sshrl.u32 s25, $0x3;
	s25 =	sadd.s32 $0x3000, s9  }
0x25: {  	s9 =	simm.s32 $0x80;
	s0 =	sadd.s32 s1, s0;
	[dreg:$0x1d] =	wrdreg s25  }
0x26: {  	v0 =	vimm.f32 $0.0e+00;
	v1 =	vimm.f32 $1.000000000e+00;
	s25 =	simm.s32 $0x15E00;
	s1 =	simm.s32 $0x5;
	[dreg:$0x11] =	wrdreg s0  }
.LBB2_53:
0x27: {  	s4 =	rddreg [dreg:$0x1f]  }
0x28: {  	s0 =	rddreg [dreg:$0x14];
	s4 =	sadd.s32 $0x1, s4  }
0x29: {  	p0 =	sne.s32 s4, s0  }
.Ltmp1:
0x2a: {  	_ = 	snop;
	(pc) =	sbr.rel @!p0 .LBB2_54-.Ltmp1, $1  }
0x2b: {  	_ =	sdelay $0x3  }
.LBB2_1:
0x2c: {  	[dreg:$0x1f] =	wrdreg s4  }
0x2d: {  	s0 =	rddreg [dreg:$0x7];
	s29 =	simm.s32 $0xA000  }
0x2e: {  	[tilespmem:s29], [sflag:$0x8] =	stream.linear.gather [hbm4b:s0+s28], $0x4F00, $0x38;
	[tilespmem:$0x1FE00] =	vst v63  }
0x2f: {  	_ =	swait.ge [sflag:s7], $0x4F00  }
0x30: {  	[sflag:s7] =	ssyncset.done $0x0  }
0x31: {  	s31 =	simm.s32 $0xEF00;
	s30 =	rddreg [dreg:$0x8];
	[sflag:s7] =	ssyncadd.s32 $0xFFFFB100  }
0x32: {  	[tilespmem:s31], [sflag:$0x8] =	stream.linear.gather [hbm4b:s30+s28], $0x4F00, $0x38;
	[tilespmem:$0x1FE00] =	vst v63  }
0x33: {  	_ =	swait.ge [sflag:s7], $0x4F00  }
0x34: {  	[sflag:s7] =	ssyncset.done $0x0  }
0x35: {  	s0 =	simm.s32 $0x0;
	[sflag:s7] =	ssyncadd.s32 $0xFFFFB100  }
.LBB2_2:
0x36: {  	p0 =	sne.s32 s0, $0x1F80  }
.Ltmp2:
0x37: {  	_ = 	snop;
	(pc) =	sbr.rel @p0 .LBB2_2-.Ltmp2, $4  }
0x38: {  	_ = 	snop  }
0x39: {  	s4 =	sshra.s32 s0, $0x2  }
0x3a: {  	[tilespmem:s4+$0x15E00] =	vst v0  }
0x3b: {  	s0 =	sadd.s32 $0x80, s0;
	[tilespmem:s4+$0x15E10] =	vst v0  }
0x3c: {  	s0 =	simm.s32 $0x80;
	s4 =	simm.s32 $0x0  }
.LBB2_4:
0x3d: {  	p0 =	sne.s32 s0, $0x3F80;
	[tilespmem:s4+$0x17600] =	vst v1;
	s5 =	smov.u32 s0;
	s0 =	sadd.s32 $0x80, s0  }
.Ltmp3:
0x3e: {  	[tilespmem:s4+$0x17610] =	vst v1;
	(pc) =	sbr.rel @p0 .LBB2_4-.Ltmp3, $2  }
0x3f: {  	_ =	sdelay $0x2  }
0x40: {  	s4 =	sshra.s32 s5, $0x2  }
0x41: {  	[tilespmem:s4+$0x17600] =	vst v1  }
0x42: {  	[tilespmem:s4+$0x17610] =	vst v1;
	s0 =	rddreg [dreg:$0x9]  }
0x43: {  	[spmem:s0] =	stream.linear.scatter [tilespmem:s25], [sflag:$0x8], $0x800, $0x38;
	[tilespmem:$0x1FE00] =	vst v63  }
0x44: {  	_ =	swait.ge [sflag:s7], $0x800  }
0x45: {  	[sflag:s7] =	ssyncset.done $0x0  }
0x46: {  	s4 =	rddreg [dreg:$0x16];
	[sflag:s7] =	ssyncadd.s32 $0xFFFFF800  }
0x47: {  	[spmem:s4] =	stream.linear.scatter [tilespmem:s25], [sflag:$0x8], $0x800, $0x38;
	[tilespmem:$0x1FE00] =	vst v63  }
0x48: {  	_ =	swait.ge [sflag:s7], $0x800  }
0x49: {  	[sflag:s7] =	ssyncset.done $0x0  }
0x4a: {  	s5 =	rddreg [dreg:$0x1b];
	[sflag:s7] =	ssyncadd.s32 $0xFFFFF800  }
0x4b: {  	[spmem:s5] =	stream.linear.scatter [tilespmem:s25], [sflag:$0x8], $0x800, $0x38;
	[tilespmem:$0x1FE00] =	vst v63  }
0x4c: {  	_ =	swait.ge [sflag:s7], $0x800  }
0x4d: {  	[sflag:s7] =	ssyncset.done $0x0  }
0x4e: {  	s6 =	rddreg [dreg:$0x17];
	[sflag:s7] =	ssyncadd.s32 $0xFFFFF800  }
0x4f: {  	[spmem:s6] =	stream.linear.scatter [tilespmem:s25], [sflag:$0x8], $0x800, $0x38;
	[tilespmem:$0x1FE00] =	vst v63  }
0x50: {  	_ =	swait.ge [sflag:s7], $0x800  }
0x51: {  	[sflag:s7] =	ssyncset.done $0x0  }
0x52: {  	s8 =	rddreg [dreg:$0x1c];
	[sflag:s7] =	ssyncadd.s32 $0xFFFFF800  }
0x53: {  	[spmem:s8] =	stream.linear.scatter [tilespmem:s25], [sflag:$0x8], $0x800, $0x38;
	[tilespmem:$0x1FE00] =	vst v63  }
0x54: {  	_ =	swait.ge [sflag:s7], $0x800  }
0x55: {  	[sflag:s7] =	ssyncset.done $0x0  }
0x56: {  	s26 =	rddreg [dreg:$0x18];
	[sflag:s7] =	ssyncadd.s32 $0xFFFFF800  }
0x57: {  	[spmem:s26] =	stream.linear.scatter [tilespmem:s25], [sflag:$0x8], $0x800, $0x38;
	[tilespmem:$0x1FE00] =	vst v63  }
0x58: {  	_ =	swait.ge [sflag:s7], $0x800  }
0x59: {  	[sflag:s7] =	ssyncset.done $0x0  }
0x5a: {  	s28 =	rddreg [dreg:$0x1d];
	[sflag:s7] =	ssyncadd.s32 $0xFFFFF800  }
0x5b: {  	[spmem:s28] =	stream.linear.scatter [tilespmem:s25], [sflag:$0x8], $0x800, $0x38;
	[tilespmem:$0x1FE00] =	vst v63  }
0x5c: {  	_ =	swait.ge [sflag:s7], $0x800  }
0x5d: {  	[sflag:s7] =	ssyncset.done $0x0  }
0x5e: {  	s29 =	rddreg [dreg:$0x19];
	[sflag:s7] =	ssyncadd.s32 $0xFFFFF800  }
0x5f: {  	[spmem:s29] =	stream.linear.scatter [tilespmem:s25], [sflag:$0x8], $0x800, $0x38;
	[tilespmem:$0x1FE00] =	vst v63  }
0x60: {  	_ =	swait.ge [sflag:s7], $0x800  }
0x61: {  	[sflag:s7] =	ssyncset.done $0x0  }
0x62: {  	s30 =	rddreg [dreg:$0x1e];
	[sflag:s7] =	ssyncadd.s32 $0xFFFFF800  }
0x63: {  	[spmem:s30] =	stream.linear.scatter [tilespmem:s25], [sflag:$0x8], $0x800, $0x38;
	[tilespmem:$0x1FE00] =	vst v63  }
0x64: {  	_ =	swait.ge [sflag:s7], $0x800  }
0x65: {  	[sflag:s7] =	ssyncset.done $0x0  }
0x66: {  	s31 =	rddreg [dreg:$0x1a];
	[sflag:s7] =	ssyncadd.s32 $0xFFFFF800  }
0x67: {  	[spmem:s31] =	stream.linear.scatter [tilespmem:s25], [sflag:$0x8], $0x800, $0x38;
	[tilespmem:$0x1FE00] =	vst v63  }
0x68: {  	_ =	swait.ge [sflag:s7], $0x800  }
0x69: {  	[sflag:s7] =	ssyncset.done $0x0  }
0x6a: {  	[sflag:s7] =	ssyncadd.s32 $0xFFFFF800  }
0x6b: {  	s0 =	simm.s32 $0x0;
	[bflag:$0x0] =	sbarrier.arrive $0xFFFF  }
.LBB2_6:
0x6c: {  	p0 =	sne.s32 s0, $0x13A00  }
.Ltmp4:
0x6d: {  	_ = 	snop;
	(pc) =	sbr.rel @p0 .LBB2_6-.Ltmp4, $4  }
0x6e: {  	_ = 	snop  }
0x6f: {  	s4 =	sshra.s32 s0, $0x2  }
0x70: {  	s0 =	sadd.s32 $0x200, s0;
	s4 =	sadd.s32 $0xEF00, s4  }
0x71: {  	[spmem:s2] =	stream.indirect.scatter.add.f32 [tilespmem:s11], [sflag:$0x3], $0x20, s4, s9, $0xb8;
	[tilespmem:$0x1FE00] =	vst v63  }
0x72: {  	_ =	swait.ge [sflag:s12], $0x1000  }
0x73: {  	s0 =	simm.s32 $0x9D;
	[sflag:s12] =	ssyncset.done $0x0  }
.LBB2_8:
0x74: {  	p0 =	sne.s32 s0, $0x1;
	s0 =	sadd.s32 $0xFFFFFFFF, s0;
	[sflag:s12] =	ssyncadd.s32 $0xFFFFF000  }
.Ltmp5:
0x75: {  	(pc) =	sbr.rel @p0 .LBB2_8-.Ltmp5, $3  }
0x76: {  	_ =	sdelay $0x1  }
0x77: {  	_ =	swait.ge [sflag:s12], $0x1000  }
0x78: {  	[sflag:s12] =	ssyncset.done $0x0  }
0x79: {  	[sflag:s12] =	ssyncadd.s32 $0xFFFFF000;
	s8 =	simm.s32 $0x0;
	s30 =	simm.s32 $0x18600  }
0x7a: {  	s6 =	simm.s32 $0x1AE00;
	s26 =	simm.s32 $0x0;
	[bflag:$0x0] =	sbarrier.arrive $0xFFFF  }
.LBB2_10:
0x7b: {  	s0 =	sshll.u32 s26, $0x7;
	s4 =	rddreg [dreg:$0x15]  }
0x7c: {  	s0 =	sadd.s32 s4, s0  }
0x7d: {  	s28 =	sshll.u32 s0, $0x5  }
0x7e: {  	s0 =	sadd.s32 s28, s2  }
0x7f: {  	[tilespmem:s14], [sflag:$0x8] =	stream.linear.gather [spmem:s0], $0x1000, $0x38;
	[tilespmem:$0x1FE00] =	vst v63  }
0x80: {  	_ =	swait.ge [sflag:s7], $0x1000  }
0x81: {  	[sflag:s7] =	ssyncset.done $0x0  }
0x82: {  	[sflag:s7] =	ssyncadd.s32 $0xFFFFF000  }
0x83: {  	[spmem:s0] =	stream.linear.scatter [tilespmem:s25], [sflag:$0x8], $0x800, $0x38;
	[tilespmem:$0x1FE00] =	vst v63  }
0x84: {  	s5 =	sand.u32 $0x3FFFFFE0, s28;
	_ =	swait.ge [sflag:s7], $0x800  }
0x85: {  	s0 =	sadd.s32 s5, s2;
	[sflag:s7] =	ssyncset.done $0x0  }
0x86: {  	s0 =	sadd.s32 $0x800, s0;
	[sflag:s7] =	ssyncadd.s32 $0xFFFFF800  }
0x87: {  	[spmem:s0] =	stream.linear.scatter [tilespmem:s25], [sflag:$0x8], $0x800, $0x38;
	[tilespmem:$0x1FE00] =	vst v63  }
0x88: {  	_ =	swait.ge [sflag:s7], $0x800  }
0x89: {  	s4 =	rddreg [dreg:$0x6]  }
0x8a: {  	s0 =	sadd.s32 s4, s28  }
0x8b: {  	[sflag:s7] =	ssyncset.done $0x0;
	s5 =	rddreg [dreg:$0x5];
	s0 =	sshrl.u32 s0, $0x3  }
0x8c: {  	[sflag:s7] =	ssyncadd.s32 $0xFFFFF800;
	s0 =	sadd.s32 s5, s0  }
0x8d: {  	[tilespmem:s15], [sflag:$0x8] =	stream.linear.gather [hbm4b:s0+s8], $0x1000, $0x38;
	[tilespmem:$0x1FE00] =	vst v63  }
0x8e: {  	_ =	swait.ge [sflag:s7], $0x1000  }
0x8f: {  	[sflag:s7] =	ssyncset.done $0x0  }
0x90: {  	s29 =	simm.s32 $0x0;
	[sflag:s7] =	ssyncadd.s32 $0xFFFFF000  }
0x91: {  	v2 =	vld [tilespmem:s29+$0x16600];
	_ =	sdelay $0x4  }
0x92: {  	v2 =	vmax.f32 v2, $1.000000000e+00  }
0x93: {  	v3 =	vshra.s32 v2, $0x1;
	v4 =	vmul.f32 $5.000000000e-01, v2  }
0x94: {  	v3 =	vsub.s32 $0x5F3759DF, v3  }
0x95: {  	v5 =	vmul.f32 v3, v4;
	_ =	sdelay $0x1  }
0x96: {  	v5 =	vmul.f32 v3, v5;
	_ =	sdelay $0x1  }
0x97: {  	v5 =	vsub.f32 $1.500000000e+00, v5;
	_ =	sdelay $0x1  }
0x98: {  	v3 =	vmul.f32 v3, v5;
	_ =	sdelay $0x1  }
0x99: {  	v5 =	vmul.f32 v3, v4;
	_ =	sdelay $0x1  }
0x9a: {  	v5 =	vmul.f32 v5, v3;
	_ =	sdelay $0x1  }
0x9b: {  	v5 =	vsub.f32 $1.500000000e+00, v5;
	_ =	sdelay $0x1  }
0x9c: {  	v3 =	vmul.f32 v5, v3;
	_ =	sdelay $0x1  }
0x9d: {  	v4 =	vmul.f32 v3, v4;
	_ =	sdelay $0x1  }
0x9e: {  	[tilespmem:s30+$0x0] =	vst v2;
	v2 =	vmul.f32 v4, v3  }
0x9f: {  	v4 =	vld [tilespmem:s29+$0x13E00]  }
0xa0: {  	v5 =	vld [tilespmem:s29+$0x13E10];
	v2 =	vsub.f32 $1.500000000e+00, v2;
	_ =	sdelay $0x1  }
0xa1: {  	v3 =	vmul.f32 v2, v3  }
0xa2: {  	v2 =	vmov s6  }
0xa3: {  	v4 =	vmul.f32 v3, v4  }
0xa4: {  	v3 =	vmul.f32 v3, v5  }
0xa5: {  	[tilespmem:s29+$0x17600] =	vst v4;
	v4 =	vmul.f32 $1.000000010e-01, v4  }
0xa6: {  	[tilespmem:s29+$0x17610] =	vst v3;
	v3 =	vmul.f32 $1.000000010e-01, v3  }
0xa7: {  	s31 =	simm.s32 $0x80;
	s5 =	smov.u32 s30;
	s0 =	simm.s32 $0x100;
	[tilespmem:v2+s29+$0x0 ss:$0x1] =	vst.idx.msk $0xffff, v4  }
.LBB2_11:
0xa8: {  	[tilespmem:v2+s29+$0x10 ss:$0x1] =	vst.idx.msk $0xffff, v3;
	s29 =	sshra.s32 s31, $0x2  }
0xa9: {  	s5 =	sadd.s32 $0x10, s5;
	s31 =	smov.u32 s0;
	s4 =	sadd.s32 $0x80, s0  }
0xaa: {  	p0 =	sne.s32 s0, $0x3F80;
	v3 =	vld [tilespmem:s29+$0x16600];
	_ =	sdelay $0x4  }
0xab: {  	v3 =	vmax.f32 v3, $1.000000000e+00  }
0xac: {  	v4 =	vshra.s32 v3, $0x1;
	v5 =	vmul.f32 $5.000000000e-01, v3  }
0xad: {  	v4 =	vsub.s32 $0x5F3759DF, v4  }
0xae: {  	v6 =	vmul.f32 v4, v5;
	_ =	sdelay $0x1  }
0xaf: {  	v6 =	vmul.f32 v4, v6;
	_ =	sdelay $0x1  }
0xb0: {  	v6 =	vsub.f32 $1.500000000e+00, v6;
	_ =	sdelay $0x1  }
0xb1: {  	v4 =	vmul.f32 v4, v6;
	_ =	sdelay $0x1  }
0xb2: {  	v6 =	vmul.f32 v4, v5;
	_ =	sdelay $0x1  }
0xb3: {  	v6 =	vmul.f32 v6, v4;
	_ =	sdelay $0x1  }
0xb4: {  	v6 =	vsub.f32 $1.500000000e+00, v6;
	_ =	sdelay $0x1  }
0xb5: {  	v4 =	vmul.f32 v6, v4;
	_ =	sdelay $0x1  }
0xb6: {  	v5 =	vmul.f32 v4, v5;
	_ =	sdelay $0x1  }
0xb7: {  	[tilespmem:s5+$0x0] =	vst v3;
	v3 =	vmul.f32 v5, v4  }
0xb8: {  	v5 =	vld [tilespmem:s29+$0x13E00]  }
0xb9: {  	v3 =	vsub.f32 $1.500000000e+00, v3;
	v6 =	vld [tilespmem:s29+$0x13E10];
	_ =	sdelay $0x1  }
0xba: {  	v3 =	vmul.f32 v3, v4;
	_ =	sdelay $0x1  }
.Ltmp6:
0xbb: {  	v4 =	vmul.f32 v3, v5;
	(pc) =	sbr.rel @p0 .LBB2_11-.Ltmp6, $4  }
0xbc: {  	v3 =	vmul.f32 v3, v6  }
0xbd: {  	[tilespmem:s29+$0x17600] =	vst v4;
	v4 =	vmul.f32 $1.000000010e-01, v4  }
0xbe: {  	[tilespmem:s29+$0x17610] =	vst v3;
	v3 =	vmul.f32 $1.000000010e-01, v3  }
0xbf: {  	s0 =	smov.u32 s4;
	[tilespmem:v2+s29+$0x0 ss:$0x1] =	vst.idx.msk $0xffff, v4  }
0xc0: {  	_ =	sdelay $0x3  }
0xc1: {  	s0 =	sshra.s32 s31, $0x2;
	[tilespmem:v2+s29+$0x10 ss:$0x1] =	vst.idx.msk $0xffff, v3  }
0xc2: {  	v3 =	vld [tilespmem:s0+$0x16600];
	_ =	sdelay $0x4  }
0xc3: {  	v3 =	vmax.f32 v3, $1.000000000e+00  }
0xc4: {  	v4 =	vshra.s32 v3, $0x1;
	v5 =	vmul.f32 $5.000000000e-01, v3  }
0xc5: {  	v4 =	vsub.s32 $0x5F3759DF, v4  }
0xc6: {  	v6 =	vmul.f32 v4, v5;
	_ =	sdelay $0x1  }
0xc7: {  	v6 =	vmul.f32 v4, v6;
	_ =	sdelay $0x1  }
0xc8: {  	v6 =	vsub.f32 $1.500000000e+00, v6;
	_ =	sdelay $0x1  }
0xc9: {  	v4 =	vmul.f32 v4, v6;
	_ =	sdelay $0x1  }
0xca: {  	v6 =	vmul.f32 v4, v5;
	_ =	sdelay $0x1  }
0xcb: {  	v6 =	vmul.f32 v6, v4;
	_ =	sdelay $0x1  }
0xcc: {  	v6 =	vsub.f32 $1.500000000e+00, v6;
	_ =	sdelay $0x1  }
0xcd: {  	v4 =	vmul.f32 v6, v4;
	_ =	sdelay $0x1  }
0xce: {  	v5 =	vmul.f32 v4, v5  }
0xcf: {  	s4 =	sadd.s32 $0x10, s5  }
0xd0: {  	[tilespmem:s4+$0x0] =	vst v3;
	v3 =	vmul.f32 v5, v4  }
0xd1: {  	v62 =	vld [tilespmem:s0+$0x13E00]  }
0xd2: {  	v63 =	vld [tilespmem:s0+$0x13E10];
	v3 =	vsub.f32 $1.500000000e+00, v3;
	_ =	sdelay $0x1  }
0xd3: {  	v3 =	vmul.f32 v3, v4;
	_ =	sdelay $0x1  }
0xd4: {  	v4 =	vmul.f32 v3, v62  }
0xd5: {  	v3 =	vmul.f32 v3, v63  }
0xd6: {  	[tilespmem:s0+$0x17600] =	vst v4;
	v4 =	vmul.f32 $1.000000010e-01, v4  }
0xd7: {  	s26 =	sadd.s32 $0x1, s26;
	[tilespmem:s0+$0x17610] =	vst v3;
	v3 =	vmul.f32 $1.000000010e-01, v3  }
0xd8: {  	p0 =	sne.s32 s26, $0x5;
	[tilespmem:v2+s0+$0x0 ss:$0x1] =	vst.idx.msk $0xffff, v4  }
.Ltmp7:
0xd9: {  	s31 =	sadd.s32 s28, s3;
	[tilespmem:v2+s0+$0x10 ss:$0x1] =	vst.idx.msk $0xffff, v3;
	(pc) =	sbr.rel @p0 .LBB2_10-.Ltmp7, $4  }
0xda: {  	[spmem:s31] =	stream.linear.scatter [tilespmem:s11], [sflag:$0x8], $0x1000, $0x38;
	[tilespmem:$0x1FE00] =	vst v63  }
0xdb: {  	_ =	swait.ge [sflag:s7], $0x1000  }
0xdc: {  	[sflag:s7] =	ssyncset.done $0x0  }
0xdd: {  	s30 =	sadd.s32 $0x800, s30;
	s6 =	sadd.s32 $0x1000, s6;
	[sflag:s7] =	ssyncadd.s32 $0xFFFFF000  }
.Ltmp8:
0xde: {  	(pc) =	sbr.rel .LBB2_14-.Ltmp8, $4  }
0xdf: {  	[bflag:$0x0] =	sbarrier.arrive $0xFFFF  }
0xe0: {  	s29 =	rddreg [dreg:$0xa]  }
0xe1: {  	s30 =	rddreg [dreg:$0xb]  }
0xe2: {  	s8 =	simm.s32 $0x0;
	s28 =	simm.s32 $0x0;
	s31 =	rddreg [dreg:$0xc]  }
.LBB2_52:
0xe3: {  	_ =	swait.ge [sflag:s24], $0x1000  }
0xe4: {  	[sflag:s24] =	ssyncset.done $0x0  }
0xe5: {  	[sflag:s24] =	ssyncadd.s32 $0xFFFFF000  }
0xe6: {  	_ =	swait.ge [sflag:s22], $0x1000  }
0xe7: {  	[sflag:s22] =	ssyncset.done $0x0  }
0xe8: {  	[sflag:s22] =	ssyncadd.s32 $0xFFFFF000  }
0xe9: {  	_ =	swait.ge [sflag:s1], $0x800  }
0xea: {  	[sflag:s1] =	ssyncset.done $0x0  }
0xeb: {  	[sflag:s1] =	ssyncadd.s32 $0xFFFFF800  }
0xec: {  	_ =	swait.ge [sflag:s1], $0x800  }
0xed: {  	[sflag:s1] =	ssyncset.done $0x0  }
0xee: {  	[sflag:s1] =	ssyncadd.s32 $0xFFFFF800  }
0xef: {  	_ =	swait.ge [sflag:s1], $0x800  }
0xf0: {  	[sflag:s1] =	ssyncset.done $0x0  }
0xf1: {  	[sflag:s1] =	ssyncadd.s32 $0xFFFFF800  }
0xf2: {  	_ =	swait.ge [sflag:s1], $0x800  }
0xf3: {  	[sflag:s1] =	ssyncset.done $0x0  }
0xf4: {  	[sflag:s1] =	ssyncadd.s32 $0xFFFFF800  }
0xf5: {  	_ =	swait.ge [sflag:s1], $0x800  }
0xf6: {  	[sflag:s1] =	ssyncset.done $0x0  }
0xf7: {  	[sflag:s1] =	ssyncadd.s32 $0xFFFFF800  }
0xf8: {  	_ =	swait.ge [sflag:s1], $0x800  }
0xf9: {  	[sflag:s1] =	ssyncset.done $0x0  }
0xfa: {  	[sflag:s1] =	ssyncadd.s32 $0xFFFFF800  }
0xfb: {  	_ =	swait.ge [sflag:s1], $0x800  }
0xfc: {  	[sflag:s1] =	ssyncset.done $0x0  }
0xfd: {  	[sflag:s1] =	ssyncadd.s32 $0xFFFFF800  }
0xfe: {  	_ =	swait.ge [sflag:s1], $0x800  }
0xff: {  	[sflag:s1] =	ssyncset.done $0x0  }
0x100: {  	[sflag:s1] =	ssyncadd.s32 $0xFFFFF800  }
0x101: {  	_ =	swait.ge [sflag:s1], $0x800  }
0x102: {  	s8 =	sadd.s32 $0x1, s8;
	[sflag:s1] =	ssyncset.done $0x0  }
0x103: {  	p0 =	sne.s32 s8, $0xA;
	[sflag:s1] =	ssyncadd.s32 $0xFFFFF800  }
.Ltmp9:
0x104: {  	_ =	swait.ge [sflag:s1], $0x800;
	(pc) =	sbr.rel @!p0 .LBB2_53-.Ltmp9, $3  }
0x105: {  	[sflag:s1] =	ssyncset.done $0x0  }
0x106: {  	[sflag:s1] =	ssyncadd.s32 $0xFFFFF800  }
0x107: {  	[bflag:$0x0] =	sbarrier.arrive $0xFFFF;
	_ =	sdelay $0x1  }
.LBB2_14:
0x108: {  	s0 =	simm.s32 $0xA000  }
0x109: {  	[tilespmem:s15], [sflag:$0x1] =	stream.indirect.gather [spmem:s3], $0x20, s0, s9, $0xb8;
	[tilespmem:$0x1FE00] =	vst v63  }
0x10a: {  	_ =	swait.ge [sflag:s17], $0x1000  }
0x10b: {  	[sflag:s17] =	ssyncset.done $0x0  }
0x10c: {  	s4 =	simm.s32 $0xEF00;
	[sflag:s17] =	ssyncadd.s32 $0xFFFFF000  }
0x10d: {  	[spmem:s2] =	stream.indirect.scatter.add.f32 [tilespmem:s15], [sflag:$0x3], $0x20, s4, s9, $0xb8;
	[tilespmem:$0x1FE00] =	vst v63  }
0x10e: {  	s5 =	simm.s32 $0xA080  }
0x10f: {  	[tilespmem:s20], [sflag:$0x2] =	stream.indirect.gather [spmem:s3], $0x20, s5, s9, $0xb8;
	[tilespmem:$0x1FE00] =	vst v63  }
0x110: {  	_ =	swait.ge [sflag:s21], $0x1000  }
0x111: {  	[sflag:s21] =	ssyncset.done $0x0  }
0x112: {  	s6 =	simm.s32 $0xEF80;
	[sflag:s21] =	ssyncadd.s32 $0xFFFFF000  }
0x113: {  	[spmem:s2] =	stream.indirect.scatter.add.f32 [tilespmem:s20], [sflag:$0x4], $0x20, s6, s9, $0xb8;
	[tilespmem:$0x1FE00] =	vst v63  }
0x114: {  	_ =	swait.ge [sflag:s12], $0x1000  }
0x115: {  	[sflag:s12] =	ssyncset.done $0x0  }
0x116: {  	s26 =	simm.s32 $0xA100;
	s0 =	simm.s32 $0xFFFECC00;
	[sflag:s12] =	ssyncadd.s32 $0xFFFFF000  }
0x117: {  	[tilespmem:s15], [sflag:$0x1] =	stream.indirect.gather [spmem:s3], $0x20, s26, s9, $0xb8;
	[tilespmem:$0x1FE00] =	vst v63  }
.LBB2_15:
0x118: {  	_ =	swait.ge [sflag:s17], $0x1000  }
0x119: {  	s5 =	sshra.s32 s0, $0x2;
	[sflag:s17] =	ssyncset.done $0x0  }
0x11a: {  	s4 =	sadd.s32 $0x13D00, s5;
	[sflag:s17] =	ssyncadd.s32 $0xFFFFF000  }
0x11b: {  	[spmem:s2] =	stream.indirect.scatter.add.f32 [tilespmem:s15], [sflag:$0x3], $0x20, s4, s9, $0xb8;
	[tilespmem:$0x1FE00] =	vst v63  }
0x11c: {  	_ =	swait.ge [sflag:s18], $0x1000  }
0x11d: {  	[sflag:s18] =	ssyncset.done $0x0  }
0x11e: {  	s6 =	sadd.s32 $0xEE80, s5;
	[sflag:s18] =	ssyncadd.s32 $0xFFFFF000  }
0x11f: {  	[tilespmem:s20], [sflag:$0x2] =	stream.indirect.gather [spmem:s3], $0x20, s6, s9, $0xb8;
	[tilespmem:$0x1FE00] =	vst v63  }
0x120: {  	_ =	swait.ge [sflag:s21], $0x1000  }
0x121: {  	p0 =	seq.s32 s0, $0x0;
	[sflag:s21] =	ssyncset.done $0x0  }
.Ltmp10:
0x122: {  	s26 =	sadd.s32 $0x13D80, s5;
	[sflag:s21] =	ssyncadd.s32 $0xFFFFF000;
	(pc) =	sbr.rel @p0 .LBB2_17-.Ltmp10, $4  }
0x123: {  	[spmem:s2] =	stream.indirect.scatter.add.f32 [tilespmem:s20], [sflag:$0x4], $0x20, s26, s9, $0xb8;
	[tilespmem:$0x1FE00] =	vst v63  }
0x124: {  	_ =	swait.ge [sflag:s12], $0x1000  }
0x125: {  	[sflag:s12] =	ssyncset.done $0x0  }
0x126: {  	[sflag:s12] =	ssyncadd.s32 $0xFFFFF000  }
.Ltmp11:
0x127: {  	(pc) =	sbr.rel .LBB2_15-.Ltmp11, $3  }
0x128: {  	_ =	sdelay $0x1  }
0x129: {  	s4 =	sadd.s32 $0xEF00, s5;
	s0 =	sadd.s32 $0x400, s0  }
0x12a: {  	[tilespmem:s15], [sflag:$0x1] =	stream.indirect.gather [spmem:s3], $0x20, s4, s9, $0xb8;
	[tilespmem:$0x1FE00] =	vst v63  }
.LBB2_17:
0x12b: {  	_ =	swait.ge [sflag:s18], $0x1000  }
0x12c: {  	[sflag:s18] =	ssyncset.done $0x0  }
0x12d: {  	[sflag:s18] =	ssyncadd.s32 $0xFFFFF000  }
0x12e: {  	[bflag:$0x0] =	sbarrier.arrive $0xFFFF  }
0x12f: {  	[tilespmem:s14], [sflag:$0x8] =	stream.linear.gather [spmem:s10], $0x1000, $0x38;
	[tilespmem:$0x1FE00] =	vst v63  }
0x130: {  	p0 =	seq.s32 s8, $0x9;
	_ =	swait.ge [sflag:s7], $0x1000  }
.Ltmp12:
0x131: {  	[sflag:s7] =	ssyncset.done $0x0;
	(pc) =	sbr.rel @!p0 .LBB2_18-.Ltmp12, $4  }
0x132: {  	[sflag:s7] =	ssyncadd.s32 $0xFFFFF000  }
0x133: {  	[spmem:s10] =	stream.linear.scatter [tilespmem:s25], [sflag:$0x5], $0x800, $0x38;
	[tilespmem:$0x1FE00] =	vst v63  }
0x134: {  	s5 =	simm.s32 $0x0;
	s6 =	simm.s32 $0x18600;
	s0 =	rddreg [dreg:$0x16]  }
0x135: {  	[spmem:s0] =	stream.linear.scatter [tilespmem:s25], [sflag:$0x5], $0x800, $0x38;
	[tilespmem:$0x1FE00] =	vst v63  }
0x136: {  	v2 =	vld [tilespmem:s6+$0x0];
	s26 =	simm.s32 $0x80  }
.LBB2_22:
0x137: {  	p1 =	sne.s32 s26, $0x3F80;
	_ =	sdelay $0x3  }
0x138: {  	v3 =	vshra.s32 v2, $0x1;
	v4 =	vmul.f32 $5.000000000e-01, v2  }
0x139: {  	v3 =	vsub.s32 $0x5F3759DF, v3  }
0x13a: {  	v5 =	vmul.f32 v3, v4;
	_ =	sdelay $0x1  }
0x13b: {  	v5 =	vmul.f32 v3, v5;
	_ =	sdelay $0x1  }
0x13c: {  	v5 =	vsub.f32 $1.500000000e+00, v5;
	_ =	sdelay $0x1  }
0x13d: {  	v3 =	vmul.f32 v3, v5;
	_ =	sdelay $0x1  }
0x13e: {  	v5 =	vmul.f32 v3, v4;
	_ =	sdelay $0x1  }
0x13f: {  	v5 =	vmul.f32 v5, v3;
	_ =	sdelay $0x1  }
0x140: {  	v5 =	vsub.f32 $1.500000000e+00, v5;
	_ =	sdelay $0x1  }
0x141: {  	v3 =	vmul.f32 v5, v3;
	_ =	sdelay $0x1  }
0x142: {  	v4 =	vmul.f32 v3, v4;
	_ =	sdelay $0x1  }
0x143: {  	s0 =	sshra.s32 s5, $0x2;
	s5 =	smov.u32 s26;
	v4 =	vmul.f32 v4, v3  }
0x144: {  	v5 =	vld [tilespmem:s0+$0x16600]  }
0x145: {  	v4 =	vsub.f32 $1.500000000e+00, v4;
	v6 =	vld [tilespmem:s0+$0x1AE00]  }
0x146: {  	v7 =	vld [tilespmem:s0+$0x16610]  }
0x147: {  	v3 =	vmul.f32 v4, v3;
	v4 =	vld [tilespmem:s0+$0x1AE10];
	_ =	sdelay $0x1  }
0x148: {  	v2 =	vmul.f32 v3, v2;
	v3 =	vmul.f32 $8.999999760e-01, v3;
	_ =	sdelay $0x1  }
0x149: {  	v5 =	vmul.f32 v3, v5;
	v6 =	vmul.f32 v2, v6  }
0x14a: {  	v3 =	vmul.f32 v3, v7;
	v2 =	vmul.f32 v2, v4  }
.Ltmp13:
0x14b: {  	v4 =	vadd.f32 v6, v5;
	(pc) =	sbr.rel @p1 .LBB2_22-.Ltmp13, $4  }
0x14c: {  	v2 =	vadd.f32 v2, v3  }
0x14d: {  	[tilespmem:s0+$0x17600] =	vst v4  }
0x14e: {  	s6 =	sadd.s32 $0x10, s6;
	[tilespmem:s0+$0x17610] =	vst v2  }
0x14f: {  	s26 =	sadd.s32 $0x80, s26;
	v2 =	vld [tilespmem:s6+$0x0]  }
0x150: {  	_ =	sdelay $0x3  }
0x151: {  	v3 =	vshra.s32 v2, $0x1;
	v4 =	vmul.f32 $5.000000000e-01, v2  }
0x152: {  	v3 =	vsub.s32 $0x5F3759DF, v3  }
0x153: {  	v5 =	vmul.f32 v3, v4;
	_ =	sdelay $0x1  }
0x154: {  	v5 =	vmul.f32 v3, v5;
	_ =	sdelay $0x1  }
0x155: {  	v5 =	vsub.f32 $1.500000000e+00, v5;
	_ =	sdelay $0x1  }
0x156: {  	v3 =	vmul.f32 v3, v5;
	_ =	sdelay $0x1  }
0x157: {  	v5 =	vmul.f32 v3, v4;
	_ =	sdelay $0x1  }
0x158: {  	v5 =	vmul.f32 v5, v3;
	_ =	sdelay $0x1  }
0x159: {  	v5 =	vsub.f32 $1.500000000e+00, v5;
	_ =	sdelay $0x1  }
0x15a: {  	v3 =	vmul.f32 v5, v3;
	_ =	sdelay $0x1  }
0x15b: {  	v4 =	vmul.f32 v3, v4;
	_ =	sdelay $0x1  }
0x15c: {  	s0 =	sshra.s32 s5, $0x2;
	v4 =	vmul.f32 v4, v3  }
0x15d: {  	v61 =	vld [tilespmem:s0+$0x16600]  }
0x15e: {  	v6 =	vld [tilespmem:s0+$0x1AE00];
	v4 =	vsub.f32 $1.500000000e+00, v4  }
0x15f: {  	v7 =	vld [tilespmem:s0+$0x16610]  }
0x160: {  	v62 =	vld [tilespmem:s0+$0x1AE10];
	v3 =	vmul.f32 v4, v3;
	_ =	sdelay $0x1  }
0x161: {  	v2 =	vmul.f32 v3, v2;
	v3 =	vmul.f32 $8.999999760e-01, v3;
	_ =	sdelay $0x1  }
0x162: {  	v5 =	vmul.f32 v3, v61;
	v6 =	vmul.f32 v2, v6  }
0x163: {  	v3 =	vmul.f32 v3, v7;
	v2 =	vmul.f32 v2, v62  }
.Ltmp14:
0x164: {  	v63 =	vadd.f32 v6, v5;
	(pc) =	sbr.rel .LBB2_24-.Ltmp14, $4  }
0x165: {  	v2 =	vadd.f32 v2, v3  }
0x166: {  	[tilespmem:s0+$0x17600] =	vst v63  }
0x167: {  	[tilespmem:s0+$0x17610] =	vst v2  }
0x168: {  	[hbm4b:s30+s28] =	stream.linear.scatter [tilespmem:s11], [sflag:$0x6], $0x1000, $0x38;
	[tilespmem:$0x1FE00] =	vst v63  }
.LBB2_18:
0x169: {  	v2 =	vld [tilespmem:s6+$0x0];
	s0 =	simm.s32 $0x80  }
.LBB2_19:
0x16a: {  	p1 =	sne.s32 s0, $0x3F80;
	_ =	sdelay $0x3  }
0x16b: {  	(erf) = vrcp.f32 v2;
	_ =	sdelay $0x4  }
0x16c: {  	s4 =	sshra.s32 s5, $0x2;
	s5 =	smov.u32 s0  }
0x16d: {  	v2 =	vld [tilespmem:s4+$0x16600]  }
0x16e: {  	v3 =	vld [tilespmem:s4+$0x16610]  }
0x16f: {  	v4 =	vld [tilespmem:s4+$0x1AE00]  }
0x170: {  	v5 =	vld [tilespmem:s4+$0x1AE10];
	v6 =	vpop (erf)  }
0x171: {  	v6 =	vmul.f32 $8.999999760e-01, v6;
	_ =	sdelay $0x1  }
0x172: {  	v2 =	vmul.f32 v6, v2;
	v3 =	vmul.f32 v3, v6;
	_ =	sdelay $0x1  }
.Ltmp15:
0x173: {  	v2 =	vadd.f32 v2, v4;
	v3 =	vadd.f32 v5, v3;
	(pc) =	sbr.rel @p1 .LBB2_19-.Ltmp15, $4  }
0x174: {  	_ = 	snop  }
0x175: {  	[tilespmem:s4+$0x17600] =	vst v2  }
0x176: {  	s6 =	sadd.s32 $0x10, s6;
	[tilespmem:s4+$0x17610] =	vst v3  }
0x177: {  	s0 =	sadd.s32 $0x80, s0;
	v2 =	vld [tilespmem:s6+$0x0]  }
0x178: {  	_ =	sdelay $0x3  }
0x179: {  	(erf) = vrcp.f32 v2;
	_ =	sdelay $0x5  }
0x17a: {  	s0 =	sshra.s32 s5, $0x2  }
0x17b: {  	v2 =	vld [tilespmem:s0+$0x16600]  }
0x17c: {  	v3 =	vld [tilespmem:s0+$0x16610]  }
0x17d: {  	v4 =	vld [tilespmem:s0+$0x1AE00];
	v5 =	vpop (erf)  }
0x17e: {  	v6 =	vld [tilespmem:s0+$0x1AE10];
	v5 =	vmul.f32 $8.999999760e-01, v5;
	_ =	sdelay $0x1  }
0x17f: {  	v2 =	vmul.f32 v5, v2  }
0x180: {  	v3 =	vmul.f32 v3, v5  }
0x181: {  	v2 =	vadd.f32 v2, v4  }
0x182: {  	v3 =	vadd.f32 v6, v3  }
0x183: {  	[tilespmem:s0+$0x17600] =	vst v2  }
0x184: {  	[tilespmem:s0+$0x17610] =	vst v3  }
0x185: {  	[spmem:s29] =	stream.linear.scatter [tilespmem:s11], [sflag:$0x6], $0x1000, $0x38;
	[tilespmem:$0x1FE00] =	vst v63  }
.LBB2_24:
0x186: {  	[tilespmem:s14], [sflag:$0x8] =	stream.linear.gather [spmem:s13], $0x1000, $0x38;
	[tilespmem:$0x1FE00] =	vst v63  }
0x187: {  	_ =	swait.ge [sflag:s7], $0x1000  }
.Ltmp16:
0x188: {  	[sflag:s7] =	ssyncset.done $0x0;
	(pc) =	sbr.rel @!p0 .LBB2_25-.Ltmp16, $4  }
0x189: {  	[sflag:s7] =	ssyncadd.s32 $0xFFFFF000  }
0x18a: {  	[spmem:s13] =	stream.linear.scatter [tilespmem:s25], [sflag:$0x5], $0x800, $0x38;
	[tilespmem:$0x1FE00] =	vst v63  }
0x18b: {  	s5 =	simm.s32 $0x0;
	s6 =	simm.s32 $0x18E00;
	s0 =	rddreg [dreg:$0x17]  }
0x18c: {  	[spmem:s0] =	stream.linear.scatter [tilespmem:s25], [sflag:$0x5], $0x800, $0x38;
	[tilespmem:$0x1FE00] =	vst v63  }
0x18d: {  	v2 =	vld [tilespmem:s6+$0x0];
	s26 =	simm.s32 $0x80  }
.LBB2_29:
0x18e: {  	p1 =	sne.s32 s26, $0x3F80;
	_ =	sdelay $0x3  }
0x18f: {  	v3 =	vshra.s32 v2, $0x1;
	v4 =	vmul.f32 $5.000000000e-01, v2  }
0x190: {  	v3 =	vsub.s32 $0x5F3759DF, v3  }
0x191: {  	v5 =	vmul.f32 v3, v4;
	_ =	sdelay $0x1  }
0x192: {  	v5 =	vmul.f32 v3, v5;
	_ =	sdelay $0x1  }
0x193: {  	v5 =	vsub.f32 $1.500000000e+00, v5;
	_ =	sdelay $0x1  }
0x194: {  	v3 =	vmul.f32 v3, v5;
	_ =	sdelay $0x1  }
0x195: {  	v5 =	vmul.f32 v3, v4;
	_ =	sdelay $0x1  }
0x196: {  	v5 =	vmul.f32 v5, v3;
	_ =	sdelay $0x1  }
0x197: {  	v5 =	vsub.f32 $1.500000000e+00, v5;
	_ =	sdelay $0x1  }
0x198: {  	v3 =	vmul.f32 v5, v3;
	_ =	sdelay $0x1  }
0x199: {  	v4 =	vmul.f32 v3, v4;
	_ =	sdelay $0x1  }
0x19a: {  	s0 =	sshra.s32 s5, $0x2;
	s5 =	smov.u32 s26;
	v4 =	vmul.f32 v4, v3  }
0x19b: {  	v5 =	vld [tilespmem:s0+$0x16600]  }
0x19c: {  	v4 =	vsub.f32 $1.500000000e+00, v4;
	v6 =	vld [tilespmem:s0+$0x1BE00]  }
0x19d: {  	v7 =	vld [tilespmem:s0+$0x16610]  }
0x19e: {  	v3 =	vmul.f32 v4, v3;
	v4 =	vld [tilespmem:s0+$0x1BE10];
	_ =	sdelay $0x1  }
0x19f: {  	v2 =	vmul.f32 v3, v2;
	v3 =	vmul.f32 $8.999999760e-01, v3;
	_ =	sdelay $0x1  }
0x1a0: {  	v5 =	vmul.f32 v3, v5;
	v6 =	vmul.f32 v2, v6  }
0x1a1: {  	v3 =	vmul.f32 v3, v7;
	v2 =	vmul.f32 v2, v4  }
.Ltmp17:
0x1a2: {  	v4 =	vadd.f32 v6, v5;
	(pc) =	sbr.rel @p1 .LBB2_29-.Ltmp17, $4  }
0x1a3: {  	v2 =	vadd.f32 v2, v3  }
0x1a4: {  	[tilespmem:s0+$0x13E00] =	vst v4  }
0x1a5: {  	s6 =	sadd.s32 $0x10, s6;
	[tilespmem:s0+$0x13E10] =	vst v2  }
0x1a6: {  	s26 =	sadd.s32 $0x80, s26;
	v2 =	vld [tilespmem:s6+$0x0]  }
0x1a7: {  	_ =	sdelay $0x3  }
0x1a8: {  	v3 =	vshra.s32 v2, $0x1;
	v4 =	vmul.f32 $5.000000000e-01, v2  }
0x1a9: {  	v3 =	vsub.s32 $0x5F3759DF, v3  }
0x1aa: {  	v5 =	vmul.f32 v3, v4;
	_ =	sdelay $0x1  }
0x1ab: {  	v5 =	vmul.f32 v3, v5;
	_ =	sdelay $0x1  }
0x1ac: {  	v5 =	vsub.f32 $1.500000000e+00, v5;
	_ =	sdelay $0x1  }
0x1ad: {  	v3 =	vmul.f32 v3, v5;
	_ =	sdelay $0x1  }
0x1ae: {  	v5 =	vmul.f32 v3, v4;
	_ =	sdelay $0x1  }
0x1af: {  	v5 =	vmul.f32 v5, v3;
	_ =	sdelay $0x1  }
0x1b0: {  	v5 =	vsub.f32 $1.500000000e+00, v5;
	_ =	sdelay $0x1  }
0x1b1: {  	v3 =	vmul.f32 v5, v3;
	_ =	sdelay $0x1  }
0x1b2: {  	v4 =	vmul.f32 v3, v4;
	_ =	sdelay $0x1  }
0x1b3: {  	s0 =	sshra.s32 s5, $0x2;
	v4 =	vmul.f32 v4, v3  }
0x1b4: {  	v61 =	vld [tilespmem:s0+$0x16600]  }
0x1b5: {  	v6 =	vld [tilespmem:s0+$0x1BE00];
	v4 =	vsub.f32 $1.500000000e+00, v4  }
0x1b6: {  	v7 =	vld [tilespmem:s0+$0x16610]  }
0x1b7: {  	v62 =	vld [tilespmem:s0+$0x1BE10];
	v3 =	vmul.f32 v4, v3;
	_ =	sdelay $0x1  }
0x1b8: {  	v2 =	vmul.f32 v3, v2;
	v3 =	vmul.f32 $8.999999760e-01, v3;
	_ =	sdelay $0x1  }
0x1b9: {  	v5 =	vmul.f32 v3, v61;
	v6 =	vmul.f32 v2, v6  }
0x1ba: {  	v3 =	vmul.f32 v3, v7;
	v2 =	vmul.f32 v2, v62  }
.Ltmp18:
0x1bb: {  	v63 =	vadd.f32 v6, v5;
	(pc) =	sbr.rel .LBB2_31-.Ltmp18, $4  }
0x1bc: {  	v2 =	vadd.f32 v2, v3  }
0x1bd: {  	[tilespmem:s0+$0x13E00] =	vst v63  }
0x1be: {  	s26 =	rddreg [dreg:$0xd];
	[tilespmem:s0+$0x13E10] =	vst v2  }
0x1bf: {  	[hbm4b:s26+s28] =	stream.linear.scatter [tilespmem:s15], [sflag:$0x7], $0x1000, $0x38;
	[tilespmem:$0x1FE00] =	vst v63  }
.LBB2_25:
0x1c0: {  	v2 =	vld [tilespmem:s6+$0x0];
	s0 =	simm.s32 $0x80  }
.LBB2_26:
0x1c1: {  	p1 =	sne.s32 s0, $0x3F80;
	_ =	sdelay $0x3  }
0x1c2: {  	(erf) = vrcp.f32 v2;
	_ =	sdelay $0x4  }
0x1c3: {  	s4 =	sshra.s32 s5, $0x2;
	s5 =	smov.u32 s0  }
0x1c4: {  	v2 =	vld [tilespmem:s4+$0x16600]  }
0x1c5: {  	v3 =	vld [tilespmem:s4+$0x16610]  }
0x1c6: {  	v4 =	vld [tilespmem:s4+$0x1BE00]  }
0x1c7: {  	v5 =	vld [tilespmem:s4+$0x1BE10];
	v6 =	vpop (erf)  }
0x1c8: {  	v6 =	vmul.f32 $8.999999760e-01, v6;
	_ =	sdelay $0x1  }
0x1c9: {  	v2 =	vmul.f32 v6, v2;
	v3 =	vmul.f32 v3, v6;
	_ =	sdelay $0x1  }
.Ltmp19:
0x1ca: {  	v2 =	vadd.f32 v2, v4;
	v3 =	vadd.f32 v5, v3;
	(pc) =	sbr.rel @p1 .LBB2_26-.Ltmp19, $4  }
0x1cb: {  	_ = 	snop  }
0x1cc: {  	[tilespmem:s4+$0x13E00] =	vst v2  }
0x1cd: {  	s6 =	sadd.s32 $0x10, s6;
	[tilespmem:s4+$0x13E10] =	vst v3  }
0x1ce: {  	s0 =	sadd.s32 $0x80, s0;
	v2 =	vld [tilespmem:s6+$0x0]  }
0x1cf: {  	_ =	sdelay $0x3  }
0x1d0: {  	(erf) = vrcp.f32 v2;
	_ =	sdelay $0x5  }
0x1d1: {  	s0 =	sshra.s32 s5, $0x2  }
0x1d2: {  	v2 =	vld [tilespmem:s0+$0x16600]  }
0x1d3: {  	v3 =	vld [tilespmem:s0+$0x16610]  }
0x1d4: {  	v4 =	vld [tilespmem:s0+$0x1BE00];
	v5 =	vpop (erf)  }
0x1d5: {  	v6 =	vld [tilespmem:s0+$0x1BE10];
	v5 =	vmul.f32 $8.999999760e-01, v5;
	_ =	sdelay $0x1  }
0x1d6: {  	v2 =	vmul.f32 v5, v2  }
0x1d7: {  	v3 =	vmul.f32 v3, v5  }
0x1d8: {  	v2 =	vadd.f32 v2, v4  }
0x1d9: {  	v3 =	vadd.f32 v6, v3  }
0x1da: {  	[tilespmem:s0+$0x13E00] =	vst v2  }
0x1db: {  	[tilespmem:s0+$0x13E10] =	vst v3  }
0x1dc: {  	[spmem:s31] =	stream.linear.scatter [tilespmem:s15], [sflag:$0x7], $0x1000, $0x38;
	[tilespmem:$0x1FE00] =	vst v63  }
.LBB2_31:
0x1dd: {  	[tilespmem:s14], [sflag:$0x8] =	stream.linear.gather [spmem:s16], $0x1000, $0x38;
	[tilespmem:$0x1FE00] =	vst v63  }
0x1de: {  	_ =	swait.ge [sflag:s7], $0x1000  }
0x1df: {  	[sflag:s7] =	ssyncset.done $0x0  }
0x1e0: {  	[sflag:s7] =	ssyncadd.s32 $0xFFFFF000  }
0x1e1: {  	[spmem:s16] =	stream.linear.scatter [tilespmem:s25], [sflag:$0x5], $0x800, $0x38;
	[tilespmem:$0x1FE00] =	vst v63  }
.Ltmp20:
0x1e2: {  	s0 =	rddreg [dreg:$0x18];
	(pc) =	sbr.rel @!p0 .LBB2_32-.Ltmp20, $4  }
0x1e3: {  	[spmem:s0] =	stream.linear.scatter [tilespmem:s25], [sflag:$0x5], $0x800, $0x38;
	[tilespmem:$0x1FE00] =	vst v63  }
0x1e4: {  	_ =	swait.ge [sflag:s22], $0x1000  }
0x1e5: {  	[sflag:s22] =	ssyncset.done $0x0  }
0x1e6: {  	s5 =	simm.s32 $0x0;
	s6 =	simm.s32 $0x19600;
	[sflag:s22] =	ssyncadd.s32 $0xFFFFF000  }
0x1e7: {  	v2 =	vld [tilespmem:s6+$0x0];
	s26 =	simm.s32 $0x80  }
.LBB2_36:
0x1e8: {  	p1 =	sne.s32 s26, $0x3F80;
	_ =	sdelay $0x3  }
0x1e9: {  	v3 =	vshra.s32 v2, $0x1;
	v4 =	vmul.f32 $5.000000000e-01, v2  }
0x1ea: {  	v3 =	vsub.s32 $0x5F3759DF, v3  }
0x1eb: {  	v5 =	vmul.f32 v3, v4;
	_ =	sdelay $0x1  }
0x1ec: {  	v5 =	vmul.f32 v3, v5;
	_ =	sdelay $0x1  }
0x1ed: {  	v5 =	vsub.f32 $1.500000000e+00, v5;
	_ =	sdelay $0x1  }
0x1ee: {  	v3 =	vmul.f32 v3, v5;
	_ =	sdelay $0x1  }
0x1ef: {  	v5 =	vmul.f32 v3, v4;
	_ =	sdelay $0x1  }
0x1f0: {  	v5 =	vmul.f32 v5, v3;
	_ =	sdelay $0x1  }
0x1f1: {  	v5 =	vsub.f32 $1.500000000e+00, v5;
	_ =	sdelay $0x1  }
0x1f2: {  	v3 =	vmul.f32 v5, v3;
	_ =	sdelay $0x1  }
0x1f3: {  	v4 =	vmul.f32 v3, v4;
	_ =	sdelay $0x1  }
0x1f4: {  	s0 =	sshra.s32 s5, $0x2;
	s5 =	smov.u32 s26;
	v4 =	vmul.f32 v4, v3  }
0x1f5: {  	v5 =	vld [tilespmem:s0+$0x16600]  }
0x1f6: {  	v4 =	vsub.f32 $1.500000000e+00, v4;
	v6 =	vld [tilespmem:s0+$0x1CE00]  }
0x1f7: {  	v7 =	vld [tilespmem:s0+$0x16610]  }
0x1f8: {  	v3 =	vmul.f32 v4, v3;
	v4 =	vld [tilespmem:s0+$0x1CE10];
	_ =	sdelay $0x1  }
0x1f9: {  	v2 =	vmul.f32 v3, v2;
	v3 =	vmul.f32 $8.999999760e-01, v3;
	_ =	sdelay $0x1  }
0x1fa: {  	v5 =	vmul.f32 v3, v5;
	v6 =	vmul.f32 v2, v6  }
0x1fb: {  	v3 =	vmul.f32 v3, v7;
	v2 =	vmul.f32 v2, v4  }
.Ltmp21:
0x1fc: {  	v4 =	vadd.f32 v6, v5;
	(pc) =	sbr.rel @p1 .LBB2_36-.Ltmp21, $4  }
0x1fd: {  	v2 =	vadd.f32 v2, v3  }
0x1fe: {  	[tilespmem:s0+$0x17600] =	vst v4  }
0x1ff: {  	s6 =	sadd.s32 $0x10, s6;
	[tilespmem:s0+$0x17610] =	vst v2  }
0x200: {  	s26 =	sadd.s32 $0x80, s26;
	v2 =	vld [tilespmem:s6+$0x0]  }
0x201: {  	_ =	sdelay $0x3  }
0x202: {  	v3 =	vshra.s32 v2, $0x1;
	v4 =	vmul.f32 $5.000000000e-01, v2  }
0x203: {  	v3 =	vsub.s32 $0x5F3759DF, v3  }
0x204: {  	v5 =	vmul.f32 v3, v4;
	_ =	sdelay $0x1  }
0x205: {  	v5 =	vmul.f32 v3, v5;
	_ =	sdelay $0x1  }
0x206: {  	v5 =	vsub.f32 $1.500000000e+00, v5;
	_ =	sdelay $0x1  }
0x207: {  	v3 =	vmul.f32 v3, v5;
	_ =	sdelay $0x1  }
0x208: {  	v5 =	vmul.f32 v3, v4;
	_ =	sdelay $0x1  }
0x209: {  	v5 =	vmul.f32 v5, v3;
	_ =	sdelay $0x1  }
0x20a: {  	v5 =	vsub.f32 $1.500000000e+00, v5;
	_ =	sdelay $0x1  }
0x20b: {  	v3 =	vmul.f32 v5, v3;
	_ =	sdelay $0x1  }
0x20c: {  	v4 =	vmul.f32 v3, v4;
	_ =	sdelay $0x1  }
0x20d: {  	s0 =	sshra.s32 s5, $0x2;
	v4 =	vmul.f32 v4, v3  }
0x20e: {  	v61 =	vld [tilespmem:s0+$0x16600]  }
0x20f: {  	v6 =	vld [tilespmem:s0+$0x1CE00];
	v4 =	vsub.f32 $1.500000000e+00, v4  }
0x210: {  	v7 =	vld [tilespmem:s0+$0x16610]  }
0x211: {  	v62 =	vld [tilespmem:s0+$0x1CE10];
	v3 =	vmul.f32 v4, v3;
	_ =	sdelay $0x1  }
0x212: {  	v2 =	vmul.f32 v3, v2;
	v3 =	vmul.f32 $8.999999760e-01, v3;
	_ =	sdelay $0x1  }
0x213: {  	v5 =	vmul.f32 v3, v61;
	v6 =	vmul.f32 v2, v6  }
0x214: {  	v3 =	vmul.f32 v3, v7;
	v2 =	vmul.f32 v2, v62  }
.Ltmp22:
0x215: {  	v63 =	vadd.f32 v6, v5;
	(pc) =	sbr.rel .LBB2_38-.Ltmp22, $4  }
0x216: {  	v2 =	vadd.f32 v2, v3  }
0x217: {  	[tilespmem:s0+$0x17600] =	vst v63  }
0x218: {  	s26 =	rddreg [dreg:$0xf];
	[tilespmem:s0+$0x17610] =	vst v2  }
0x219: {  	[hbm4b:s26+s28] =	stream.linear.scatter [tilespmem:s11], [sflag:$0x6], $0x1000, $0x38;
	[tilespmem:$0x1FE00] =	vst v63  }
.LBB2_32:
0x21a: {  	v2 =	vld [tilespmem:s6+$0x0];
	s0 =	simm.s32 $0x80  }
.LBB2_33:
0x21b: {  	p1 =	sne.s32 s0, $0x3F80;
	_ =	sdelay $0x3  }
0x21c: {  	(erf) = vrcp.f32 v2;
	_ =	sdelay $0x4  }
0x21d: {  	s4 =	sshra.s32 s5, $0x2;
	s5 =	smov.u32 s0  }
0x21e: {  	v2 =	vld [tilespmem:s4+$0x16600]  }
0x21f: {  	v3 =	vld [tilespmem:s4+$0x16610]  }
0x220: {  	v4 =	vld [tilespmem:s4+$0x1CE00]  }
0x221: {  	v5 =	vld [tilespmem:s4+$0x1CE10];
	v6 =	vpop (erf)  }
0x222: {  	v6 =	vmul.f32 $8.999999760e-01, v6;
	_ =	sdelay $0x1  }
0x223: {  	v2 =	vmul.f32 v6, v2;
	v3 =	vmul.f32 v3, v6;
	_ =	sdelay $0x1  }
.Ltmp23:
0x224: {  	v2 =	vadd.f32 v2, v4;
	v3 =	vadd.f32 v5, v3;
	(pc) =	sbr.rel @p1 .LBB2_33-.Ltmp23, $4  }
0x225: {  	_ = 	snop  }
0x226: {  	[tilespmem:s4+$0x17600] =	vst v2  }
0x227: {  	s6 =	sadd.s32 $0x10, s6;
	[tilespmem:s4+$0x17610] =	vst v3  }
0x228: {  	s0 =	sadd.s32 $0x80, s0;
	v2 =	vld [tilespmem:s6+$0x0]  }
0x229: {  	_ =	sdelay $0x3  }
0x22a: {  	(erf) = vrcp.f32 v2;
	_ =	sdelay $0x5  }
0x22b: {  	s0 =	sshra.s32 s5, $0x2  }
0x22c: {  	v2 =	vld [tilespmem:s0+$0x16600]  }
0x22d: {  	v3 =	vld [tilespmem:s0+$0x16610]  }
0x22e: {  	v4 =	vld [tilespmem:s0+$0x1CE00];
	v5 =	vpop (erf)  }
0x22f: {  	v6 =	vld [tilespmem:s0+$0x1CE10];
	v5 =	vmul.f32 $8.999999760e-01, v5;
	_ =	sdelay $0x1  }
0x230: {  	v2 =	vmul.f32 v5, v2  }
0x231: {  	v3 =	vmul.f32 v3, v5  }
0x232: {  	v2 =	vadd.f32 v2, v4  }
0x233: {  	v3 =	vadd.f32 v6, v3  }
0x234: {  	[tilespmem:s0+$0x17600] =	vst v2  }
0x235: {  	s26 =	rddreg [dreg:$0xe];
	[tilespmem:s0+$0x17610] =	vst v3  }
0x236: {  	[spmem:s26] =	stream.linear.scatter [tilespmem:s11], [sflag:$0x6], $0x1000, $0x38;
	[tilespmem:$0x1FE00] =	vst v63  }
.LBB2_38:
0x237: {  	[tilespmem:s14], [sflag:$0x8] =	stream.linear.gather [spmem:s19], $0x1000, $0x38;
	[tilespmem:$0x1FE00] =	vst v63  }
0x238: {  	_ =	swait.ge [sflag:s7], $0x1000  }
0x239: {  	[sflag:s7] =	ssyncset.done $0x0  }
0x23a: {  	[sflag:s7] =	ssyncadd.s32 $0xFFFFF000  }
0x23b: {  	[spmem:s19] =	stream.linear.scatter [tilespmem:s25], [sflag:$0x5], $0x800, $0x38;
	[tilespmem:$0x1FE00] =	vst v63  }
.Ltmp24:
0x23c: {  	s0 =	rddreg [dreg:$0x19];
	(pc) =	sbr.rel @!p0 .LBB2_39-.Ltmp24, $4  }
0x23d: {  	[spmem:s0] =	stream.linear.scatter [tilespmem:s25], [sflag:$0x5], $0x800, $0x38;
	[tilespmem:$0x1FE00] =	vst v63  }
0x23e: {  	_ =	swait.ge [sflag:s24], $0x1000  }
0x23f: {  	[sflag:s24] =	ssyncset.done $0x0  }
0x240: {  	s5 =	simm.s32 $0x0;
	s6 =	simm.s32 $0x19E00;
	[sflag:s24] =	ssyncadd.s32 $0xFFFFF000  }
0x241: {  	v2 =	vld [tilespmem:s6+$0x0];
	s26 =	simm.s32 $0x80  }
.LBB2_43:
0x242: {  	p1 =	sne.s32 s26, $0x3F80;
	_ =	sdelay $0x3  }
0x243: {  	v3 =	vshra.s32 v2, $0x1;
	v4 =	vmul.f32 $5.000000000e-01, v2  }
0x244: {  	v3 =	vsub.s32 $0x5F3759DF, v3  }
0x245: {  	v5 =	vmul.f32 v3, v4;
	_ =	sdelay $0x1  }
0x246: {  	v5 =	vmul.f32 v3, v5;
	_ =	sdelay $0x1  }
0x247: {  	v5 =	vsub.f32 $1.500000000e+00, v5;
	_ =	sdelay $0x1  }
0x248: {  	v3 =	vmul.f32 v3, v5;
	_ =	sdelay $0x1  }
0x249: {  	v5 =	vmul.f32 v3, v4;
	_ =	sdelay $0x1  }
0x24a: {  	v5 =	vmul.f32 v5, v3;
	_ =	sdelay $0x1  }
0x24b: {  	v5 =	vsub.f32 $1.500000000e+00, v5;
	_ =	sdelay $0x1  }
0x24c: {  	v3 =	vmul.f32 v5, v3;
	_ =	sdelay $0x1  }
0x24d: {  	v4 =	vmul.f32 v3, v4;
	_ =	sdelay $0x1  }
0x24e: {  	s0 =	sshra.s32 s5, $0x2;
	s5 =	smov.u32 s26;
	v4 =	vmul.f32 v4, v3  }
0x24f: {  	v5 =	vld [tilespmem:s0+$0x16600]  }
0x250: {  	v4 =	vsub.f32 $1.500000000e+00, v4;
	v6 =	vld [tilespmem:s0+$0x1DE00]  }
0x251: {  	v7 =	vld [tilespmem:s0+$0x16610]  }
0x252: {  	v3 =	vmul.f32 v4, v3;
	v4 =	vld [tilespmem:s0+$0x1DE10];
	_ =	sdelay $0x1  }
0x253: {  	v2 =	vmul.f32 v3, v2;
	v3 =	vmul.f32 $8.999999760e-01, v3;
	_ =	sdelay $0x1  }
0x254: {  	v5 =	vmul.f32 v3, v5;
	v6 =	vmul.f32 v2, v6  }
0x255: {  	v3 =	vmul.f32 v3, v7;
	v2 =	vmul.f32 v2, v4  }
.Ltmp25:
0x256: {  	v4 =	vadd.f32 v6, v5;
	(pc) =	sbr.rel @p1 .LBB2_43-.Ltmp25, $4  }
0x257: {  	v2 =	vadd.f32 v2, v3  }
0x258: {  	[tilespmem:s0+$0x13E00] =	vst v4  }
0x259: {  	s6 =	sadd.s32 $0x10, s6;
	[tilespmem:s0+$0x13E10] =	vst v2  }
0x25a: {  	s26 =	sadd.s32 $0x80, s26;
	v2 =	vld [tilespmem:s6+$0x0]  }
0x25b: {  	_ =	sdelay $0x3  }
0x25c: {  	v3 =	vshra.s32 v2, $0x1;
	v4 =	vmul.f32 $5.000000000e-01, v2  }
0x25d: {  	v3 =	vsub.s32 $0x5F3759DF, v3  }
0x25e: {  	v5 =	vmul.f32 v3, v4;
	_ =	sdelay $0x1  }
0x25f: {  	v5 =	vmul.f32 v3, v5;
	_ =	sdelay $0x1  }
0x260: {  	v5 =	vsub.f32 $1.500000000e+00, v5;
	_ =	sdelay $0x1  }
0x261: {  	v3 =	vmul.f32 v3, v5;
	_ =	sdelay $0x1  }
0x262: {  	v5 =	vmul.f32 v3, v4;
	_ =	sdelay $0x1  }
0x263: {  	v5 =	vmul.f32 v5, v3;
	_ =	sdelay $0x1  }
0x264: {  	v5 =	vsub.f32 $1.500000000e+00, v5;
	_ =	sdelay $0x1  }
0x265: {  	v3 =	vmul.f32 v5, v3;
	_ =	sdelay $0x1  }
0x266: {  	v4 =	vmul.f32 v3, v4;
	_ =	sdelay $0x1  }
0x267: {  	s0 =	sshra.s32 s5, $0x2;
	v4 =	vmul.f32 v4, v3  }
0x268: {  	v61 =	vld [tilespmem:s0+$0x16600]  }
0x269: {  	v6 =	vld [tilespmem:s0+$0x1DE00];
	v4 =	vsub.f32 $1.500000000e+00, v4  }
0x26a: {  	v7 =	vld [tilespmem:s0+$0x16610]  }
0x26b: {  	v62 =	vld [tilespmem:s0+$0x1DE10];
	v3 =	vmul.f32 v4, v3;
	_ =	sdelay $0x1  }
0x26c: {  	v2 =	vmul.f32 v3, v2;
	v3 =	vmul.f32 $8.999999760e-01, v3;
	_ =	sdelay $0x1  }
0x26d: {  	v5 =	vmul.f32 v3, v61;
	v6 =	vmul.f32 v2, v6  }
0x26e: {  	v3 =	vmul.f32 v3, v7;
	v2 =	vmul.f32 v2, v62  }
.Ltmp26:
0x26f: {  	v63 =	vadd.f32 v6, v5;
	(pc) =	sbr.rel .LBB2_45-.Ltmp26, $4  }
0x270: {  	v2 =	vadd.f32 v2, v3  }
0x271: {  	[tilespmem:s0+$0x13E00] =	vst v63  }
0x272: {  	s26 =	rddreg [dreg:$0x11];
	[tilespmem:s0+$0x13E10] =	vst v2  }
0x273: {  	[hbm4b:s26+s28] =	stream.linear.scatter [tilespmem:s15], [sflag:$0x7], $0x1000, $0x38;
	[tilespmem:$0x1FE00] =	vst v63  }
.LBB2_39:
0x274: {  	v2 =	vld [tilespmem:s6+$0x0];
	s0 =	simm.s32 $0x80  }
.LBB2_40:
0x275: {  	p1 =	sne.s32 s0, $0x3F80;
	_ =	sdelay $0x3  }
0x276: {  	(erf) = vrcp.f32 v2;
	_ =	sdelay $0x4  }
0x277: {  	s4 =	sshra.s32 s5, $0x2;
	s5 =	smov.u32 s0  }
0x278: {  	v2 =	vld [tilespmem:s4+$0x16600]  }
0x279: {  	v3 =	vld [tilespmem:s4+$0x16610]  }
0x27a: {  	v4 =	vld [tilespmem:s4+$0x1DE00]  }
0x27b: {  	v5 =	vld [tilespmem:s4+$0x1DE10];
	v6 =	vpop (erf)  }
0x27c: {  	v6 =	vmul.f32 $8.999999760e-01, v6;
	_ =	sdelay $0x1  }
0x27d: {  	v2 =	vmul.f32 v6, v2;
	v3 =	vmul.f32 v3, v6;
	_ =	sdelay $0x1  }
.Ltmp27:
0x27e: {  	v2 =	vadd.f32 v2, v4;
	v3 =	vadd.f32 v5, v3;
	(pc) =	sbr.rel @p1 .LBB2_40-.Ltmp27, $4  }
0x27f: {  	_ = 	snop  }
0x280: {  	[tilespmem:s4+$0x13E00] =	vst v2  }
0x281: {  	s6 =	sadd.s32 $0x10, s6;
	[tilespmem:s4+$0x13E10] =	vst v3  }
0x282: {  	s0 =	sadd.s32 $0x80, s0;
	v2 =	vld [tilespmem:s6+$0x0]  }
0x283: {  	_ =	sdelay $0x3  }
0x284: {  	(erf) = vrcp.f32 v2;
	_ =	sdelay $0x5  }
0x285: {  	s0 =	sshra.s32 s5, $0x2  }
0x286: {  	v2 =	vld [tilespmem:s0+$0x16600]  }
0x287: {  	v3 =	vld [tilespmem:s0+$0x16610]  }
0x288: {  	v4 =	vld [tilespmem:s0+$0x1DE00];
	v5 =	vpop (erf)  }
0x289: {  	v6 =	vld [tilespmem:s0+$0x1DE10];
	v5 =	vmul.f32 $8.999999760e-01, v5;
	_ =	sdelay $0x1  }
0x28a: {  	v2 =	vmul.f32 v5, v2  }
0x28b: {  	v3 =	vmul.f32 v3, v5  }
0x28c: {  	v2 =	vadd.f32 v2, v4  }
0x28d: {  	v3 =	vadd.f32 v6, v3  }
0x28e: {  	[tilespmem:s0+$0x13E00] =	vst v2  }
0x28f: {  	s26 =	rddreg [dreg:$0x10];
	[tilespmem:s0+$0x13E10] =	vst v3  }
0x290: {  	[spmem:s26] =	stream.linear.scatter [tilespmem:s15], [sflag:$0x7], $0x1000, $0x38;
	[tilespmem:$0x1FE00] =	vst v63  }
.LBB2_45:
0x291: {  	[tilespmem:s14], [sflag:$0x8] =	stream.linear.gather [spmem:s23], $0x1000, $0x38;
	[tilespmem:$0x1FE00] =	vst v63  }
0x292: {  	_ =	swait.ge [sflag:s7], $0x1000  }
0x293: {  	[sflag:s7] =	ssyncset.done $0x0  }
0x294: {  	[sflag:s7] =	ssyncadd.s32 $0xFFFFF000  }
0x295: {  	[spmem:s23] =	stream.linear.scatter [tilespmem:s25], [sflag:$0x5], $0x800, $0x38;
	[tilespmem:$0x1FE00] =	vst v63  }
.Ltmp28:
0x296: {  	s0 =	rddreg [dreg:$0x1a];
	(pc) =	sbr.rel @!p0 .LBB2_46-.Ltmp28, $4  }
0x297: {  	[spmem:s0] =	stream.linear.scatter [tilespmem:s25], [sflag:$0x5], $0x800, $0x38;
	[tilespmem:$0x1FE00] =	vst v63  }
0x298: {  	_ =	swait.ge [sflag:s22], $0x1000  }
0x299: {  	[sflag:s22] =	ssyncset.done $0x0  }
0x29a: {  	s5 =	simm.s32 $0x0;
	s6 =	simm.s32 $0x1A600;
	[sflag:s22] =	ssyncadd.s32 $0xFFFFF000  }
0x29b: {  	v2 =	vld [tilespmem:s6+$0x0];
	s26 =	simm.s32 $0x80  }
.LBB2_50:
0x29c: {  	p0 =	sne.s32 s26, $0x3F80;
	_ =	sdelay $0x3  }
0x29d: {  	v3 =	vshra.s32 v2, $0x1;
	v4 =	vmul.f32 $5.000000000e-01, v2  }
0x29e: {  	v3 =	vsub.s32 $0x5F3759DF, v3  }
0x29f: {  	v5 =	vmul.f32 v3, v4;
	_ =	sdelay $0x1  }
0x2a0: {  	v5 =	vmul.f32 v3, v5;
	_ =	sdelay $0x1  }
0x2a1: {  	v5 =	vsub.f32 $1.500000000e+00, v5;
	_ =	sdelay $0x1  }
0x2a2: {  	v3 =	vmul.f32 v3, v5;
	_ =	sdelay $0x1  }
0x2a3: {  	v5 =	vmul.f32 v3, v4;
	_ =	sdelay $0x1  }
0x2a4: {  	v5 =	vmul.f32 v5, v3;
	_ =	sdelay $0x1  }
0x2a5: {  	v5 =	vsub.f32 $1.500000000e+00, v5;
	_ =	sdelay $0x1  }
0x2a6: {  	v3 =	vmul.f32 v5, v3;
	_ =	sdelay $0x1  }
0x2a7: {  	v4 =	vmul.f32 v3, v4;
	_ =	sdelay $0x1  }
0x2a8: {  	s0 =	sshra.s32 s5, $0x2;
	s5 =	smov.u32 s26;
	v4 =	vmul.f32 v4, v3  }
0x2a9: {  	v5 =	vld [tilespmem:s0+$0x16600]  }
0x2aa: {  	v4 =	vsub.f32 $1.500000000e+00, v4;
	v6 =	vld [tilespmem:s0+$0x1EE00]  }
0x2ab: {  	v7 =	vld [tilespmem:s0+$0x16610]  }
0x2ac: {  	v3 =	vmul.f32 v4, v3;
	v4 =	vld [tilespmem:s0+$0x1EE10];
	_ =	sdelay $0x1  }
0x2ad: {  	v2 =	vmul.f32 v3, v2;
	v3 =	vmul.f32 $8.999999760e-01, v3;
	_ =	sdelay $0x1  }
0x2ae: {  	v5 =	vmul.f32 v3, v5;
	v6 =	vmul.f32 v2, v6  }
0x2af: {  	v3 =	vmul.f32 v3, v7;
	v2 =	vmul.f32 v2, v4  }
.Ltmp29:
0x2b0: {  	v4 =	vadd.f32 v6, v5;
	(pc) =	sbr.rel @p0 .LBB2_50-.Ltmp29, $4  }
0x2b1: {  	v2 =	vadd.f32 v2, v3  }
0x2b2: {  	[tilespmem:s0+$0x17600] =	vst v4  }
0x2b3: {  	s6 =	sadd.s32 $0x10, s6;
	[tilespmem:s0+$0x17610] =	vst v2  }
0x2b4: {  	s26 =	sadd.s32 $0x80, s26;
	v2 =	vld [tilespmem:s6+$0x0]  }
0x2b5: {  	_ =	sdelay $0x3  }
0x2b6: {  	v3 =	vshra.s32 v2, $0x1;
	v4 =	vmul.f32 $5.000000000e-01, v2  }
0x2b7: {  	v3 =	vsub.s32 $0x5F3759DF, v3  }
0x2b8: {  	v5 =	vmul.f32 v3, v4;
	_ =	sdelay $0x1  }
0x2b9: {  	v5 =	vmul.f32 v3, v5;
	_ =	sdelay $0x1  }
0x2ba: {  	v5 =	vsub.f32 $1.500000000e+00, v5;
	_ =	sdelay $0x1  }
0x2bb: {  	v3 =	vmul.f32 v3, v5;
	_ =	sdelay $0x1  }
0x2bc: {  	v5 =	vmul.f32 v3, v4;
	_ =	sdelay $0x1  }
0x2bd: {  	v5 =	vmul.f32 v5, v3;
	_ =	sdelay $0x1  }
0x2be: {  	v5 =	vsub.f32 $1.500000000e+00, v5;
	_ =	sdelay $0x1  }
0x2bf: {  	v3 =	vmul.f32 v5, v3;
	_ =	sdelay $0x1  }
0x2c0: {  	v4 =	vmul.f32 v3, v4;
	_ =	sdelay $0x1  }
0x2c1: {  	s0 =	sshra.s32 s5, $0x2;
	v4 =	vmul.f32 v4, v3  }
0x2c2: {  	v61 =	vld [tilespmem:s0+$0x16600]  }
0x2c3: {  	v6 =	vld [tilespmem:s0+$0x1EE00];
	v4 =	vsub.f32 $1.500000000e+00, v4  }
0x2c4: {  	v7 =	vld [tilespmem:s0+$0x16610]  }
0x2c5: {  	v62 =	vld [tilespmem:s0+$0x1EE10];
	v3 =	vmul.f32 v4, v3;
	_ =	sdelay $0x1  }
0x2c6: {  	v2 =	vmul.f32 v3, v2;
	v3 =	vmul.f32 $8.999999760e-01, v3;
	_ =	sdelay $0x1  }
0x2c7: {  	v5 =	vmul.f32 v3, v61;
	v6 =	vmul.f32 v2, v6  }
0x2c8: {  	v3 =	vmul.f32 v3, v7;
	v2 =	vmul.f32 v2, v62  }
.Ltmp30:
0x2c9: {  	v63 =	vadd.f32 v6, v5;
	(pc) =	sbr.rel .LBB2_52-.Ltmp30, $4  }
0x2ca: {  	v2 =	vadd.f32 v2, v3  }
0x2cb: {  	[tilespmem:s0+$0x17600] =	vst v63  }
0x2cc: {  	s26 =	rddreg [dreg:$0x12];
	[tilespmem:s0+$0x17610] =	vst v2  }
0x2cd: {  	[hbm4b:s26+s28] =	stream.linear.scatter [tilespmem:s11], [sflag:$0x6], $0x1000, $0x38;
	[tilespmem:$0x1FE00] =	vst v63  }
.LBB2_46:
0x2ce: {  	v2 =	vld [tilespmem:s6+$0x0];
	s0 =	simm.s32 $0x80  }
.LBB2_47:
0x2cf: {  	p0 =	sne.s32 s0, $0x3F80;
	_ =	sdelay $0x3  }
0x2d0: {  	(erf) = vrcp.f32 v2;
	_ =	sdelay $0x4  }
0x2d1: {  	s4 =	sshra.s32 s5, $0x2;
	s5 =	smov.u32 s0  }
0x2d2: {  	v2 =	vld [tilespmem:s4+$0x16600]  }
0x2d3: {  	v3 =	vld [tilespmem:s4+$0x16610]  }
0x2d4: {  	v4 =	vld [tilespmem:s4+$0x1EE00]  }
0x2d5: {  	v5 =	vld [tilespmem:s4+$0x1EE10];
	v6 =	vpop (erf)  }
0x2d6: {  	v6 =	vmul.f32 $8.999999760e-01, v6;
	_ =	sdelay $0x1  }
0x2d7: {  	v2 =	vmul.f32 v6, v2;
	v3 =	vmul.f32 v3, v6;
	_ =	sdelay $0x1  }
.Ltmp31:
0x2d8: {  	v2 =	vadd.f32 v2, v4;
	v3 =	vadd.f32 v5, v3;
	(pc) =	sbr.rel @p0 .LBB2_47-.Ltmp31, $4  }
0x2d9: {  	_ = 	snop  }
0x2da: {  	[tilespmem:s4+$0x17600] =	vst v2  }
0x2db: {  	s6 =	sadd.s32 $0x10, s6;
	[tilespmem:s4+$0x17610] =	vst v3  }
0x2dc: {  	s0 =	sadd.s32 $0x80, s0;
	v2 =	vld [tilespmem:s6+$0x0]  }
0x2dd: {  	_ =	sdelay $0x3  }
0x2de: {  	(erf) = vrcp.f32 v2;
	_ =	sdelay $0x5  }
0x2df: {  	s0 =	sshra.s32 s5, $0x2  }
0x2e0: {  	v2 =	vld [tilespmem:s0+$0x16600]  }
0x2e1: {  	v3 =	vld [tilespmem:s0+$0x16610]  }
0x2e2: {  	v4 =	vld [tilespmem:s0+$0x1EE00];
	v5 =	vpop (erf)  }
0x2e3: {  	v6 =	vld [tilespmem:s0+$0x1EE10];
	v5 =	vmul.f32 $8.999999760e-01, v5;
	_ =	sdelay $0x1  }
0x2e4: {  	v2 =	vmul.f32 v5, v2  }
0x2e5: {  	v3 =	vmul.f32 v3, v5  }
.Ltmp32:
0x2e6: {  	v2 =	vadd.f32 v2, v4;
	(pc) =	sbr.rel .LBB2_52-.Ltmp32, $4  }
0x2e7: {  	v3 =	vadd.f32 v6, v3  }
0x2e8: {  	[tilespmem:s0+$0x17600] =	vst v2  }
0x2e9: {  	s26 =	rddreg [dreg:$0x13];
	[tilespmem:s0+$0x17610] =	vst v3  }
0x2ea: {  	[spmem:s26] =	stream.linear.scatter [tilespmem:s11], [sflag:$0x6], $0x1000, $0x38;
	[tilespmem:$0x1FE00] =	vst v63  }
.LBB2_54:
0x2eb: {  	_ =	sfence.sel $0x180000  }
0x2ec: {  	[bflag:$0x0] =	sbarrier.arrive $0xFFFF  }
0x2ed: {  	_ =	strace $0x90000047  }
0x2ee: {  	s0 =	stileid.u32;
	[bflag:$0x2] =	sbarrier.arrive $0xFFFF  }
0x2ef: {  	p0 =	sne.s32 s0, $0x0;
	s0 =	rddreg [dreg:$0x4]  }
0x2f0: {  	s0 =	sadd.s32 @!p0 $0x100000, s0  }
0x2f1: {  	[sflag:s0] =	ssyncadd.tile.s32 @!p0 $0x1;
	_ =	shalt  }
.Lfunc_end2:
_tile_overlayer_lowered:
.L_overlay_start_2:
0x2f2: {  	(tag) =	ssettag $0x2  }
0x2f3: {  	s0 =	rddreg [dreg:$0x0];
	s2 =	stileid.u32  }
0x2f4: {  	s1 =	rddreg [dreg:$0x1];
	p0 =	sne.s32 s2, $0x0  }
0x2f5: {  	s3 =	rddreg [dreg:$0x2];
	[bflag:$0x3] =	sbarrier.arrive $0xFFFF;
	s2 =	simm.s32 @!p0 $0x1C08  }
0x2f6: {  	[timem:s3], [sflag:s2] =	dma.local @!p0 [hbm:s0], s1  }
0x2f7: {  	s0 =	simm.s32 @!p0 $0x8  }
0x2f8: {  	_ =	swait.ge @!p0 [sflag:s0], s1  }
0x2f9: {  	s1 =	ssub.s32 @!p0 $0x0, s1;
	[sflag:s0] =	ssyncset.done @!p0 $0x0  }
0x2fa: {  	[sflag:s0] =	ssyncadd.s32 @!p0 s1  }
0x2fb: {  	[bflag:$0x3] =	sbarrier.arrive $0xFFFF  }
0x2fc: {  	_ =	shalt  }

</sc_bundles>
